<compile_context>
chip_gen: v7x
topology: tpu7x:2x2x1
jax: 0.10.2.dev20260603
libtpu: 0.0.44.dev20260713+nightly
codegen_flags: <defaults>
</compile_context>

<pallas_src>
import jax
import jax.numpy as jnp
from jax.experimental import pallas as pl

LATENT_DIM = 64
NUM_EMBED = 1024
RVQ_LAYERS = 4
BETA = 0.25

TILE = 1024


def _conv(x, w, b, stride):
    y = jax.lax.conv_general_dilated(
        x, w, window_strides=(stride, stride), padding='SAME',
        dimension_numbers=('NHWC', 'HWIO', 'NHWC'))
    return y + b


def _conv_transpose(x, w, b, stride):
    y = jax.lax.conv_transpose(
        x, w, strides=(stride, stride), padding='SAME',
        dimension_numbers=('NHWC', 'HWIO', 'NHWC'))
    return y + b


NCHUNK = 4
CHUNK = TILE // NCHUNK


def _rvq_kernel(z_ref, emb_ref, en_ref, zq_ref, loss_ref):
    i = pl.program_id(0)
    iota = jax.lax.broadcasted_iota(
        jnp.int32, (CHUNK, NUM_EMBED), 1).astype(jnp.float32)

    rs = [z_ref[pl.ds(c * CHUNK, CHUNK), :] for c in range(NCHUNK)]
    qs = [jnp.zeros_like(rs[0]) for _ in range(NCHUNK)]
    for layer in range(RVQ_LAYERS):
        emb = emb_ref[layer]
        en = en_ref[pl.ds(layer, 1), :]
        for c in range(NCHUNK):
            r = rs[c]
            sim = jnp.dot(r, emb, preferred_element_type=jnp.float32)
            rn = jnp.sum(r * r, axis=1, keepdims=True)
            dist = rn + en - 2.0 * sim
            m = jnp.min(dist, axis=1, keepdims=True)
            cand = jnp.where(dist == m, iota, jnp.float32(NUM_EMBED))
            idx = jnp.min(cand, axis=1, keepdims=True)
            idx_lane = jnp.broadcast_to(
                idx.astype(jnp.int32).T, (LATENT_DIM, CHUNK))
            low = idx_lane & 127
            hi = idx_lane >> 7
            updT = jnp.zeros((LATENT_DIM, CHUNK), jnp.float32)
            for j in range(NUM_EMBED // 128):
                gj = jnp.take_along_axis(
                    emb[:, j * 128:(j + 1) * 128], low, axis=1)
                updT = jnp.where(hi == j, gj, updT)
            upd = updT.T
            qs[c] = qs[c] + upd
            rs[c] = r - upd
    for c in range(NCHUNK):
        zq_ref[pl.ds(c * CHUNK, CHUNK), :] = qs[c]
    partial = sum(jnp.sum(r * r) for r in rs).reshape(1, 1)

    @pl.when(i == 0)
    def _init():
        loss_ref[...] = partial

    @pl.when(i != 0)
    def _acc():
        loss_ref[...] += partial


def _fused_rvq(z_flat, embeddings):
    n = z_flat.shape[0]
    grid = n // TILE
    emb_l = jnp.transpose(embeddings, (2, 0, 1))
    en_l = jnp.sum(embeddings * embeddings, axis=0).T

    zq, loss = pl.pallas_call(
        _rvq_kernel,
        grid=(grid,),
        in_specs=[
            pl.BlockSpec((TILE, LATENT_DIM), lambda i: (i, 0)),
            pl.BlockSpec((RVQ_LAYERS, LATENT_DIM, NUM_EMBED),
                         lambda i: (0, 0, 0)),
            pl.BlockSpec((RVQ_LAYERS, NUM_EMBED), lambda i: (0, 0)),
        ],
        out_specs=[
            pl.BlockSpec((TILE, LATENT_DIM), lambda i: (i, 0)),
            pl.BlockSpec((1, 1), lambda i: (0, 0)),
        ],
        out_shape=[
            jax.ShapeDtypeStruct((n, LATENT_DIM), jnp.float32),
            jax.ShapeDtypeStruct((1, 1), jnp.float32),
        ],
    )(z_flat, emb_l, en_l)
    vq_loss = BETA * loss[0, 0] / (n * LATENT_DIM)
    return zq, vq_loss


def kernel(x, enc_w1, enc_b1, enc_w2, enc_b2, enc_w3, enc_b3,
           dec_w1, dec_b1, dec_w2, dec_b2, dec_w3, dec_b3, embeddings):
    h = jax.nn.relu(_conv(x, enc_w1, enc_b1, 2))
    h = jax.nn.relu(_conv(h, enc_w2, enc_b2, 2))
    z = _conv(h, enc_w3, enc_b3, 1)
    b, hh, ww, _ = z.shape
    zq_flat, vq_loss = _fused_rvq(z.reshape(-1, LATENT_DIM), embeddings)
    zq = zq_flat.reshape(b, hh, ww, LATENT_DIM)
    d = jax.nn.relu(_conv_transpose(zq, dec_w1, dec_b1, 2))
    d = jax.nn.relu(_conv_transpose(d, dec_w2, dec_b2, 2))
    recon = _conv_transpose(d, dec_w3, dec_b3, 1)
    return recon, vq_loss

# --- scband reference (transcript-rebuilt; emitter-appended) ---
"""Pipeline reference for scband-rvqvaetrainer-75909251989937 (READ-ONLY COPY).

The authoritative reference and input builder live on the scoring server;
editing this copy changes nothing except your own understanding.
"""

import jax, jax.numpy as jnp
import numpy as np

LATENT_DIM = 64
NUM_EMBED = 1024
RVQ_LAYERS = 4
BETA = 0.25
IN_CH = 3


def _conv(x, w, b, stride):
    # x: [B,H,W,Cin], w: [kh,kw,Cin,Cout]
    y = jax.lax.conv_general_dilated(
        x, w, window_strides=(stride, stride), padding='SAME',
        dimension_numbers=('NHWC', 'HWIO', 'NHWC'))
    return y + b


def _conv_transpose(x, w, b, stride):
    y = jax.lax.conv_transpose(
        x, w, strides=(stride, stride), padding='SAME',
        dimension_numbers=('NHWC', 'HWIO', 'NHWC'))
    return y + b


def setup_inputs(seed: int = 0) -> dict:
    key = jax.random.key(seed)
    ks = jax.random.split(key, 16)
    x = jax.random.uniform(ks[0], (64, 224, 224, IN_CH), dtype=jnp.float32)
    # encoder weights
    enc_w1 = jax.random.normal(ks[1], (3, 3, IN_CH, 32), dtype=jnp.float32) * 0.1
    enc_b1 = jnp.zeros((32,), jnp.float32)
    enc_w2 = jax.random.normal(ks[2], (3, 3, 32, 64), dtype=jnp.float32) * 0.05
    enc_b2 = jnp.zeros((64,), jnp.float32)
    enc_w3 = jax.random.normal(ks[3], (1, 1, 64, LATENT_DIM), dtype=jnp.float32) * 0.1
    enc_b3 = jnp.zeros((LATENT_DIM,), jnp.float32)
    # decoder weights
    dec_w1 = jax.random.normal(ks[4], (3, 3, LATENT_DIM, 64), dtype=jnp.float32) * 0.05
    dec_b1 = jnp.zeros((64,), jnp.float32)
    dec_w2 = jax.random.normal(ks[5], (3, 3, 64, 32), dtype=jnp.float32) * 0.05
    dec_b2 = jnp.zeros((32,), jnp.float32)
    dec_w3 = jax.random.normal(ks[6], (3, 3, 32, IN_CH), dtype=jnp.float32) * 0.05
    dec_b3 = jnp.zeros((IN_CH,), jnp.float32)
    # codebook: [embedding_dim, num_embeddings, rvq_layers]
    embeddings = jax.random.uniform(ks[7], (LATENT_DIM, NUM_EMBED, RVQ_LAYERS),
                                    dtype=jnp.float32, minval=-0.05, maxval=0.05)
    return {
        'x': x,
        'enc_w1': enc_w1, 'enc_b1': enc_b1,
        'enc_w2': enc_w2, 'enc_b2': enc_b2,
        'enc_w3': enc_w3, 'enc_b3': enc_b3,
        'dec_w1': dec_w1, 'dec_b1': dec_b1,
        'dec_w2': dec_w2, 'dec_b2': dec_b2,
        'dec_w3': dec_w3, 'dec_b3': dec_b3,
        'embeddings': embeddings,
    }


def _get_code_indices(flat, emb_layer):
    # flat: [N, D], emb_layer: [D, K]
    similarity = flat @ emb_layer
    distances = (jnp.sum(flat ** 2, axis=1, keepdims=True)
                 + jnp.sum(emb_layer ** 2, axis=0)
                 - 2.0 * similarity)
    return jnp.argmin(distances, axis=1)


def _rvq(z, embeddings):
    # z: [B,h,w,D]
    in_shape = z.shape
    flat = z.reshape(-1, LATENT_DIM)
    quantized = jnp.zeros_like(flat)
    residual = flat
    for layer in range(RVQ_LAYERS):
        emb = embeddings[..., layer]  # [D, K]
        idx = _get_code_indices(residual, emb)
        update = jnp.take(emb.T, idx, axis=0)  # gather codes [N, D]
        quantized = quantized + update
        residual = residual - update
    quantized = quantized.reshape(in_shape)
    commitment_loss = jnp.mean((jax.lax.stop_gradient(quantized) - z) ** 2)
    quantized_st = z + jax.lax.stop_gradient(quantized - z)
    return quantized_st, BETA * commitment_loss


def reference(x, enc_w1, enc_b1, enc_w2, enc_b2, enc_w3, enc_b3,
              dec_w1, dec_b1, dec_w2, dec_b2, dec_w3, dec_b3, embeddings):
    # encoder
    h = jax.nn.relu(_conv(x, enc_w1, enc_b1, 2))
    h = jax.nn.relu(_conv(h, enc_w2, enc_b2, 2))
    z = _conv(h, enc_w3, enc_b3, 1)
    # residual VQ
    zq, vq_loss = _rvq(z, embeddings)
    # decoder
    d = jax.nn.relu(_conv_transpose(zq, dec_w1, dec_b1, 2))
    d = jax.nn.relu(_conv_transpose(d, dec_w2, dec_b2, 2))
    recon = _conv_transpose(d, dec_w3, dec_b3, 1)
    return recon, vq_loss

if __name__ == "__main__":
    import jax
    _d = setup_inputs()
    print(jax.jit(kernel)(*tuple(_d.values())))

</pallas_src>

<mosaic_0001>
module attributes {stable_mosaic.version = 14 : i64} {
  func.func @_rvq_kernel(%arg0: i32, %arg1: memref<1024x64xf32, #tpu.memory_space<vmem>>, %arg2: memref<4x64x1024xf32, #tpu.memory_space<vmem>>, %arg3: memref<4x1024xf32, #tpu.memory_space<vmem>>, %arg4: memref<1024x64xf32, #tpu.memory_space<vmem>>, %arg5: memref<1x1xf32, #tpu.memory_space<vmem>>) attributes {dimension_semantics = [#tpu.dimension_semantics<arbitrary>], iteration_bounds = array<i64: 196>, scalar_prefetch = 0 : i64, scratch_operands = 0 : i64, tpu.core_type = #tpu.core_type<tc>, window_params = [{transform_indices = @transform_0, window_bounds = array<i64: 1024, 64>}, {pipeline_mode = #tpu.pipeline_mode<synchronous>, transform_indices = @transform_1, window_bounds = array<i64: 4, 64, 1024>}, {pipeline_mode = #tpu.pipeline_mode<synchronous>, transform_indices = @transform_2, window_bounds = array<i64: 4, 1024>}, {transform_indices = @transform_3, window_bounds = array<i64: 1024, 64>}, {pipeline_mode = #tpu.pipeline_mode<synchronous>, transform_indices = @transform_4, window_bounds = array<i64: 1, 1>}]} {
    %iota3A = tpu.iota {dimensions = array<i32: 1>} : vector<256x1024xi32>
    %convert_element_type3A = arith.sitofp %iota3A : vector<256x1024xi32> to vector<256x1024xf32>
    %get3A = arith.constant 0 : index
    %get3A_0 = arith.constant 0 : index
    %get3A_1 = vector.load %arg1[%get3A, %get3A_0] : memref<1024x64xf32, #tpu.memory_space<vmem>>, vector<256x64xf32>
    %get3A_2 = arith.constant 256 : index
    %get3A_3 = arith.constant 0 : index
    %get3A_4 = vector.load %arg1[%get3A_2, %get3A_3] : memref<1024x64xf32, #tpu.memory_space<vmem>>, vector<256x64xf32>
    %get3A_5 = arith.constant 512 : index
    %get3A_6 = arith.constant 0 : index
    %get3A_7 = vector.load %arg1[%get3A_5, %get3A_6] : memref<1024x64xf32, #tpu.memory_space<vmem>>, vector<256x64xf32>
    %get3A_8 = arith.constant 768 : index
    %get3A_9 = arith.constant 0 : index
    %get3A_10 = vector.load %arg1[%get3A_8, %get3A_9] : memref<1024x64xf32, #tpu.memory_space<vmem>>, vector<256x64xf32>
    %broadcast_in_dim3A = arith.constant 0.000000e+00 : f32
    %broadcast_in_dim3A_11 = vector.broadcast %broadcast_in_dim3A : f32 to vector<256x64xf32>
    %broadcast_in_dim3A_12 = arith.constant 0.000000e+00 : f32
    %broadcast_in_dim3A_13 = vector.broadcast %broadcast_in_dim3A_12 : f32 to vector<256x64xf32>
    %broadcast_in_dim3A_14 = arith.constant 0.000000e+00 : f32
    %broadcast_in_dim3A_15 = vector.broadcast %broadcast_in_dim3A_14 : f32 to vector<256x64xf32>
    %broadcast_in_dim3A_16 = arith.constant 0.000000e+00 : f32
    %broadcast_in_dim3A_17 = vector.broadcast %broadcast_in_dim3A_16 : f32 to vector<256x64xf32>
    %get3A_18 = arith.constant 0 : index
    %get3A_19 = arith.constant 0 : index
    %get3A_20 = arith.constant 0 : index
    %get3A_21 = vector.load %arg2[%get3A_18, %get3A_19, %get3A_20] : memref<4x64x1024xf32, #tpu.memory_space<vmem>>, vector<1x64x1024xf32>
    %get3A_22 = vector.shape_cast %get3A_21 : vector<1x64x1024xf32> to vector<64x1024xf32>
    %get3A_23 = arith.constant 0 : index
    %get3A_24 = arith.constant 0 : index
    %get3A_25 = vector.load %arg3[%get3A_23, %get3A_24] : memref<4x1024xf32, #tpu.memory_space<vmem>>, vector<1x1024xf32>
    %dot_general3A = arith.constant dense<0.000000e+00> : vector<256x1024xf32>
    %dot_general3A_26 = tpu.matmul %get3A_1, %get3A_22, %dot_general3A {dimension_numbers = #tpu.dot_dimension_numbers<[1], [0], [0], [1], [0, 0, 1, 1], [], []>, transpose_lhs_hint = false} : vector<256x64xf32>, vector<64x1024xf32>, vector<256x1024xf32> -> vector<256x1024xf32>
    %mul3A = arith.mulf %get3A_1, %get3A_1 : vector<256x64xf32>
    %reduce_sum3A = arith.constant dense<0.000000e+00> : vector<256xf32>
    %reduce_sum3A_27 = vector.multi_reduction <add>, %mul3A, %reduce_sum3A [1] : vector<256x64xf32> to vector<256xf32>
    %broadcast_in_dim3A_28 = vector.shape_cast %reduce_sum3A_27 : vector<256xf32> to vector<256x1xf32>
    %add3A = vector.broadcast %broadcast_in_dim3A_28 : vector<256x1xf32> to vector<256x1024xf32>
    %add3A_29 = vector.broadcast %get3A_25 : vector<1x1024xf32> to vector<256x1024xf32>
    %add3A_30 = arith.addf %add3A, %add3A_29 : vector<256x1024xf32>
    %mul3A_31 = arith.constant 2.000000e+00 : f32
    %mul3A_32 = vector.broadcast %mul3A_31 : f32 to vector<256x1024xf32>
    %mul3A_33 = arith.mulf %mul3A_32, %dot_general3A_26 : vector<256x1024xf32>
    %sub3A = arith.subf %add3A_30, %mul3A_33 : vector<256x1024xf32>
    %reduce_min3A = arith.constant dense<0x7F800000> : vector<256xf32>
    %reduce_min3A_34 = vector.multi_reduction <minimumf>, %sub3A, %reduce_min3A [1] : vector<256x1024xf32> to vector<256xf32>
    %broadcast_in_dim3A_35 = vector.shape_cast %reduce_min3A_34 : vector<256xf32> to vector<256x1xf32>
    %eq3A = vector.broadcast %broadcast_in_dim3A_35 : vector<256x1xf32> to vector<256x1024xf32>
    %eq3A_36 = arith.cmpf oeq, %sub3A, %eq3A : vector<256x1024xf32>
    %jit3A = arith.constant 1.024000e+03 : f32
    %broadcast_in_dim3A_37 = vector.broadcast %jit3A : f32 to vector<256x1024xf32>
    %select_n3A = arith.select %eq3A_36, %convert_element_type3A, %broadcast_in_dim3A_37 : vector<256x1024xi1>, vector<256x1024xf32>
    %reduce_min3A_38 = arith.constant dense<0x7F800000> : vector<256xf32>
    %reduce_min3A_39 = vector.multi_reduction <minimumf>, %select_n3A, %reduce_min3A_38 [1] : vector<256x1024xf32> to vector<256xf32>
    %broadcast_in_dim3A_40 = vector.shape_cast %reduce_min3A_39 : vector<256xf32> to vector<256x1xf32>
    %convert_element_type3A_41 = arith.fptosi %broadcast_in_dim3A_40 : vector<256x1xf32> to vector<256x1xi32>
    %transpose3A = tpu.transpose %convert_element_type3A_41, [1, 0] : vector<256x1xi32> -> vector<1x256xi32>
    %broadcast_in_dim3A_42 = vector.shape_cast %transpose3A : vector<1x256xi32> to vector<1x256xi32>
    %broadcast_in_dim3A_43 = vector.broadcast %broadcast_in_dim3A_42 : vector<1x256xi32> to vector<64x256xi32>
    %and3A = arith.constant 127 : i32
    %and3A_44 = vector.broadcast %and3A : i32 to vector<64x256xi32>
    %and3A_45 = arith.andi %broadcast_in_dim3A_43, %and3A_44 : vector<64x256xi32>
    %shift_right_arithmetic3A = arith.constant 7 : i32
    %shift_right_arithmetic3A_46 = vector.broadcast %shift_right_arithmetic3A : i32 to vector<64x256xi32>
    %shift_right_arithmetic3A_47 = arith.shrsi %broadcast_in_dim3A_43, %shift_right_arithmetic3A_46 : vector<64x256xi32>
    %broadcast_in_dim3A_48 = arith.constant 0.000000e+00 : f32
    %broadcast_in_dim3A_49 = vector.broadcast %broadcast_in_dim3A_48 : f32 to vector<64x256xf32>
    %slice3A = vector.extract_strided_slice %get3A_22 {offsets = [0, 0], sizes = [64, 128], strides = [1, 1]} : vector<64x1024xf32> to vector<64x128xf32>
    %lt3A = arith.constant 0 : i32
    %lt3A_50 = vector.broadcast %lt3A : i32 to vector<64x256xi32>
    %lt3A_51 = arith.cmpi slt, %and3A_45, %lt3A_50 : vector<64x256xi32>
    %add3A_52 = arith.constant 128 : i32
    %add3A_53 = vector.broadcast %add3A_52 : i32 to vector<64x256xi32>
    %add3A_54 = arith.addi %and3A_45, %add3A_53 : vector<64x256xi32>
    %select_n3A_55 = arith.select %lt3A_51, %add3A_54, %and3A_45 : vector<64x256xi1>, vector<64x256xi32>
    %reshape3A = vector.shape_cast %select_n3A_55 : vector<64x256xi32> to vector<64x256x1xi32>
    %gather3A = vector.shape_cast %reshape3A : vector<64x256x1xi32> to vector<64x256xi32>
    %gather3A_56 = tpu.dynamic_gather %slice3A[%gather3A] in [1] : vector<64x128xf32>, vector<64x256xi32> -> vector<64x256xf32>
    %eq3A_57 = arith.constant 0 : i32
    %eq3A_58 = vector.broadcast %eq3A_57 : i32 to vector<64x256xi32>
    %eq3A_59 = arith.cmpi eq, %shift_right_arithmetic3A_47, %eq3A_58 : vector<64x256xi32>
    %select_n3A_60 = arith.select %eq3A_59, %gather3A_56, %broadcast_in_dim3A_49 : vector<64x256xi1>, vector<64x256xf32>
    %slice3A_61 = vector.extract_strided_slice %get3A_22 {offsets = [0, 128], sizes = [64, 128], strides = [1, 1]} : vector<64x1024xf32> to vector<64x128xf32>
    %lt3A_62 = arith.constant 0 : i32
    %lt3A_63 = vector.broadcast %lt3A_62 : i32 to vector<64x256xi32>
    %lt3A_64 = arith.cmpi slt, %and3A_45, %lt3A_63 : vector<64x256xi32>
    %add3A_65 = arith.constant 128 : i32
    %add3A_66 = vector.broadcast %add3A_65 : i32 to vector<64x256xi32>
    %add3A_67 = arith.addi %and3A_45, %add3A_66 : vector<64x256xi32>
    %select_n3A_68 = arith.select %lt3A_64, %add3A_67, %and3A_45 : vector<64x256xi1>, vector<64x256xi32>
    %reshape3A_69 = vector.shape_cast %select_n3A_68 : vector<64x256xi32> to vector<64x256x1xi32>
    %gather3A_70 = vector.shape_cast %reshape3A_69 : vector<64x256x1xi32> to vector<64x256xi32>
    %gather3A_71 = tpu.dynamic_gather %slice3A_61[%gather3A_70] in [1] : vector<64x128xf32>, vector<64x256xi32> -> vector<64x256xf32>
    %eq3A_72 = arith.constant 1 : i32
    %eq3A_73 = vector.broadcast %eq3A_72 : i32 to vector<64x256xi32>
    %eq3A_74 = arith.cmpi eq, %shift_right_arithmetic3A_47, %eq3A_73 : vector<64x256xi32>
    %select_n3A_75 = arith.select %eq3A_74, %gather3A_71, %select_n3A_60 : vector<64x256xi1>, vector<64x256xf32>
    %slice3A_76 = vector.extract_strided_slice %get3A_22 {offsets = [0, 256], sizes = [64, 128], strides = [1, 1]} : vector<64x1024xf32> to vector<64x128xf32>
    %lt3A_77 = arith.constant 0 : i32
    %lt3A_78 = vector.broadcast %lt3A_77 : i32 to vector<64x256xi32>
    %lt3A_79 = arith.cmpi slt, %and3A_45, %lt3A_78 : vector<64x256xi32>
    %add3A_80 = arith.constant 128 : i32
    %add3A_81 = vector.broadcast %add3A_80 : i32 to vector<64x256xi32>
    %add3A_82 = arith.addi %and3A_45, %add3A_81 : vector<64x256xi32>
    %select_n3A_83 = arith.select %lt3A_79, %add3A_82, %and3A_45 : vector<64x256xi1>, vector<64x256xi32>
    %reshape3A_84 = vector.shape_cast %select_n3A_83 : vector<64x256xi32> to vector<64x256x1xi32>
    %gather3A_85 = vector.shape_cast %reshape3A_84 : vector<64x256x1xi32> to vector<64x256xi32>
    %gather3A_86 = tpu.dynamic_gather %slice3A_76[%gather3A_85] in [1] : vector<64x128xf32>, vector<64x256xi32> -> vector<64x256xf32>
    %eq3A_87 = arith.constant 2 : i32
    %eq3A_88 = vector.broadcast %eq3A_87 : i32 to vector<64x256xi32>
    %eq3A_89 = arith.cmpi eq, %shift_right_arithmetic3A_47, %eq3A_88 : vector<64x256xi32>
    %select_n3A_90 = arith.select %eq3A_89, %gather3A_86, %select_n3A_75 : vector<64x256xi1>, vector<64x256xf32>
    %slice3A_91 = vector.extract_strided_slice %get3A_22 {offsets = [0, 384], sizes = [64, 128], strides = [1, 1]} : vector<64x1024xf32> to vector<64x128xf32>
    %lt3A_92 = arith.constant 0 : i32
    %lt3A_93 = vector.broadcast %lt3A_92 : i32 to vector<64x256xi32>
    %lt3A_94 = arith.cmpi slt, %and3A_45, %lt3A_93 : vector<64x256xi32>
    %add3A_95 = arith.constant 128 : i32
    %add3A_96 = vector.broadcast %add3A_95 : i32 to vector<64x256xi32>
    %add3A_97 = arith.addi %and3A_45, %add3A_96 : vector<64x256xi32>
    %select_n3A_98 = arith.select %lt3A_94, %add3A_97, %and3A_45 : vector<64x256xi1>, vector<64x256xi32>
    %reshape3A_99 = vector.shape_cast %select_n3A_98 : vector<64x256xi32> to vector<64x256x1xi32>
    %gather3A_100 = vector.shape_cast %reshape3A_99 : vector<64x256x1xi32> to vector<64x256xi32>
    %gather3A_101 = tpu.dynamic_gather %slice3A_91[%gather3A_100] in [1] : vector<64x128xf32>, vector<64x256xi32> -> vector<64x256xf32>
    %eq3A_102 = arith.constant 3 : i32
    %eq3A_103 = vector.broadcast %eq3A_102 : i32 to vector<64x256xi32>
    %eq3A_104 = arith.cmpi eq, %shift_right_arithmetic3A_47, %eq3A_103 : vector<64x256xi32>
    %select_n3A_105 = arith.select %eq3A_104, %gather3A_101, %select_n3A_90 : vector<64x256xi1>, vector<64x256xf32>
    %slice3A_106 = vector.extract_strided_slice %get3A_22 {offsets = [0, 512], sizes = [64, 128], strides = [1, 1]} : vector<64x1024xf32> to vector<64x128xf32>
    %lt3A_107 = arith.constant 0 : i32
    %lt3A_108 = vector.broadcast %lt3A_107 : i32 to vector<64x256xi32>
    %lt3A_109 = arith.cmpi slt, %and3A_45, %lt3A_108 : vector<64x256xi32>
    %add3A_110 = arith.constant 128 : i32
    %add3A_111 = vector.broadcast %add3A_110 : i32 to vector<64x256xi32>
    %add3A_112 = arith.addi %and3A_45, %add3A_111 : vector<64x256xi32>
    %select_n3A_113 = arith.select %lt3A_109, %add3A_112, %and3A_45 : vector<64x256xi1>, vector<64x256xi32>
    %reshape3A_114 = vector.shape_cast %select_n3A_113 : vector<64x256xi32> to vector<64x256x1xi32>
    %gather3A_115 = vector.shape_cast %reshape3A_114 : vector<64x256x1xi32> to vector<64x256xi32>
    %gather3A_116 = tpu.dynamic_gather %slice3A_106[%gather3A_115] in [1] : vector<64x128xf32>, vector<64x256xi32> -> vector<64x256xf32>
    %eq3A_117 = arith.constant 4 : i32
    %eq3A_118 = vector.broadcast %eq3A_117 : i32 to vector<64x256xi32>
    %eq3A_119 = arith.cmpi eq, %shift_right_arithmetic3A_47, %eq3A_118 : vector<64x256xi32>
    %select_n3A_120 = arith.select %eq3A_119, %gather3A_116, %select_n3A_105 : vector<64x256xi1>, vector<64x256xf32>
    %slice3A_121 = vector.extract_strided_slice %get3A_22 {offsets = [0, 640], sizes = [64, 128], strides = [1, 1]} : vector<64x1024xf32> to vector<64x128xf32>
    %lt3A_122 = arith.constant 0 : i32
    %lt3A_123 = vector.broadcast %lt3A_122 : i32 to vector<64x256xi32>
    %lt3A_124 = arith.cmpi slt, %and3A_45, %lt3A_123 : vector<64x256xi32>
    %add3A_125 = arith.constant 128 : i32
    %add3A_126 = vector.broadcast %add3A_125 : i32 to vector<64x256xi32>
    %add3A_127 = arith.addi %and3A_45, %add3A_126 : vector<64x256xi32>
    %select_n3A_128 = arith.select %lt3A_124, %add3A_127, %and3A_45 : vector<64x256xi1>, vector<64x256xi32>
    %reshape3A_129 = vector.shape_cast %select_n3A_128 : vector<64x256xi32> to vector<64x256x1xi32>
    %gather3A_130 = vector.shape_cast %reshape3A_129 : vector<64x256x1xi32> to vector<64x256xi32>
    %gather3A_131 = tpu.dynamic_gather %slice3A_121[%gather3A_130] in [1] : vector<64x128xf32>, vector<64x256xi32> -> vector<64x256xf32>
    %eq3A_132 = arith.constant 5 : i32
    %eq3A_133 = vector.broadcast %eq3A_132 : i32 to vector<64x256xi32>
    %eq3A_134 = arith.cmpi eq, %shift_right_arithmetic3A_47, %eq3A_133 : vector<64x256xi32>
    %select_n3A_135 = arith.select %eq3A_134, %gather3A_131, %select_n3A_120 : vector<64x256xi1>, vector<64x256xf32>
    %slice3A_136 = vector.extract_strided_slice %get3A_22 {offsets = [0, 768], sizes = [64, 128], strides = [1, 1]} : vector<64x1024xf32> to vector<64x128xf32>
    %lt3A_137 = arith.constant 0 : i32
    %lt3A_138 = vector.broadcast %lt3A_137 : i32 to vector<64x256xi32>
    %lt3A_139 = arith.cmpi slt, %and3A_45, %lt3A_138 : vector<64x256xi32>
    %add3A_140 = arith.constant 128 : i32
    %add3A_141 = vector.broadcast %add3A_140 : i32 to vector<64x256xi32>
    %add3A_142 = arith.addi %and3A_45, %add3A_141 : vector<64x256xi32>
    %select_n3A_143 = arith.select %lt3A_139, %add3A_142, %and3A_45 : vector<64x256xi1>, vector<64x256xi32>
    %reshape3A_144 = vector.shape_cast %select_n3A_143 : vector<64x256xi32> to vector<64x256x1xi32>
    %gather3A_145 = vector.shape_cast %reshape3A_144 : vector<64x256x1xi32> to vector<64x256xi32>
    %gather3A_146 = tpu.dynamic_gather %slice3A_136[%gather3A_145] in [1] : vector<64x128xf32>, vector<64x256xi32> -> vector<64x256xf32>
    %eq3A_147 = arith.constant 6 : i32
    %eq3A_148 = vector.broadcast %eq3A_147 : i32 to vector<64x256xi32>
    %eq3A_149 = arith.cmpi eq, %shift_right_arithmetic3A_47, %eq3A_148 : vector<64x256xi32>
    %select_n3A_150 = arith.select %eq3A_149, %gather3A_146, %select_n3A_135 : vector<64x256xi1>, vector<64x256xf32>
    %slice3A_151 = vector.extract_strided_slice %get3A_22 {offsets = [0, 896], sizes = [64, 128], strides = [1, 1]} : vector<64x1024xf32> to vector<64x128xf32>
    %lt3A_152 = arith.constant 0 : i32
    %lt3A_153 = vector.broadcast %lt3A_152 : i32 to vector<64x256xi32>
    %lt3A_154 = arith.cmpi slt, %and3A_45, %lt3A_153 : vector<64x256xi32>
    %add3A_155 = arith.constant 128 : i32
    %add3A_156 = vector.broadcast %add3A_155 : i32 to vector<64x256xi32>
    %add3A_157 = arith.addi %and3A_45, %add3A_156 : vector<64x256xi32>
    %select_n3A_158 = arith.select %lt3A_154, %add3A_157, %and3A_45 : vector<64x256xi1>, vector<64x256xi32>
    %reshape3A_159 = vector.shape_cast %select_n3A_158 : vector<64x256xi32> to vector<64x256x1xi32>
    %gather3A_160 = vector.shape_cast %reshape3A_159 : vector<64x256x1xi32> to vector<64x256xi32>
    %gather3A_161 = tpu.dynamic_gather %slice3A_151[%gather3A_160] in [1] : vector<64x128xf32>, vector<64x256xi32> -> vector<64x256xf32>
    %eq3A_162 = arith.constant 7 : i32
    %eq3A_163 = vector.broadcast %eq3A_162 : i32 to vector<64x256xi32>
    %eq3A_164 = arith.cmpi eq, %shift_right_arithmetic3A_47, %eq3A_163 : vector<64x256xi32>
    %select_n3A_165 = arith.select %eq3A_164, %gather3A_161, %select_n3A_150 : vector<64x256xi1>, vector<64x256xf32>
    %transpose3A_166 = tpu.transpose %select_n3A_165, [1, 0] : vector<64x256xf32> -> vector<256x64xf32>
    %add3A_167 = arith.addf %broadcast_in_dim3A_11, %transpose3A_166 : vector<256x64xf32>
    %sub3A_168 = arith.subf %get3A_1, %transpose3A_166 : vector<256x64xf32>
    %dot_general3A_169 = arith.constant dense<0.000000e+00> : vector<256x1024xf32>
    %dot_general3A_170 = tpu.matmul %get3A_4, %get3A_22, %dot_general3A_169 {dimension_numbers = #tpu.dot_dimension_numbers<[1], [0], [0], [1], [0, 0, 1, 1], [], []>, transpose_lhs_hint = false} : vector<256x64xf32>, vector<64x1024xf32>, vector<256x1024xf32> -> vector<256x1024xf32>
    %mul3A_171 = arith.mulf %get3A_4, %get3A_4 : vector<256x64xf32>
    %reduce_sum3A_172 = arith.constant dense<0.000000e+00> : vector<256xf32>
    %reduce_sum3A_173 = vector.multi_reduction <add>, %mul3A_171, %reduce_sum3A_172 [1] : vector<256x64xf32> to vector<256xf32>
    %broadcast_in_dim3A_174 = vector.shape_cast %reduce_sum3A_173 : vector<256xf32> to vector<256x1xf32>
    %add3A_175 = vector.broadcast %broadcast_in_dim3A_174 : vector<256x1xf32> to vector<256x1024xf32>
    %add3A_176 = vector.broadcast %get3A_25 : vector<1x1024xf32> to vector<256x1024xf32>
    %add3A_177 = arith.addf %add3A_175, %add3A_176 : vector<256x1024xf32>
    %mul3A_178 = arith.constant 2.000000e+00 : f32
    %mul3A_179 = vector.broadcast %mul3A_178 : f32 to vector<256x1024xf32>
    %mul3A_180 = arith.mulf %mul3A_179, %dot_general3A_170 : vector<256x1024xf32>
    %sub3A_181 = arith.subf %add3A_177, %mul3A_180 : vector<256x1024xf32>
    %reduce_min3A_182 = arith.constant dense<0x7F800000> : vector<256xf32>
    %reduce_min3A_183 = vector.multi_reduction <minimumf>, %sub3A_181, %reduce_min3A_182 [1] : vector<256x1024xf32> to vector<256xf32>
    %broadcast_in_dim3A_184 = vector.shape_cast %reduce_min3A_183 : vector<256xf32> to vector<256x1xf32>
    %eq3A_185 = vector.broadcast %broadcast_in_dim3A_184 : vector<256x1xf32> to vector<256x1024xf32>
    %eq3A_186 = arith.cmpf oeq, %sub3A_181, %eq3A_185 : vector<256x1024xf32>
    %jit3A_187 = arith.constant 1.024000e+03 : f32
    %broadcast_in_dim3A_188 = vector.broadcast %jit3A_187 : f32 to vector<256x1024xf32>
    %select_n3A_189 = arith.select %eq3A_186, %convert_element_type3A, %broadcast_in_dim3A_188 : vector<256x1024xi1>, vector<256x1024xf32>
    %reduce_min3A_190 = arith.constant dense<0x7F800000> : vector<256xf32>
    %reduce_min3A_191 = vector.multi_reduction <minimumf>, %select_n3A_189, %reduce_min3A_190 [1] : vector<256x1024xf32> to vector<256xf32>
    %broadcast_in_dim3A_192 = vector.shape_cast %reduce_min3A_191 : vector<256xf32> to vector<256x1xf32>
    %convert_element_type3A_193 = arith.fptosi %broadcast_in_dim3A_192 : vector<256x1xf32> to vector<256x1xi32>
    %transpose3A_194 = tpu.transpose %convert_element_type3A_193, [1, 0] : vector<256x1xi32> -> vector<1x256xi32>
    %broadcast_in_dim3A_195 = vector.shape_cast %transpose3A_194 : vector<1x256xi32> to vector<1x256xi32>
    %broadcast_in_dim3A_196 = vector.broadcast %broadcast_in_dim3A_195 : vector<1x256xi32> to vector<64x256xi32>
    %and3A_197 = arith.constant 127 : i32
    %and3A_198 = vector.broadcast %and3A_197 : i32 to vector<64x256xi32>
    %and3A_199 = arith.andi %broadcast_in_dim3A_196, %and3A_198 : vector<64x256xi32>
    %shift_right_arithmetic3A_200 = arith.constant 7 : i32
    %shift_right_arithmetic3A_201 = vector.broadcast %shift_right_arithmetic3A_200 : i32 to vector<64x256xi32>
    %shift_right_arithmetic3A_202 = arith.shrsi %broadcast_in_dim3A_196, %shift_right_arithmetic3A_201 : vector<64x256xi32>
    %broadcast_in_dim3A_203 = arith.constant 0.000000e+00 : f32
    %broadcast_in_dim3A_204 = vector.broadcast %broadcast_in_dim3A_203 : f32 to vector<64x256xf32>
    %slice3A_205 = vector.extract_strided_slice %get3A_22 {offsets = [0, 0], sizes = [64, 128], strides = [1, 1]} : vector<64x1024xf32> to vector<64x128xf32>
    %lt3A_206 = arith.constant 0 : i32
    %lt3A_207 = vector.broadcast %lt3A_206 : i32 to vector<64x256xi32>
    %lt3A_208 = arith.cmpi slt, %and3A_199, %lt3A_207 : vector<64x256xi32>
    %add3A_209 = arith.constant 128 : i32
    %add3A_210 = vector.broadcast %add3A_209 : i32 to vector<64x256xi32>
    %add3A_211 = arith.addi %and3A_199, %add3A_210 : vector<64x256xi32>
    %select_n3A_212 = arith.select %lt3A_208, %add3A_211, %and3A_199 : vector<64x256xi1>, vector<64x256xi32>
    %reshape3A_213 = vector.shape_cast %select_n3A_212 : vector<64x256xi32> to vector<64x256x1xi32>
    %gather3A_214 = vector.shape_cast %reshape3A_213 : vector<64x256x1xi32> to vector<64x256xi32>
    %gather3A_215 = tpu.dynamic_gather %slice3A_205[%gather3A_214] in [1] : vector<64x128xf32>, vector<64x256xi32> -> vector<64x256xf32>
    %eq3A_216 = arith.constant 0 : i32
    %eq3A_217 = vector.broadcast %eq3A_216 : i32 to vector<64x256xi32>
    %eq3A_218 = arith.cmpi eq, %shift_right_arithmetic3A_202, %eq3A_217 : vector<64x256xi32>
    %select_n3A_219 = arith.select %eq3A_218, %gather3A_215, %broadcast_in_dim3A_204 : vector<64x256xi1>, vector<64x256xf32>
    %slice3A_220 = vector.extract_strided_slice %get3A_22 {offsets = [0, 128], sizes = [64, 128], strides = [1, 1]} : vector<64x1024xf32> to vector<64x128xf32>
    %lt3A_221 = arith.constant 0 : i32
    %lt3A_222 = vector.broadcast %lt3A_221 : i32 to vector<64x256xi32>
    %lt3A_223 = arith.cmpi slt, %and3A_199, %lt3A_222 : vector<64x256xi32>
    %add3A_224 = arith.constant 128 : i32
    %add3A_225 = vector.broadcast %add3A_224 : i32 to vector<64x256xi32>
    %add3A_226 = arith.addi %and3A_199, %add3A_225 : vector<64x256xi32>
    %select_n3A_227 = arith.select %lt3A_223, %add3A_226, %and3A_199 : vector<64x256xi1>, vector<64x256xi32>
    %reshape3A_228 = vector.shape_cast %select_n3A_227 : vector<64x256xi32> to vector<64x256x1xi32>
    %gather3A_229 = vector.shape_cast %reshape3A_228 : vector<64x256x1xi32> to vector<64x256xi32>
    %gather3A_230 = tpu.dynamic_gather %slice3A_220[%gather3A_229] in [1] : vector<64x128xf32>, vector<64x256xi32> -> vector<64x256xf32>
    %eq3A_231 = arith.constant 1 : i32
    %eq3A_232 = vector.broadcast %eq3A_231 : i32 to vector<64x256xi32>
    %eq3A_233 = arith.cmpi eq, %shift_right_arithmetic3A_202, %eq3A_232 : vector<64x256xi32>
    %select_n3A_234 = arith.select %eq3A_233, %gather3A_230, %select_n3A_219 : vector<64x256xi1>, vector<64x256xf32>
    %slice3A_235 = vector.extract_strided_slice %get3A_22 {offsets = [0, 256], sizes = [64, 128], strides = [1, 1]} : vector<64x1024xf32> to vector<64x128xf32>
    %lt3A_236 = arith.constant 0 : i32
    %lt3A_237 = vector.broadcast %lt3A_236 : i32 to vector<64x256xi32>
    %lt3A_238 = arith.cmpi slt, %and3A_199, %lt3A_237 : vector<64x256xi32>
    %add3A_239 = arith.constant 128 : i32
    %add3A_240 = vector.broadcast %add3A_239 : i32 to vector<64x256xi32>
    %add3A_241 = arith.addi %and3A_199, %add3A_240 : vector<64x256xi32>
    %select_n3A_242 = arith.select %lt3A_238, %add3A_241, %and3A_199 : vector<64x256xi1>, vector<64x256xi32>
    %reshape3A_243 = vector.shape_cast %select_n3A_242 : vector<64x256xi32> to vector<64x256x1xi32>
    %gather3A_244 = vector.shape_cast %reshape3A_243 : vector<64x256x1xi32> to vector<64x256xi32>
    %gather3A_245 = tpu.dynamic_gather %slice3A_235[%gather3A_244] in [1] : vector<64x128xf32>, vector<64x256xi32> -> vector<64x256xf32>
    %eq3A_246 = arith.constant 2 : i32
    %eq3A_247 = vector.broadcast %eq3A_246 : i32 to vector<64x256xi32>
    %eq3A_248 = arith.cmpi eq, %shift_right_arithmetic3A_202, %eq3A_247 : vector<64x256xi32>
    %select_n3A_249 = arith.select %eq3A_248, %gather3A_245, %select_n3A_234 : vector<64x256xi1>, vector<64x256xf32>
    %slice3A_250 = vector.extract_strided_slice %get3A_22 {offsets = [0, 384], sizes = [64, 128], strides = [1, 1]} : vector<64x1024xf32> to vector<64x128xf32>
    %lt3A_251 = arith.constant 0 : i32
    %lt3A_252 = vector.broadcast %lt3A_251 : i32 to vector<64x256xi32>
    %lt3A_253 = arith.cmpi slt, %and3A_199, %lt3A_252 : vector<64x256xi32>
    %add3A_254 = arith.constant 128 : i32
    %add3A_255 = vector.broadcast %add3A_254 : i32 to vector<64x256xi32>
    %add3A_256 = arith.addi %and3A_199, %add3A_255 : vector<64x256xi32>
    %select_n3A_257 = arith.select %lt3A_253, %add3A_256, %and3A_199 : vector<64x256xi1>, vector<64x256xi32>
    %reshape3A_258 = vector.shape_cast %select_n3A_257 : vector<64x256xi32> to vector<64x256x1xi32>
    %gather3A_259 = vector.shape_cast %reshape3A_258 : vector<64x256x1xi32> to vector<64x256xi32>
    %gather3A_260 = tpu.dynamic_gather %slice3A_250[%gather3A_259] in [1] : vector<64x128xf32>, vector<64x256xi32> -> vector<64x256xf32>
    %eq3A_261 = arith.constant 3 : i32
    %eq3A_262 = vector.broadcast %eq3A_261 : i32 to vector<64x256xi32>
    %eq3A_263 = arith.cmpi eq, %shift_right_arithmetic3A_202, %eq3A_262 : vector<64x256xi32>
    %select_n3A_264 = arith.select %eq3A_263, %gather3A_260, %select_n3A_249 : vector<64x256xi1>, vector<64x256xf32>
    %slice3A_265 = vector.extract_strided_slice %get3A_22 {offsets = [0, 512], sizes = [64, 128], strides = [1, 1]} : vector<64x1024xf32> to vector<64x128xf32>
    %lt3A_266 = arith.constant 0 : i32
    %lt3A_267 = vector.broadcast %lt3A_266 : i32 to vector<64x256xi32>
    %lt3A_268 = arith.cmpi slt, %and3A_199, %lt3A_267 : vector<64x256xi32>
    %add3A_269 = arith.constant 128 : i32
    %add3A_270 = vector.broadcast %add3A_269 : i32 to vector<64x256xi32>
    %add3A_271 = arith.addi %and3A_199, %add3A_270 : vector<64x256xi32>
    %select_n3A_272 = arith.select %lt3A_268, %add3A_271, %and3A_199 : vector<64x256xi1>, vector<64x256xi32>
    %reshape3A_273 = vector.shape_cast %select_n3A_272 : vector<64x256xi32> to vector<64x256x1xi32>
    %gather3A_274 = vector.shape_cast %reshape3A_273 : vector<64x256x1xi32> to vector<64x256xi32>
    %gather3A_275 = tpu.dynamic_gather %slice3A_265[%gather3A_274] in [1] : vector<64x128xf32>, vector<64x256xi32> -> vector<64x256xf32>
    %eq3A_276 = arith.constant 4 : i32
    %eq3A_277 = vector.broadcast %eq3A_276 : i32 to vector<64x256xi32>
    %eq3A_278 = arith.cmpi eq, %shift_right_arithmetic3A_202, %eq3A_277 : vector<64x256xi32>
    %select_n3A_279 = arith.select %eq3A_278, %gather3A_275, %select_n3A_264 : vector<64x256xi1>, vector<64x256xf32>
    %slice3A_280 = vector.extract_strided_slice %get3A_22 {offsets = [0, 640], sizes = [64, 128], strides = [1, 1]} : vector<64x1024xf32> to vector<64x128xf32>
    %lt3A_281 = arith.constant 0 : i32
    %lt3A_282 = vector.broadcast %lt3A_281 : i32 to vector<64x256xi32>
    %lt3A_283 = arith.cmpi slt, %and3A_199, %lt3A_282 : vector<64x256xi32>
    %add3A_284 = arith.constant 128 : i32
    %add3A_285 = vector.broadcast %add3A_284 : i32 to vector<64x256xi32>
    %add3A_286 = arith.addi %and3A_199, %add3A_285 : vector<64x256xi32>
    %select_n3A_287 = arith.select %lt3A_283, %add3A_286, %and3A_199 : vector<64x256xi1>, vector<64x256xi32>
    %reshape3A_288 = vector.shape_cast %select_n3A_287 : vector<64x256xi32> to vector<64x256x1xi32>
    %gather3A_289 = vector.shape_cast %reshape3A_288 : vector<64x256x1xi32> to vector<64x256xi32>
    %gather3A_290 = tpu.dynamic_gather %slice3A_280[%gather3A_289] in [1] : vector<64x128xf32>, vector<64x256xi32> -> vector<64x256xf32>
    %eq3A_291 = arith.constant 5 : i32
    %eq3A_292 = vector.broadcast %eq3A_291 : i32 to vector<64x256xi32>
    %eq3A_293 = arith.cmpi eq, %shift_right_arithmetic3A_202, %eq3A_292 : vector<64x256xi32>
    %select_n3A_294 = arith.select %eq3A_293, %gather3A_290, %select_n3A_279 : vector<64x256xi1>, vector<64x256xf32>
    %slice3A_295 = vector.extract_strided_slice %get3A_22 {offsets = [0, 768], sizes = [64, 128], strides = [1, 1]} : vector<64x1024xf32> to vector<64x128xf32>
    %lt3A_296 = arith.constant 0 : i32
    %lt3A_297 = vector.broadcast %lt3A_296 : i32 to vector<64x256xi32>
    %lt3A_298 = arith.cmpi slt, %and3A_199, %lt3A_297 : vector<64x256xi32>
    %add3A_299 = arith.constant 128 : i32
    %add3A_300 = vector.broadcast %add3A_299 : i32 to vector<64x256xi32>
    %add3A_301 = arith.addi %and3A_199, %add3A_300 : vector<64x256xi32>
    %select_n3A_302 = arith.select %lt3A_298, %add3A_301, %and3A_199 : vector<64x256xi1>, vector<64x256xi32>
    %reshape3A_303 = vector.shape_cast %select_n3A_302 : vector<64x256xi32> to vector<64x256x1xi32>
    %gather3A_304 = vector.shape_cast %reshape3A_303 : vector<64x256x1xi32> to vector<64x256xi32>
    %gather3A_305 = tpu.dynamic_gather %slice3A_295[%gather3A_304] in [1] : vector<64x128xf32>, vector<64x256xi32> -> vector<64x256xf32>
    %eq3A_306 = arith.constant 6 : i32
    %eq3A_307 = vector.broadcast %eq3A_306 : i32 to vector<64x256xi32>
    %eq3A_308 = arith.cmpi eq, %shift_right_arithmetic3A_202, %eq3A_307 : vector<64x256xi32>
    %select_n3A_309 = arith.select %eq3A_308, %gather3A_305, %select_n3A_294 : vector<64x256xi1>, vector<64x256xf32>
    %slice3A_310 = vector.extract_strided_slice %get3A_22 {offsets = [0, 896], sizes = [64, 128], strides = [1, 1]} : vector<64x1024xf32> to vector<64x128xf32>
    %lt3A_311 = arith.constant 0 : i32
    %lt3A_312 = vector.broadcast %lt3A_311 : i32 to vector<64x256xi32>
    %lt3A_313 = arith.cmpi slt, %and3A_199, %lt3A_312 : vector<64x256xi32>
    %add3A_314 = arith.constant 128 : i32
    %add3A_315 = vector.broadcast %add3A_314 : i32 to vector<64x256xi32>
    %add3A_316 = arith.addi %and3A_199, %add3A_315 : vector<64x256xi32>
    %select_n3A_317 = arith.select %lt3A_313, %add3A_316, %and3A_199 : vector<64x256xi1>, vector<64x256xi32>
    %reshape3A_318 = vector.shape_cast %select_n3A_317 : vector<64x256xi32> to vector<64x256x1xi32>
    %gather3A_319 = vector.shape_cast %reshape3A_318 : vector<64x256x1xi32> to vector<64x256xi32>
    %gather3A_320 = tpu.dynamic_gather %slice3A_310[%gather3A_319] in [1] : vector<64x128xf32>, vector<64x256xi32> -> vector<64x256xf32>
    %eq3A_321 = arith.constant 7 : i32
    %eq3A_322 = vector.broadcast %eq3A_321 : i32 to vector<64x256xi32>
    %eq3A_323 = arith.cmpi eq, %shift_right_arithmetic3A_202, %eq3A_322 : vector<64x256xi32>
    %select_n3A_324 = arith.select %eq3A_323, %gather3A_320, %select_n3A_309 : vector<64x256xi1>, vector<64x256xf32>
    %transpose3A_325 = tpu.transpose %select_n3A_324, [1, 0] : vector<64x256xf32> -> vector<256x64xf32>
    %add3A_326 = arith.addf %broadcast_in_dim3A_13, %transpose3A_325 : vector<256x64xf32>
    %sub3A_327 = arith.subf %get3A_4, %transpose3A_325 : vector<256x64xf32>
    %dot_general3A_328 = arith.constant dense<0.000000e+00> : vector<256x1024xf32>
    %dot_general3A_329 = tpu.matmul %get3A_7, %get3A_22, %dot_general3A_328 {dimension_numbers = #tpu.dot_dimension_numbers<[1], [0], [0], [1], [0, 0, 1, 1], [], []>, transpose_lhs_hint = false} : vector<256x64xf32>, vector<64x1024xf32>, vector<256x1024xf32> -> vector<256x1024xf32>
    %mul3A_330 = arith.mulf %get3A_7, %get3A_7 : vector<256x64xf32>
    %reduce_sum3A_331 = arith.constant dense<0.000000e+00> : vector<256xf32>
    %reduce_sum3A_332 = vector.multi_reduction <add>, %mul3A_330, %reduce_sum3A_331 [1] : vector<256x64xf32> to vector<256xf32>
    %broadcast_in_dim3A_333 = vector.shape_cast %reduce_sum3A_332 : vector<256xf32> to vector<256x1xf32>
    %add3A_334 = vector.broadcast %broadcast_in_dim3A_333 : vector<256x1xf32> to vector<256x1024xf32>
    %add3A_335 = vector.broadcast %get3A_25 : vector<1x1024xf32> to vector<256x1024xf32>
    %add3A_336 = arith.addf %add3A_334, %add3A_335 : vector<256x1024xf32>
    %mul3A_337 = arith.constant 2.000000e+00 : f32
    %mul3A_338 = vector.broadcast %mul3A_337 : f32 to vector<256x1024xf32>
    %mul3A_339 = arith.mulf %mul3A_338, %dot_general3A_329 : vector<256x1024xf32>
    %sub3A_340 = arith.subf %add3A_336, %mul3A_339 : vector<256x1024xf32>
    %reduce_min3A_341 = arith.constant dense<0x7F800000> : vector<256xf32>
    %reduce_min3A_342 = vector.multi_reduction <minimumf>, %sub3A_340, %reduce_min3A_341 [1] : vector<256x1024xf32> to vector<256xf32>
    %broadcast_in_dim3A_343 = vector.shape_cast %reduce_min3A_342 : vector<256xf32> to vector<256x1xf32>
    %eq3A_344 = vector.broadcast %broadcast_in_dim3A_343 : vector<256x1xf32> to vector<256x1024xf32>
    %eq3A_345 = arith.cmpf oeq, %sub3A_340, %eq3A_344 : vector<256x1024xf32>
    %jit3A_346 = arith.constant 1.024000e+03 : f32
    %broadcast_in_dim3A_347 = vector.broadcast %jit3A_346 : f32 to vector<256x1024xf32>
    %select_n3A_348 = arith.select %eq3A_345, %convert_element_type3A, %broadcast_in_dim3A_347 : vector<256x1024xi1>, vector<256x1024xf32>
    %reduce_min3A_349 = arith.constant dense<0x7F800000> : vector<256xf32>
    %reduce_min3A_350 = vector.multi_reduction <minimumf>, %select_n3A_348, %reduce_min3A_349 [1] : vector<256x1024xf32> to vector<256xf32>
    %broadcast_in_dim3A_351 = vector.shape_cast %reduce_min3A_350 : vector<256xf32> to vector<256x1xf32>
    %convert_element_type3A_352 = arith.fptosi %broadcast_in_dim3A_351 : vector<256x1xf32> to vector<256x1xi32>
    %transpose3A_353 = tpu.transpose %convert_element_type3A_352, [1, 0] : vector<256x1xi32> -> vector<1x256xi32>
    %broadcast_in_dim3A_354 = vector.shape_cast %transpose3A_353 : vector<1x256xi32> to vector<1x256xi32>
    %broadcast_in_dim3A_355 = vector.broadcast %broadcast_in_dim3A_354 : vector<1x256xi32> to vector<64x256xi32>
    %and3A_356 = arith.constant 127 : i32
    %and3A_357 = vector.broadcast %and3A_356 : i32 to vector<64x256xi32>
    %and3A_358 = arith.andi %broadcast_in_dim3A_355, %and3A_357 : vector<64x256xi32>
    %shift_right_arithmetic3A_359 = arith.constant 7 : i32
    %shift_right_arithmetic3A_360 = vector.broadcast %shift_right_arithmetic3A_359 : i32 to vector<64x256xi32>
    %shift_right_arithmetic3A_361 = arith.shrsi %broadcast_in_dim3A_355, %shift_right_arithmetic3A_360 : vector<64x256xi32>
    %broadcast_in_dim3A_362 = arith.constant 0.000000e+00 : f32
    %broadcast_in_dim3A_363 = vector.broadcast %broadcast_in_dim3A_362 : f32 to vector<64x256xf32>
    %slice3A_364 = vector.extract_strided_slice %get3A_22 {offsets = [0, 0], sizes = [64, 128], strides = [1, 1]} : vector<64x1024xf32> to vector<64x128xf32>
    %lt3A_365 = arith.constant 0 : i32
    %lt3A_366 = vector.broadcast %lt3A_365 : i32 to vector<64x256xi32>
    %lt3A_367 = arith.cmpi slt, %and3A_358, %lt3A_366 : vector<64x256xi32>
    %add3A_368 = arith.constant 128 : i32
    %add3A_369 = vector.broadcast %add3A_368 : i32 to vector<64x256xi32>
    %add3A_370 = arith.addi %and3A_358, %add3A_369 : vector<64x256xi32>
    %select_n3A_371 = arith.select %lt3A_367, %add3A_370, %and3A_358 : vector<64x256xi1>, vector<64x256xi32>
    %reshape3A_372 = vector.shape_cast %select_n3A_371 : vector<64x256xi32> to vector<64x256x1xi32>
    %gather3A_373 = vector.shape_cast %reshape3A_372 : vector<64x256x1xi32> to vector<64x256xi32>
    %gather3A_374 = tpu.dynamic_gather %slice3A_364[%gather3A_373] in [1] : vector<64x128xf32>, vector<64x256xi32> -> vector<64x256xf32>
    %eq3A_375 = arith.constant 0 : i32
    %eq3A_376 = vector.broadcast %eq3A_375 : i32 to vector<64x256xi32>
    %eq3A_377 = arith.cmpi eq, %shift_right_arithmetic3A_361, %eq3A_376 : vector<64x256xi32>
    %select_n3A_378 = arith.select %eq3A_377, %gather3A_374, %broadcast_in_dim3A_363 : vector<64x256xi1>, vector<64x256xf32>
    %slice3A_379 = vector.extract_strided_slice %get3A_22 {offsets = [0, 128], sizes = [64, 128], strides = [1, 1]} : vector<64x1024xf32> to vector<64x128xf32>
    %lt3A_380 = arith.constant 0 : i32
    %lt3A_381 = vector.broadcast %lt3A_380 : i32 to vector<64x256xi32>
    %lt3A_382 = arith.cmpi slt, %and3A_358, %lt3A_381 : vector<64x256xi32>
    %add3A_383 = arith.constant 128 : i32
    %add3A_384 = vector.broadcast %add3A_383 : i32 to vector<64x256xi32>
    %add3A_385 = arith.addi %and3A_358, %add3A_384 : vector<64x256xi32>
    %select_n3A_386 = arith.select %lt3A_382, %add3A_385, %and3A_358 : vector<64x256xi1>, vector<64x256xi32>
    %reshape3A_387 = vector.shape_cast %select_n3A_386 : vector<64x256xi32> to vector<64x256x1xi32>
    %gather3A_388 = vector.shape_cast %reshape3A_387 : vector<64x256x1xi32> to vector<64x256xi32>
    %gather3A_389 = tpu.dynamic_gather %slice3A_379[%gather3A_388] in [1] : vector<64x128xf32>, vector<64x256xi32> -> vector<64x256xf32>
    %eq3A_390 = arith.constant 1 : i32
    %eq3A_391 = vector.broadcast %eq3A_390 : i32 to vector<64x256xi32>
    %eq3A_392 = arith.cmpi eq, %shift_right_arithmetic3A_361, %eq3A_391 : vector<64x256xi32>
    %select_n3A_393 = arith.select %eq3A_392, %gather3A_389, %select_n3A_378 : vector<64x256xi1>, vector<64x256xf32>
    %slice3A_394 = vector.extract_strided_slice %get3A_22 {offsets = [0, 256], sizes = [64, 128], strides = [1, 1]} : vector<64x1024xf32> to vector<64x128xf32>
    %lt3A_395 = arith.constant 0 : i32
    %lt3A_396 = vector.broadcast %lt3A_395 : i32 to vector<64x256xi32>
    %lt3A_397 = arith.cmpi slt, %and3A_358, %lt3A_396 : vector<64x256xi32>
    %add3A_398 = arith.constant 128 : i32
    %add3A_399 = vector.broadcast %add3A_398 : i32 to vector<64x256xi32>
    %add3A_400 = arith.addi %and3A_358, %add3A_399 : vector<64x256xi32>
    %select_n3A_401 = arith.select %lt3A_397, %add3A_400, %and3A_358 : vector<64x256xi1>, vector<64x256xi32>
    %reshape3A_402 = vector.shape_cast %select_n3A_401 : vector<64x256xi32> to vector<64x256x1xi32>
    %gather3A_403 = vector.shape_cast %reshape3A_402 : vector<64x256x1xi32> to vector<64x256xi32>
    %gather3A_404 = tpu.dynamic_gather %slice3A_394[%gather3A_403] in [1] : vector<64x128xf32>, vector<64x256xi32> -> vector<64x256xf32>
    %eq3A_405 = arith.constant 2 : i32
    %eq3A_406 = vector.broadcast %eq3A_405 : i32 to vector<64x256xi32>
    %eq3A_407 = arith.cmpi eq, %shift_right_arithmetic3A_361, %eq3A_406 : vector<64x256xi32>
    %select_n3A_408 = arith.select %eq3A_407, %gather3A_404, %select_n3A_393 : vector<64x256xi1>, vector<64x256xf32>
    %slice3A_409 = vector.extract_strided_slice %get3A_22 {offsets = [0, 384], sizes = [64, 128], strides = [1, 1]} : vector<64x1024xf32> to vector<64x128xf32>
    %lt3A_410 = arith.constant 0 : i32
    %lt3A_411 = vector.broadcast %lt3A_410 : i32 to vector<64x256xi32>
    %lt3A_412 = arith.cmpi slt, %and3A_358, %lt3A_411 : vector<64x256xi32>
    %add3A_413 = arith.constant 128 : i32
    %add3A_414 = vector.broadcast %add3A_413 : i32 to vector<64x256xi32>
    %add3A_415 = arith.addi %and3A_358, %add3A_414 : vector<64x256xi32>
    %select_n3A_416 = arith.select %lt3A_412, %add3A_415, %and3A_358 : vector<64x256xi1>, vector<64x256xi32>
    %reshape3A_417 = vector.shape_cast %select_n3A_416 : vector<64x256xi32> to vector<64x256x1xi32>
    %gather3A_418 = vector.shape_cast %reshape3A_417 : vector<64x256x1xi32> to vector<64x256xi32>
    %gather3A_419 = tpu.dynamic_gather %slice3A_409[%gather3A_418] in [1] : vector<64x128xf32>, vector<64x256xi32> -> vector<64x256xf32>
    %eq3A_420 = arith.constant 3 : i32
    %eq3A_421 = vector.broadcast %eq3A_420 : i32 to vector<64x256xi32>
    %eq3A_422 = arith.cmpi eq, %shift_right_arithmetic3A_361, %eq3A_421 : vector<64x256xi32>
    %select_n3A_423 = arith.select %eq3A_422, %gather3A_419, %select_n3A_408 : vector<64x256xi1>, vector<64x256xf32>
    %slice3A_424 = vector.extract_strided_slice %get3A_22 {offsets = [0, 512], sizes = [64, 128], strides = [1, 1]} : vector<64x1024xf32> to vector<64x128xf32>
    %lt3A_425 = arith.constant 0 : i32
    %lt3A_426 = vector.broadcast %lt3A_425 : i32 to vector<64x256xi32>
    %lt3A_427 = arith.cmpi slt, %and3A_358, %lt3A_426 : vector<64x256xi32>
    %add3A_428 = arith.constant 128 : i32
    %add3A_429 = vector.broadcast %add3A_428 : i32 to vector<64x256xi32>
    %add3A_430 = arith.addi %and3A_358, %add3A_429 : vector<64x256xi32>
    %select_n3A_431 = arith.select %lt3A_427, %add3A_430, %and3A_358 : vector<64x256xi1>, vector<64x256xi32>
    %reshape3A_432 = vector.shape_cast %select_n3A_431 : vector<64x256xi32> to vector<64x256x1xi32>
    %gather3A_433 = vector.shape_cast %reshape3A_432 : vector<64x256x1xi32> to vector<64x256xi32>
    %gather3A_434 = tpu.dynamic_gather %slice3A_424[%gather3A_433] in [1] : vector<64x128xf32>, vector<64x256xi32> -> vector<64x256xf32>
    %eq3A_435 = arith.constant 4 : i32
    %eq3A_436 = vector.broadcast %eq3A_435 : i32 to vector<64x256xi32>
    %eq3A_437 = arith.cmpi eq, %shift_right_arithmetic3A_361, %eq3A_436 : vector<64x256xi32>
    %select_n3A_438 = arith.select %eq3A_437, %gather3A_434, %select_n3A_423 : vector<64x256xi1>, vector<64x256xf32>
    %slice3A_439 = vector.extract_strided_slice %get3A_22 {offsets = [0, 640], sizes = [64, 128], strides = [1, 1]} : vector<64x1024xf32> to vector<64x128xf32>
    %lt3A_440 = arith.constant 0 : i32
    %lt3A_441 = vector.broadcast %lt3A_440 : i32 to vector<64x256xi32>
    %lt3A_442 = arith.cmpi slt, %and3A_358, %lt3A_441 : vector<64x256xi32>
    %add3A_443 = arith.constant 128 : i32
    %add3A_444 = vector.broadcast %add3A_443 : i32 to vector<64x256xi32>
    %add3A_445 = arith.addi %and3A_358, %add3A_444 : vector<64x256xi32>
    %select_n3A_446 = arith.select %lt3A_442, %add3A_445, %and3A_358 : vector<64x256xi1>, vector<64x256xi32>
    %reshape3A_447 = vector.shape_cast %select_n3A_446 : vector<64x256xi32> to vector<64x256x1xi32>
    %gather3A_448 = vector.shape_cast %reshape3A_447 : vector<64x256x1xi32> to vector<64x256xi32>
    %gather3A_449 = tpu.dynamic_gather %slice3A_439[%gather3A_448] in [1] : vector<64x128xf32>, vector<64x256xi32> -> vector<64x256xf32>
    %eq3A_450 = arith.constant 5 : i32
    %eq3A_451 = vector.broadcast %eq3A_450 : i32 to vector<64x256xi32>
    %eq3A_452 = arith.cmpi eq, %shift_right_arithmetic3A_361, %eq3A_451 : vector<64x256xi32>
    %select_n3A_453 = arith.select %eq3A_452, %gather3A_449, %select_n3A_438 : vector<64x256xi1>, vector<64x256xf32>
    %slice3A_454 = vector.extract_strided_slice %get3A_22 {offsets = [0, 768], sizes = [64, 128], strides = [1, 1]} : vector<64x1024xf32> to vector<64x128xf32>
    %lt3A_455 = arith.constant 0 : i32
    %lt3A_456 = vector.broadcast %lt3A_455 : i32 to vector<64x256xi32>
    %lt3A_457 = arith.cmpi slt, %and3A_358, %lt3A_456 : vector<64x256xi32>
    %add3A_458 = arith.constant 128 : i32
    %add3A_459 = vector.broadcast %add3A_458 : i32 to vector<64x256xi32>
    %add3A_460 = arith.addi %and3A_358, %add3A_459 : vector<64x256xi32>
    %select_n3A_461 = arith.select %lt3A_457, %add3A_460, %and3A_358 : vector<64x256xi1>, vector<64x256xi32>
    %reshape3A_462 = vector.shape_cast %select_n3A_461 : vector<64x256xi32> to vector<64x256x1xi32>
    %gather3A_463 = vector.shape_cast %reshape3A_462 : vector<64x256x1xi32> to vector<64x256xi32>
    %gather3A_464 = tpu.dynamic_gather %slice3A_454[%gather3A_463] in [1] : vector<64x128xf32>, vector<64x256xi32> -> vector<64x256xf32>
    %eq3A_465 = arith.constant 6 : i32
    %eq3A_466 = vector.broadcast %eq3A_465 : i32 to vector<64x256xi32>
    %eq3A_467 = arith.cmpi eq, %shift_right_arithmetic3A_361, %eq3A_466 : vector<64x256xi32>
    %select_n3A_468 = arith.select %eq3A_467, %gather3A_464, %select_n3A_453 : vector<64x256xi1>, vector<64x256xf32>
    %slice3A_469 = vector.extract_strided_slice %get3A_22 {offsets = [0, 896], sizes = [64, 128], strides = [1, 1]} : vector<64x1024xf32> to vector<64x128xf32>
    %lt3A_470 = arith.constant 0 : i32
    %lt3A_471 = vector.broadcast %lt3A_470 : i32 to vector<64x256xi32>
    %lt3A_472 = arith.cmpi slt, %and3A_358, %lt3A_471 : vector<64x256xi32>
    %add3A_473 = arith.constant 128 : i32
    %add3A_474 = vector.broadcast %add3A_473 : i32 to vector<64x256xi32>
    %add3A_475 = arith.addi %and3A_358, %add3A_474 : vector<64x256xi32>
    %select_n3A_476 = arith.select %lt3A_472, %add3A_475, %and3A_358 : vector<64x256xi1>, vector<64x256xi32>
    %reshape3A_477 = vector.shape_cast %select_n3A_476 : vector<64x256xi32> to vector<64x256x1xi32>
    %gather3A_478 = vector.shape_cast %reshape3A_477 : vector<64x256x1xi32> to vector<64x256xi32>
    %gather3A_479 = tpu.dynamic_gather %slice3A_469[%gather3A_478] in [1] : vector<64x128xf32>, vector<64x256xi32> -> vector<64x256xf32>
    %eq3A_480 = arith.constant 7 : i32
    %eq3A_481 = vector.broadcast %eq3A_480 : i32 to vector<64x256xi32>
    %eq3A_482 = arith.cmpi eq, %shift_right_arithmetic3A_361, %eq3A_481 : vector<64x256xi32>
    %select_n3A_483 = arith.select %eq3A_482, %gather3A_479, %select_n3A_468 : vector<64x256xi1>, vector<64x256xf32>
    %transpose3A_484 = tpu.transpose %select_n3A_483, [1, 0] : vector<64x256xf32> -> vector<256x64xf32>
    %add3A_485 = arith.addf %broadcast_in_dim3A_15, %transpose3A_484 : vector<256x64xf32>
    %sub3A_486 = arith.subf %get3A_7, %transpose3A_484 : vector<256x64xf32>
    %dot_general3A_487 = arith.constant dense<0.000000e+00> : vector<256x1024xf32>
    %dot_general3A_488 = tpu.matmul %get3A_10, %get3A_22, %dot_general3A_487 {dimension_numbers = #tpu.dot_dimension_numbers<[1], [0], [0], [1], [0, 0, 1, 1], [], []>, transpose_lhs_hint = false} : vector<256x64xf32>, vector<64x1024xf32>, vector<256x1024xf32> -> vector<256x1024xf32>
    %mul3A_489 = arith.mulf %get3A_10, %get3A_10 : vector<256x64xf32>
    %reduce_sum3A_490 = arith.constant dense<0.000000e+00> : vector<256xf32>
    %reduce_sum3A_491 = vector.multi_reduction <add>, %mul3A_489, %reduce_sum3A_490 [1] : vector<256x64xf32> to vector<256xf32>
    %broadcast_in_dim3A_492 = vector.shape_cast %reduce_sum3A_491 : vector<256xf32> to vector<256x1xf32>
    %add3A_493 = vector.broadcast %broadcast_in_dim3A_492 : vector<256x1xf32> to vector<256x1024xf32>
    %add3A_494 = vector.broadcast %get3A_25 : vector<1x1024xf32> to vector<256x1024xf32>
    %add3A_495 = arith.addf %add3A_493, %add3A_494 : vector<256x1024xf32>
    %mul3A_496 = arith.constant 2.000000e+00 : f32
    %mul3A_497 = vector.broadcast %mul3A_496 : f32 to vector<256x1024xf32>
    %mul3A_498 = arith.mulf %mul3A_497, %dot_general3A_488 : vector<256x1024xf32>
    %sub3A_499 = arith.subf %add3A_495, %mul3A_498 : vector<256x1024xf32>
    %reduce_min3A_500 = arith.constant dense<0x7F800000> : vector<256xf32>
    %reduce_min3A_501 = vector.multi_reduction <minimumf>, %sub3A_499, %reduce_min3A_500 [1] : vector<256x1024xf32> to vector<256xf32>
    %broadcast_in_dim3A_502 = vector.shape_cast %reduce_min3A_501 : vector<256xf32> to vector<256x1xf32>
    %eq3A_503 = vector.broadcast %broadcast_in_dim3A_502 : vector<256x1xf32> to vector<256x1024xf32>
    %eq3A_504 = arith.cmpf oeq, %sub3A_499, %eq3A_503 : vector<256x1024xf32>
    %jit3A_505 = arith.constant 1.024000e+03 : f32
    %broadcast_in_dim3A_506 = vector.broadcast %jit3A_505 : f32 to vector<256x1024xf32>
    %select_n3A_507 = arith.select %eq3A_504, %convert_element_type3A, %broadcast_in_dim3A_506 : vector<256x1024xi1>, vector<256x1024xf32>
    %reduce_min3A_508 = arith.constant dense<0x7F800000> : vector<256xf32>
    %reduce_min3A_509 = vector.multi_reduction <minimumf>, %select_n3A_507, %reduce_min3A_508 [1] : vector<256x1024xf32> to vector<256xf32>
    %broadcast_in_dim3A_510 = vector.shape_cast %reduce_min3A_509 : vector<256xf32> to vector<256x1xf32>
    %convert_element_type3A_511 = arith.fptosi %broadcast_in_dim3A_510 : vector<256x1xf32> to vector<256x1xi32>
    %transpose3A_512 = tpu.transpose %convert_element_type3A_511, [1, 0] : vector<256x1xi32> -> vector<1x256xi32>
    %broadcast_in_dim3A_513 = vector.shape_cast %transpose3A_512 : vector<1x256xi32> to vector<1x256xi32>
    %broadcast_in_dim3A_514 = vector.broadcast %broadcast_in_dim3A_513 : vector<1x256xi32> to vector<64x256xi32>
    %and3A_515 = arith.constant 127 : i32
    %and3A_516 = vector.broadcast %and3A_515 : i32 to vector<64x256xi32>
    %and3A_517 = arith.andi %broadcast_in_dim3A_514, %and3A_516 : vector<64x256xi32>
    %shift_right_arithmetic3A_518 = arith.constant 7 : i32
    %shift_right_arithmetic3A_519 = vector.broadcast %shift_right_arithmetic3A_518 : i32 to vector<64x256xi32>
    %shift_right_arithmetic3A_520 = arith.shrsi %broadcast_in_dim3A_514, %shift_right_arithmetic3A_519 : vector<64x256xi32>
    %broadcast_in_dim3A_521 = arith.constant 0.000000e+00 : f32
    %broadcast_in_dim3A_522 = vector.broadcast %broadcast_in_dim3A_521 : f32 to vector<64x256xf32>
    %slice3A_523 = vector.extract_strided_slice %get3A_22 {offsets = [0, 0], sizes = [64, 128], strides = [1, 1]} : vector<64x1024xf32> to vector<64x128xf32>
    %lt3A_524 = arith.constant 0 : i32
    %lt3A_525 = vector.broadcast %lt3A_524 : i32 to vector<64x256xi32>
    %lt3A_526 = arith.cmpi slt, %and3A_517, %lt3A_525 : vector<64x256xi32>
    %add3A_527 = arith.constant 128 : i32
    %add3A_528 = vector.broadcast %add3A_527 : i32 to vector<64x256xi32>
    %add3A_529 = arith.addi %and3A_517, %add3A_528 : vector<64x256xi32>
    %select_n3A_530 = arith.select %lt3A_526, %add3A_529, %and3A_517 : vector<64x256xi1>, vector<64x256xi32>
    %reshape3A_531 = vector.shape_cast %select_n3A_530 : vector<64x256xi32> to vector<64x256x1xi32>
    %gather3A_532 = vector.shape_cast %reshape3A_531 : vector<64x256x1xi32> to vector<64x256xi32>
    %gather3A_533 = tpu.dynamic_gather %slice3A_523[%gather3A_532] in [1] : vector<64x128xf32>, vector<64x256xi32> -> vector<64x256xf32>
    %eq3A_534 = arith.constant 0 : i32
    %eq3A_535 = vector.broadcast %eq3A_534 : i32 to vector<64x256xi32>
    %eq3A_536 = arith.cmpi eq, %shift_right_arithmetic3A_520, %eq3A_535 : vector<64x256xi32>
    %select_n3A_537 = arith.select %eq3A_536, %gather3A_533, %broadcast_in_dim3A_522 : vector<64x256xi1>, vector<64x256xf32>
    %slice3A_538 = vector.extract_strided_slice %get3A_22 {offsets = [0, 128], sizes = [64, 128], strides = [1, 1]} : vector<64x1024xf32> to vector<64x128xf32>
    %lt3A_539 = arith.constant 0 : i32
    %lt3A_540 = vector.broadcast %lt3A_539 : i32 to vector<64x256xi32>
    %lt3A_541 = arith.cmpi slt, %and3A_517, %lt3A_540 : vector<64x256xi32>
    %add3A_542 = arith.constant 128 : i32
    %add3A_543 = vector.broadcast %add3A_542 : i32 to vector<64x256xi32>
    %add3A_544 = arith.addi %and3A_517, %add3A_543 : vector<64x256xi32>
    %select_n3A_545 = arith.select %lt3A_541, %add3A_544, %and3A_517 : vector<64x256xi1>, vector<64x256xi32>
    %reshape3A_546 = vector.shape_cast %select_n3A_545 : vector<64x256xi32> to vector<64x256x1xi32>
    %gather3A_547 = vector.shape_cast %reshape3A_546 : vector<64x256x1xi32> to vector<64x256xi32>
    %gather3A_548 = tpu.dynamic_gather %slice3A_538[%gather3A_547] in [1] : vector<64x128xf32>, vector<64x256xi32> -> vector<64x256xf32>
    %eq3A_549 = arith.constant 1 : i32
    %eq3A_550 = vector.broadcast %eq3A_549 : i32 to vector<64x256xi32>
    %eq3A_551 = arith.cmpi eq, %shift_right_arithmetic3A_520, %eq3A_550 : vector<64x256xi32>
    %select_n3A_552 = arith.select %eq3A_551, %gather3A_548, %select_n3A_537 : vector<64x256xi1>, vector<64x256xf32>
    %slice3A_553 = vector.extract_strided_slice %get3A_22 {offsets = [0, 256], sizes = [64, 128], strides = [1, 1]} : vector<64x1024xf32> to vector<64x128xf32>
    %lt3A_554 = arith.constant 0 : i32
    %lt3A_555 = vector.broadcast %lt3A_554 : i32 to vector<64x256xi32>
    %lt3A_556 = arith.cmpi slt, %and3A_517, %lt3A_555 : vector<64x256xi32>
    %add3A_557 = arith.constant 128 : i32
    %add3A_558 = vector.broadcast %add3A_557 : i32 to vector<64x256xi32>
    %add3A_559 = arith.addi %and3A_517, %add3A_558 : vector<64x256xi32>
    %select_n3A_560 = arith.select %lt3A_556, %add3A_559, %and3A_517 : vector<64x256xi1>, vector<64x256xi32>
    %reshape3A_561 = vector.shape_cast %select_n3A_560 : vector<64x256xi32> to vector<64x256x1xi32>
    %gather3A_562 = vector.shape_cast %reshape3A_561 : vector<64x256x1xi32> to vector<64x256xi32>
    %gather3A_563 = tpu.dynamic_gather %slice3A_553[%gather3A_562] in [1] : vector<64x128xf32>, vector<64x256xi32> -> vector<64x256xf32>
    %eq3A_564 = arith.constant 2 : i32
    %eq3A_565 = vector.broadcast %eq3A_564 : i32 to vector<64x256xi32>
    %eq3A_566 = arith.cmpi eq, %shift_right_arithmetic3A_520, %eq3A_565 : vector<64x256xi32>
    %select_n3A_567 = arith.select %eq3A_566, %gather3A_563, %select_n3A_552 : vector<64x256xi1>, vector<64x256xf32>
    %slice3A_568 = vector.extract_strided_slice %get3A_22 {offsets = [0, 384], sizes = [64, 128], strides = [1, 1]} : vector<64x1024xf32> to vector<64x128xf32>
    %lt3A_569 = arith.constant 0 : i32
    %lt3A_570 = vector.broadcast %lt3A_569 : i32 to vector<64x256xi32>
    %lt3A_571 = arith.cmpi slt, %and3A_517, %lt3A_570 : vector<64x256xi32>
    %add3A_572 = arith.constant 128 : i32
    %add3A_573 = vector.broadcast %add3A_572 : i32 to vector<64x256xi32>
    %add3A_574 = arith.addi %and3A_517, %add3A_573 : vector<64x256xi32>
    %select_n3A_575 = arith.select %lt3A_571, %add3A_574, %and3A_517 : vector<64x256xi1>, vector<64x256xi32>
    %reshape3A_576 = vector.shape_cast %select_n3A_575 : vector<64x256xi32> to vector<64x256x1xi32>
    %gather3A_577 = vector.shape_cast %reshape3A_576 : vector<64x256x1xi32> to vector<64x256xi32>
    %gather3A_578 = tpu.dynamic_gather %slice3A_568[%gather3A_577] in [1] : vector<64x128xf32>, vector<64x256xi32> -> vector<64x256xf32>
    %eq3A_579 = arith.constant 3 : i32
    %eq3A_580 = vector.broadcast %eq3A_579 : i32 to vector<64x256xi32>
    %eq3A_581 = arith.cmpi eq, %shift_right_arithmetic3A_520, %eq3A_580 : vector<64x256xi32>
    %select_n3A_582 = arith.select %eq3A_581, %gather3A_578, %select_n3A_567 : vector<64x256xi1>, vector<64x256xf32>
    %slice3A_583 = vector.extract_strided_slice %get3A_22 {offsets = [0, 512], sizes = [64, 128], strides = [1, 1]} : vector<64x1024xf32> to vector<64x128xf32>
    %lt3A_584 = arith.constant 0 : i32
    %lt3A_585 = vector.broadcast %lt3A_584 : i32 to vector<64x256xi32>
    %lt3A_586 = arith.cmpi slt, %and3A_517, %lt3A_585 : vector<64x256xi32>
    %add3A_587 = arith.constant 128 : i32
    %add3A_588 = vector.broadcast %add3A_587 : i32 to vector<64x256xi32>
    %add3A_589 = arith.addi %and3A_517, %add3A_588 : vector<64x256xi32>
    %select_n3A_590 = arith.select %lt3A_586, %add3A_589, %and3A_517 : vector<64x256xi1>, vector<64x256xi32>
    %reshape3A_591 = vector.shape_cast %select_n3A_590 : vector<64x256xi32> to vector<64x256x1xi32>
    %gather3A_592 = vector.shape_cast %reshape3A_591 : vector<64x256x1xi32> to vector<64x256xi32>
    %gather3A_593 = tpu.dynamic_gather %slice3A_583[%gather3A_592] in [1] : vector<64x128xf32>, vector<64x256xi32> -> vector<64x256xf32>
    %eq3A_594 = arith.constant 4 : i32
    %eq3A_595 = vector.broadcast %eq3A_594 : i32 to vector<64x256xi32>
    %eq3A_596 = arith.cmpi eq, %shift_right_arithmetic3A_520, %eq3A_595 : vector<64x256xi32>
    %select_n3A_597 = arith.select %eq3A_596, %gather3A_593, %select_n3A_582 : vector<64x256xi1>, vector<64x256xf32>
    %slice3A_598 = vector.extract_strided_slice %get3A_22 {offsets = [0, 640], sizes = [64, 128], strides = [1, 1]} : vector<64x1024xf32> to vector<64x128xf32>
    %lt3A_599 = arith.constant 0 : i32
    %lt3A_600 = vector.broadcast %lt3A_599 : i32 to vector<64x256xi32>
    %lt3A_601 = arith.cmpi slt, %and3A_517, %lt3A_600 : vector<64x256xi32>
    %add3A_602 = arith.constant 128 : i32
    %add3A_603 = vector.broadcast %add3A_602 : i32 to vector<64x256xi32>
    %add3A_604 = arith.addi %and3A_517, %add3A_603 : vector<64x256xi32>
    %select_n3A_605 = arith.select %lt3A_601, %add3A_604, %and3A_517 : vector<64x256xi1>, vector<64x256xi32>
    %reshape3A_606 = vector.shape_cast %select_n3A_605 : vector<64x256xi32> to vector<64x256x1xi32>
    %gather3A_607 = vector.shape_cast %reshape3A_606 : vector<64x256x1xi32> to vector<64x256xi32>
    %gather3A_608 = tpu.dynamic_gather %slice3A_598[%gather3A_607] in [1] : vector<64x128xf32>, vector<64x256xi32> -> vector<64x256xf32>
    %eq3A_609 = arith.constant 5 : i32
    %eq3A_610 = vector.broadcast %eq3A_609 : i32 to vector<64x256xi32>
    %eq3A_611 = arith.cmpi eq, %shift_right_arithmetic3A_520, %eq3A_610 : vector<64x256xi32>
    %select_n3A_612 = arith.select %eq3A_611, %gather3A_608, %select_n3A_597 : vector<64x256xi1>, vector<64x256xf32>
    %slice3A_613 = vector.extract_strided_slice %get3A_22 {offsets = [0, 768], sizes = [64, 128], strides = [1, 1]} : vector<64x1024xf32> to vector<64x128xf32>
    %lt3A_614 = arith.constant 0 : i32
    %lt3A_615 = vector.broadcast %lt3A_614 : i32 to vector<64x256xi32>
    %lt3A_616 = arith.cmpi slt, %and3A_517, %lt3A_615 : vector<64x256xi32>
    %add3A_617 = arith.constant 128 : i32
    %add3A_618 = vector.broadcast %add3A_617 : i32 to vector<64x256xi32>
    %add3A_619 = arith.addi %and3A_517, %add3A_618 : vector<64x256xi32>
    %select_n3A_620 = arith.select %lt3A_616, %add3A_619, %and3A_517 : vector<64x256xi1>, vector<64x256xi32>
    %reshape3A_621 = vector.shape_cast %select_n3A_620 : vector<64x256xi32> to vector<64x256x1xi32>
    %gather3A_622 = vector.shape_cast %reshape3A_621 : vector<64x256x1xi32> to vector<64x256xi32>
    %gather3A_623 = tpu.dynamic_gather %slice3A_613[%gather3A_622] in [1] : vector<64x128xf32>, vector<64x256xi32> -> vector<64x256xf32>
    %eq3A_624 = arith.constant 6 : i32
    %eq3A_625 = vector.broadcast %eq3A_624 : i32 to vector<64x256xi32>
    %eq3A_626 = arith.cmpi eq, %shift_right_arithmetic3A_520, %eq3A_625 : vector<64x256xi32>
    %select_n3A_627 = arith.select %eq3A_626, %gather3A_623, %select_n3A_612 : vector<64x256xi1>, vector<64x256xf32>
    %slice3A_628 = vector.extract_strided_slice %get3A_22 {offsets = [0, 896], sizes = [64, 128], strides = [1, 1]} : vector<64x1024xf32> to vector<64x128xf32>
    %lt3A_629 = arith.constant 0 : i32
    %lt3A_630 = vector.broadcast %lt3A_629 : i32 to vector<64x256xi32>
    %lt3A_631 = arith.cmpi slt, %and3A_517, %lt3A_630 : vector<64x256xi32>
    %add3A_632 = arith.constant 128 : i32
    %add3A_633 = vector.broadcast %add3A_632 : i32 to vector<64x256xi32>
    %add3A_634 = arith.addi %and3A_517, %add3A_633 : vector<64x256xi32>
    %select_n3A_635 = arith.select %lt3A_631, %add3A_634, %and3A_517 : vector<64x256xi1>, vector<64x256xi32>
    %reshape3A_636 = vector.shape_cast %select_n3A_635 : vector<64x256xi32> to vector<64x256x1xi32>
    %gather3A_637 = vector.shape_cast %reshape3A_636 : vector<64x256x1xi32> to vector<64x256xi32>
    %gather3A_638 = tpu.dynamic_gather %slice3A_628[%gather3A_637] in [1] : vector<64x128xf32>, vector<64x256xi32> -> vector<64x256xf32>
    %eq3A_639 = arith.constant 7 : i32
    %eq3A_640 = vector.broadcast %eq3A_639 : i32 to vector<64x256xi32>
    %eq3A_641 = arith.cmpi eq, %shift_right_arithmetic3A_520, %eq3A_640 : vector<64x256xi32>
    %select_n3A_642 = arith.select %eq3A_641, %gather3A_638, %select_n3A_627 : vector<64x256xi1>, vector<64x256xf32>
    %transpose3A_643 = tpu.transpose %select_n3A_642, [1, 0] : vector<64x256xf32> -> vector<256x64xf32>
    %add3A_644 = arith.addf %broadcast_in_dim3A_17, %transpose3A_643 : vector<256x64xf32>
    %sub3A_645 = arith.subf %get3A_10, %transpose3A_643 : vector<256x64xf32>
    %get3A_646 = arith.constant 1 : index
    %get3A_647 = arith.constant 0 : index
    %get3A_648 = arith.constant 0 : index
    %get3A_649 = vector.load %arg2[%get3A_646, %get3A_647, %get3A_648] : memref<4x64x1024xf32, #tpu.memory_space<vmem>>, vector<1x64x1024xf32>
    %get3A_650 = vector.shape_cast %get3A_649 : vector<1x64x1024xf32> to vector<64x1024xf32>
    %get3A_651 = arith.constant 1 : index
    %get3A_652 = arith.constant 0 : index
    %get3A_653 = vector.load %arg3[%get3A_651, %get3A_652] : memref<4x1024xf32, #tpu.memory_space<vmem>>, vector<1x1024xf32>
    %dot_general3A_654 = arith.constant dense<0.000000e+00> : vector<256x1024xf32>
    %dot_general3A_655 = tpu.matmul %sub3A_168, %get3A_650, %dot_general3A_654 {dimension_numbers = #tpu.dot_dimension_numbers<[1], [0], [0], [1], [0, 0, 1, 1], [], []>, transpose_lhs_hint = false} : vector<256x64xf32>, vector<64x1024xf32>, vector<256x1024xf32> -> vector<256x1024xf32>
    %mul3A_656 = arith.mulf %sub3A_168, %sub3A_168 : vector<256x64xf32>
    %reduce_sum3A_657 = arith.constant dense<0.000000e+00> : vector<256xf32>
    %reduce_sum3A_658 = vector.multi_reduction <add>, %mul3A_656, %reduce_sum3A_657 [1] : vector<256x64xf32> to vector<256xf32>
    %broadcast_in_dim3A_659 = vector.shape_cast %reduce_sum3A_658 : vector<256xf32> to vector<256x1xf32>
    %add3A_660 = vector.broadcast %broadcast_in_dim3A_659 : vector<256x1xf32> to vector<256x1024xf32>
    %add3A_661 = vector.broadcast %get3A_653 : vector<1x1024xf32> to vector<256x1024xf32>
    %add3A_662 = arith.addf %add3A_660, %add3A_661 : vector<256x1024xf32>
    %mul3A_663 = arith.constant 2.000000e+00 : f32
    %mul3A_664 = vector.broadcast %mul3A_663 : f32 to vector<256x1024xf32>
    %mul3A_665 = arith.mulf %mul3A_664, %dot_general3A_655 : vector<256x1024xf32>
    %sub3A_666 = arith.subf %add3A_662, %mul3A_665 : vector<256x1024xf32>
    %reduce_min3A_667 = arith.constant dense<0x7F800000> : vector<256xf32>
    %reduce_min3A_668 = vector.multi_reduction <minimumf>, %sub3A_666, %reduce_min3A_667 [1] : vector<256x1024xf32> to vector<256xf32>
    %broadcast_in_dim3A_669 = vector.shape_cast %reduce_min3A_668 : vector<256xf32> to vector<256x1xf32>
    %eq3A_670 = vector.broadcast %broadcast_in_dim3A_669 : vector<256x1xf32> to vector<256x1024xf32>
    %eq3A_671 = arith.cmpf oeq, %sub3A_666, %eq3A_670 : vector<256x1024xf32>
    %jit3A_672 = arith.constant 1.024000e+03 : f32
    %broadcast_in_dim3A_673 = vector.broadcast %jit3A_672 : f32 to vector<256x1024xf32>
    %select_n3A_674 = arith.select %eq3A_671, %convert_element_type3A, %broadcast_in_dim3A_673 : vector<256x1024xi1>, vector<256x1024xf32>
    %reduce_min3A_675 = arith.constant dense<0x7F800000> : vector<256xf32>
    %reduce_min3A_676 = vector.multi_reduction <minimumf>, %select_n3A_674, %reduce_min3A_675 [1] : vector<256x1024xf32> to vector<256xf32>
    %broadcast_in_dim3A_677 = vector.shape_cast %reduce_min3A_676 : vector<256xf32> to vector<256x1xf32>
    %convert_element_type3A_678 = arith.fptosi %broadcast_in_dim3A_677 : vector<256x1xf32> to vector<256x1xi32>
    %transpose3A_679 = tpu.transpose %convert_element_type3A_678, [1, 0] : vector<256x1xi32> -> vector<1x256xi32>
    %broadcast_in_dim3A_680 = vector.shape_cast %transpose3A_679 : vector<1x256xi32> to vector<1x256xi32>
    %broadcast_in_dim3A_681 = vector.broadcast %broadcast_in_dim3A_680 : vector<1x256xi32> to vector<64x256xi32>
    %and3A_682 = arith.constant 127 : i32
    %and3A_683 = vector.broadcast %and3A_682 : i32 to vector<64x256xi32>
    %and3A_684 = arith.andi %broadcast_in_dim3A_681, %and3A_683 : vector<64x256xi32>
    %shift_right_arithmetic3A_685 = arith.constant 7 : i32
    %shift_right_arithmetic3A_686 = vector.broadcast %shift_right_arithmetic3A_685 : i32 to vector<64x256xi32>
    %shift_right_arithmetic3A_687 = arith.shrsi %broadcast_in_dim3A_681, %shift_right_arithmetic3A_686 : vector<64x256xi32>
    %broadcast_in_dim3A_688 = arith.constant 0.000000e+00 : f32
    %broadcast_in_dim3A_689 = vector.broadcast %broadcast_in_dim3A_688 : f32 to vector<64x256xf32>
    %slice3A_690 = vector.extract_strided_slice %get3A_650 {offsets = [0, 0], sizes = [64, 128], strides = [1, 1]} : vector<64x1024xf32> to vector<64x128xf32>
    %lt3A_691 = arith.constant 0 : i32
    %lt3A_692 = vector.broadcast %lt3A_691 : i32 to vector<64x256xi32>
    %lt3A_693 = arith.cmpi slt, %and3A_684, %lt3A_692 : vector<64x256xi32>
    %add3A_694 = arith.constant 128 : i32
    %add3A_695 = vector.broadcast %add3A_694 : i32 to vector<64x256xi32>
    %add3A_696 = arith.addi %and3A_684, %add3A_695 : vector<64x256xi32>
    %select_n3A_697 = arith.select %lt3A_693, %add3A_696, %and3A_684 : vector<64x256xi1>, vector<64x256xi32>
    %reshape3A_698 = vector.shape_cast %select_n3A_697 : vector<64x256xi32> to vector<64x256x1xi32>
    %gather3A_699 = vector.shape_cast %reshape3A_698 : vector<64x256x1xi32> to vector<64x256xi32>
    %gather3A_700 = tpu.dynamic_gather %slice3A_690[%gather3A_699] in [1] : vector<64x128xf32>, vector<64x256xi32> -> vector<64x256xf32>
    %eq3A_701 = arith.constant 0 : i32
    %eq3A_702 = vector.broadcast %eq3A_701 : i32 to vector<64x256xi32>
    %eq3A_703 = arith.cmpi eq, %shift_right_arithmetic3A_687, %eq3A_702 : vector<64x256xi32>
    %select_n3A_704 = arith.select %eq3A_703, %gather3A_700, %broadcast_in_dim3A_689 : vector<64x256xi1>, vector<64x256xf32>
    %slice3A_705 = vector.extract_strided_slice %get3A_650 {offsets = [0, 128], sizes = [64, 128], strides = [1, 1]} : vector<64x1024xf32> to vector<64x128xf32>
    %lt3A_706 = arith.constant 0 : i32
    %lt3A_707 = vector.broadcast %lt3A_706 : i32 to vector<64x256xi32>
    %lt3A_708 = arith.cmpi slt, %and3A_684, %lt3A_707 : vector<64x256xi32>
    %add3A_709 = arith.constant 128 : i32
    %add3A_710 = vector.broadcast %add3A_709 : i32 to vector<64x256xi32>
    %add3A_711 = arith.addi %and3A_684, %add3A_710 : vector<64x256xi32>
    %select_n3A_712 = arith.select %lt3A_708, %add3A_711, %and3A_684 : vector<64x256xi1>, vector<64x256xi32>
    %reshape3A_713 = vector.shape_cast %select_n3A_712 : vector<64x256xi32> to vector<64x256x1xi32>
    %gather3A_714 = vector.shape_cast %reshape3A_713 : vector<64x256x1xi32> to vector<64x256xi32>
    %gather3A_715 = tpu.dynamic_gather %slice3A_705[%gather3A_714] in [1] : vector<64x128xf32>, vector<64x256xi32> -> vector<64x256xf32>
    %eq3A_716 = arith.constant 1 : i32
    %eq3A_717 = vector.broadcast %eq3A_716 : i32 to vector<64x256xi32>
    %eq3A_718 = arith.cmpi eq, %shift_right_arithmetic3A_687, %eq3A_717 : vector<64x256xi32>
    %select_n3A_719 = arith.select %eq3A_718, %gather3A_715, %select_n3A_704 : vector<64x256xi1>, vector<64x256xf32>
    %slice3A_720 = vector.extract_strided_slice %get3A_650 {offsets = [0, 256], sizes = [64, 128], strides = [1, 1]} : vector<64x1024xf32> to vector<64x128xf32>
    %lt3A_721 = arith.constant 0 : i32
    %lt3A_722 = vector.broadcast %lt3A_721 : i32 to vector<64x256xi32>
    %lt3A_723 = arith.cmpi slt, %and3A_684, %lt3A_722 : vector<64x256xi32>
    %add3A_724 = arith.constant 128 : i32
    %add3A_725 = vector.broadcast %add3A_724 : i32 to vector<64x256xi32>
    %add3A_726 = arith.addi %and3A_684, %add3A_725 : vector<64x256xi32>
    %select_n3A_727 = arith.select %lt3A_723, %add3A_726, %and3A_684 : vector<64x256xi1>, vector<64x256xi32>
    %reshape3A_728 = vector.shape_cast %select_n3A_727 : vector<64x256xi32> to vector<64x256x1xi32>
    %gather3A_729 = vector.shape_cast %reshape3A_728 : vector<64x256x1xi32> to vector<64x256xi32>
    %gather3A_730 = tpu.dynamic_gather %slice3A_720[%gather3A_729] in [1] : vector<64x128xf32>, vector<64x256xi32> -> vector<64x256xf32>
    %eq3A_731 = arith.constant 2 : i32
    %eq3A_732 = vector.broadcast %eq3A_731 : i32 to vector<64x256xi32>
    %eq3A_733 = arith.cmpi eq, %shift_right_arithmetic3A_687, %eq3A_732 : vector<64x256xi32>
    %select_n3A_734 = arith.select %eq3A_733, %gather3A_730, %select_n3A_719 : vector<64x256xi1>, vector<64x256xf32>
    %slice3A_735 = vector.extract_strided_slice %get3A_650 {offsets = [0, 384], sizes = [64, 128], strides = [1, 1]} : vector<64x1024xf32> to vector<64x128xf32>
    %lt3A_736 = arith.constant 0 : i32
    %lt3A_737 = vector.broadcast %lt3A_736 : i32 to vector<64x256xi32>
    %lt3A_738 = arith.cmpi slt, %and3A_684, %lt3A_737 : vector<64x256xi32>
    %add3A_739 = arith.constant 128 : i32
    %add3A_740 = vector.broadcast %add3A_739 : i32 to vector<64x256xi32>
    %add3A_741 = arith.addi %and3A_684, %add3A_740 : vector<64x256xi32>
    %select_n3A_742 = arith.select %lt3A_738, %add3A_741, %and3A_684 : vector<64x256xi1>, vector<64x256xi32>
    %reshape3A_743 = vector.shape_cast %select_n3A_742 : vector<64x256xi32> to vector<64x256x1xi32>
    %gather3A_744 = vector.shape_cast %reshape3A_743 : vector<64x256x1xi32> to vector<64x256xi32>
    %gather3A_745 = tpu.dynamic_gather %slice3A_735[%gather3A_744] in [1] : vector<64x128xf32>, vector<64x256xi32> -> vector<64x256xf32>
    %eq3A_746 = arith.constant 3 : i32
    %eq3A_747 = vector.broadcast %eq3A_746 : i32 to vector<64x256xi32>
    %eq3A_748 = arith.cmpi eq, %shift_right_arithmetic3A_687, %eq3A_747 : vector<64x256xi32>
    %select_n3A_749 = arith.select %eq3A_748, %gather3A_745, %select_n3A_734 : vector<64x256xi1>, vector<64x256xf32>
    %slice3A_750 = vector.extract_strided_slice %get3A_650 {offsets = [0, 512], sizes = [64, 128], strides = [1, 1]} : vector<64x1024xf32> to vector<64x128xf32>
    %lt3A_751 = arith.constant 0 : i32
    %lt3A_752 = vector.broadcast %lt3A_751 : i32 to vector<64x256xi32>
    %lt3A_753 = arith.cmpi slt, %and3A_684, %lt3A_752 : vector<64x256xi32>
    %add3A_754 = arith.constant 128 : i32
    %add3A_755 = vector.broadcast %add3A_754 : i32 to vector<64x256xi32>
    %add3A_756 = arith.addi %and3A_684, %add3A_755 : vector<64x256xi32>
    %select_n3A_757 = arith.select %lt3A_753, %add3A_756, %and3A_684 : vector<64x256xi1>, vector<64x256xi32>
    %reshape3A_758 = vector.shape_cast %select_n3A_757 : vector<64x256xi32> to vector<64x256x1xi32>
    %gather3A_759 = vector.shape_cast %reshape3A_758 : vector<64x256x1xi32> to vector<64x256xi32>
    %gather3A_760 = tpu.dynamic_gather %slice3A_750[%gather3A_759] in [1] : vector<64x128xf32>, vector<64x256xi32> -> vector<64x256xf32>
    %eq3A_761 = arith.constant 4 : i32
    %eq3A_762 = vector.broadcast %eq3A_761 : i32 to vector<64x256xi32>
    %eq3A_763 = arith.cmpi eq, %shift_right_arithmetic3A_687, %eq3A_762 : vector<64x256xi32>
    %select_n3A_764 = arith.select %eq3A_763, %gather3A_760, %select_n3A_749 : vector<64x256xi1>, vector<64x256xf32>
    %slice3A_765 = vector.extract_strided_slice %get3A_650 {offsets = [0, 640], sizes = [64, 128], strides = [1, 1]} : vector<64x1024xf32> to vector<64x128xf32>
    %lt3A_766 = arith.constant 0 : i32
    %lt3A_767 = vector.broadcast %lt3A_766 : i32 to vector<64x256xi32>
    %lt3A_768 = arith.cmpi slt, %and3A_684, %lt3A_767 : vector<64x256xi32>
    %add3A_769 = arith.constant 128 : i32
    %add3A_770 = vector.broadcast %add3A_769 : i32 to vector<64x256xi32>
    %add3A_771 = arith.addi %and3A_684, %add3A_770 : vector<64x256xi32>
    %select_n3A_772 = arith.select %lt3A_768, %add3A_771, %and3A_684 : vector<64x256xi1>, vector<64x256xi32>
    %reshape3A_773 = vector.shape_cast %select_n3A_772 : vector<64x256xi32> to vector<64x256x1xi32>
    %gather3A_774 = vector.shape_cast %reshape3A_773 : vector<64x256x1xi32> to vector<64x256xi32>
    %gather3A_775 = tpu.dynamic_gather %slice3A_765[%gather3A_774] in [1] : vector<64x128xf32>, vector<64x256xi32> -> vector<64x256xf32>
    %eq3A_776 = arith.constant 5 : i32
    %eq3A_777 = vector.broadcast %eq3A_776 : i32 to vector<64x256xi32>
    %eq3A_778 = arith.cmpi eq, %shift_right_arithmetic3A_687, %eq3A_777 : vector<64x256xi32>
    %select_n3A_779 = arith.select %eq3A_778, %gather3A_775, %select_n3A_764 : vector<64x256xi1>, vector<64x256xf32>
    %slice3A_780 = vector.extract_strided_slice %get3A_650 {offsets = [0, 768], sizes = [64, 128], strides = [1, 1]} : vector<64x1024xf32> to vector<64x128xf32>
    %lt3A_781 = arith.constant 0 : i32
    %lt3A_782 = vector.broadcast %lt3A_781 : i32 to vector<64x256xi32>
    %lt3A_783 = arith.cmpi slt, %and3A_684, %lt3A_782 : vector<64x256xi32>
    %add3A_784 = arith.constant 128 : i32
    %add3A_785 = vector.broadcast %add3A_784 : i32 to vector<64x256xi32>
    %add3A_786 = arith.addi %and3A_684, %add3A_785 : vector<64x256xi32>
    %select_n3A_787 = arith.select %lt3A_783, %add3A_786, %and3A_684 : vector<64x256xi1>, vector<64x256xi32>
    %reshape3A_788 = vector.shape_cast %select_n3A_787 : vector<64x256xi32> to vector<64x256x1xi32>
    %gather3A_789 = vector.shape_cast %reshape3A_788 : vector<64x256x1xi32> to vector<64x256xi32>
    %gather3A_790 = tpu.dynamic_gather %slice3A_780[%gather3A_789] in [1] : vector<64x128xf32>, vector<64x256xi32> -> vector<64x256xf32>
    %eq3A_791 = arith.constant 6 : i32
    %eq3A_792 = vector.broadcast %eq3A_791 : i32 to vector<64x256xi32>
    %eq3A_793 = arith.cmpi eq, %shift_right_arithmetic3A_687, %eq3A_792 : vector<64x256xi32>
    %select_n3A_794 = arith.select %eq3A_793, %gather3A_790, %select_n3A_779 : vector<64x256xi1>, vector<64x256xf32>
    %slice3A_795 = vector.extract_strided_slice %get3A_650 {offsets = [0, 896], sizes = [64, 128], strides = [1, 1]} : vector<64x1024xf32> to vector<64x128xf32>
    %lt3A_796 = arith.constant 0 : i32
    %lt3A_797 = vector.broadcast %lt3A_796 : i32 to vector<64x256xi32>
    %lt3A_798 = arith.cmpi slt, %and3A_684, %lt3A_797 : vector<64x256xi32>
    %add3A_799 = arith.constant 128 : i32
    %add3A_800 = vector.broadcast %add3A_799 : i32 to vector<64x256xi32>
    %add3A_801 = arith.addi %and3A_684, %add3A_800 : vector<64x256xi32>
    %select_n3A_802 = arith.select %lt3A_798, %add3A_801, %and3A_684 : vector<64x256xi1>, vector<64x256xi32>
    %reshape3A_803 = vector.shape_cast %select_n3A_802 : vector<64x256xi32> to vector<64x256x1xi32>
    %gather3A_804 = vector.shape_cast %reshape3A_803 : vector<64x256x1xi32> to vector<64x256xi32>
    %gather3A_805 = tpu.dynamic_gather %slice3A_795[%gather3A_804] in [1] : vector<64x128xf32>, vector<64x256xi32> -> vector<64x256xf32>
    %eq3A_806 = arith.constant 7 : i32
    %eq3A_807 = vector.broadcast %eq3A_806 : i32 to vector<64x256xi32>
    %eq3A_808 = arith.cmpi eq, %shift_right_arithmetic3A_687, %eq3A_807 : vector<64x256xi32>
    %select_n3A_809 = arith.select %eq3A_808, %gather3A_805, %select_n3A_794 : vector<64x256xi1>, vector<64x256xf32>
    %transpose3A_810 = tpu.transpose %select_n3A_809, [1, 0] : vector<64x256xf32> -> vector<256x64xf32>
    %add3A_811 = arith.addf %add3A_167, %transpose3A_810 : vector<256x64xf32>
    %sub3A_812 = arith.subf %sub3A_168, %transpose3A_810 : vector<256x64xf32>
    %dot_general3A_813 = arith.constant dense<0.000000e+00> : vector<256x1024xf32>
    %dot_general3A_814 = tpu.matmul %sub3A_327, %get3A_650, %dot_general3A_813 {dimension_numbers = #tpu.dot_dimension_numbers<[1], [0], [0], [1], [0, 0, 1, 1], [], []>, transpose_lhs_hint = false} : vector<256x64xf32>, vector<64x1024xf32>, vector<256x1024xf32> -> vector<256x1024xf32>
    %mul3A_815 = arith.mulf %sub3A_327, %sub3A_327 : vector<256x64xf32>
    %reduce_sum3A_816 = arith.constant dense<0.000000e+00> : vector<256xf32>
    %reduce_sum3A_817 = vector.multi_reduction <add>, %mul3A_815, %reduce_sum3A_816 [1] : vector<256x64xf32> to vector<256xf32>
    %broadcast_in_dim3A_818 = vector.shape_cast %reduce_sum3A_817 : vector<256xf32> to vector<256x1xf32>
    %add3A_819 = vector.broadcast %broadcast_in_dim3A_818 : vector<256x1xf32> to vector<256x1024xf32>
    %add3A_820 = vector.broadcast %get3A_653 : vector<1x1024xf32> to vector<256x1024xf32>
    %add3A_821 = arith.addf %add3A_819, %add3A_820 : vector<256x1024xf32>
    %mul3A_822 = arith.constant 2.000000e+00 : f32
    %mul3A_823 = vector.broadcast %mul3A_822 : f32 to vector<256x1024xf32>
    %mul3A_824 = arith.mulf %mul3A_823, %dot_general3A_814 : vector<256x1024xf32>
    %sub3A_825 = arith.subf %add3A_821, %mul3A_824 : vector<256x1024xf32>
    %reduce_min3A_826 = arith.constant dense<0x7F800000> : vector<256xf32>
    %reduce_min3A_827 = vector.multi_reduction <minimumf>, %sub3A_825, %reduce_min3A_826 [1] : vector<256x1024xf32> to vector<256xf32>
    %broadcast_in_dim3A_828 = vector.shape_cast %reduce_min3A_827 : vector<256xf32> to vector<256x1xf32>
    %eq3A_829 = vector.broadcast %broadcast_in_dim3A_828 : vector<256x1xf32> to vector<256x1024xf32>
    %eq3A_830 = arith.cmpf oeq, %sub3A_825, %eq3A_829 : vector<256x1024xf32>
    %jit3A_831 = arith.constant 1.024000e+03 : f32
    %broadcast_in_dim3A_832 = vector.broadcast %jit3A_831 : f32 to vector<256x1024xf32>
    %select_n3A_833 = arith.select %eq3A_830, %convert_element_type3A, %broadcast_in_dim3A_832 : vector<256x1024xi1>, vector<256x1024xf32>
    %reduce_min3A_834 = arith.constant dense<0x7F800000> : vector<256xf32>
    %reduce_min3A_835 = vector.multi_reduction <minimumf>, %select_n3A_833, %reduce_min3A_834 [1] : vector<256x1024xf32> to vector<256xf32>
    %broadcast_in_dim3A_836 = vector.shape_cast %reduce_min3A_835 : vector<256xf32> to vector<256x1xf32>
    %convert_element_type3A_837 = arith.fptosi %broadcast_in_dim3A_836 : vector<256x1xf32> to vector<256x1xi32>
    %transpose3A_838 = tpu.transpose %convert_element_type3A_837, [1, 0] : vector<256x1xi32> -> vector<1x256xi32>
    %broadcast_in_dim3A_839 = vector.shape_cast %transpose3A_838 : vector<1x256xi32> to vector<1x256xi32>
    %broadcast_in_dim3A_840 = vector.broadcast %broadcast_in_dim3A_839 : vector<1x256xi32> to vector<64x256xi32>
    %and3A_841 = arith.constant 127 : i32
    %and3A_842 = vector.broadcast %and3A_841 : i32 to vector<64x256xi32>
    %and3A_843 = arith.andi %broadcast_in_dim3A_840, %and3A_842 : vector<64x256xi32>
    %shift_right_arithmetic3A_844 = arith.constant 7 : i32
    %shift_right_arithmetic3A_845 = vector.broadcast %shift_right_arithmetic3A_844 : i32 to vector<64x256xi32>
    %shift_right_arithmetic3A_846 = arith.shrsi %broadcast_in_dim3A_840, %shift_right_arithmetic3A_845 : vector<64x256xi32>
    %broadcast_in_dim3A_847 = arith.constant 0.000000e+00 : f32
    %broadcast_in_dim3A_848 = vector.broadcast %broadcast_in_dim3A_847 : f32 to vector<64x256xf32>
    %slice3A_849 = vector.extract_strided_slice %get3A_650 {offsets = [0, 0], sizes = [64, 128], strides = [1, 1]} : vector<64x1024xf32> to vector<64x128xf32>
    %lt3A_850 = arith.constant 0 : i32
    %lt3A_851 = vector.broadcast %lt3A_850 : i32 to vector<64x256xi32>
    %lt3A_852 = arith.cmpi slt, %and3A_843, %lt3A_851 : vector<64x256xi32>
    %add3A_853 = arith.constant 128 : i32
    %add3A_854 = vector.broadcast %add3A_853 : i32 to vector<64x256xi32>
    %add3A_855 = arith.addi %and3A_843, %add3A_854 : vector<64x256xi32>
    %select_n3A_856 = arith.select %lt3A_852, %add3A_855, %and3A_843 : vector<64x256xi1>, vector<64x256xi32>
    %reshape3A_857 = vector.shape_cast %select_n3A_856 : vector<64x256xi32> to vector<64x256x1xi32>
    %gather3A_858 = vector.shape_cast %reshape3A_857 : vector<64x256x1xi32> to vector<64x256xi32>
    %gather3A_859 = tpu.dynamic_gather %slice3A_849[%gather3A_858] in [1] : vector<64x128xf32>, vector<64x256xi32> -> vector<64x256xf32>
    %eq3A_860 = arith.constant 0 : i32
    %eq3A_861 = vector.broadcast %eq3A_860 : i32 to vector<64x256xi32>
    %eq3A_862 = arith.cmpi eq, %shift_right_arithmetic3A_846, %eq3A_861 : vector<64x256xi32>
    %select_n3A_863 = arith.select %eq3A_862, %gather3A_859, %broadcast_in_dim3A_848 : vector<64x256xi1>, vector<64x256xf32>
    %slice3A_864 = vector.extract_strided_slice %get3A_650 {offsets = [0, 128], sizes = [64, 128], strides = [1, 1]} : vector<64x1024xf32> to vector<64x128xf32>
    %lt3A_865 = arith.constant 0 : i32
    %lt3A_866 = vector.broadcast %lt3A_865 : i32 to vector<64x256xi32>
    %lt3A_867 = arith.cmpi slt, %and3A_843, %lt3A_866 : vector<64x256xi32>
    %add3A_868 = arith.constant 128 : i32
    %add3A_869 = vector.broadcast %add3A_868 : i32 to vector<64x256xi32>
    %add3A_870 = arith.addi %and3A_843, %add3A_869 : vector<64x256xi32>
    %select_n3A_871 = arith.select %lt3A_867, %add3A_870, %and3A_843 : vector<64x256xi1>, vector<64x256xi32>
    %reshape3A_872 = vector.shape_cast %select_n3A_871 : vector<64x256xi32> to vector<64x256x1xi32>
    %gather3A_873 = vector.shape_cast %reshape3A_872 : vector<64x256x1xi32> to vector<64x256xi32>
    %gather3A_874 = tpu.dynamic_gather %slice3A_864[%gather3A_873] in [1] : vector<64x128xf32>, vector<64x256xi32> -> vector<64x256xf32>
    %eq3A_875 = arith.constant 1 : i32
    %eq3A_876 = vector.broadcast %eq3A_875 : i32 to vector<64x256xi32>
    %eq3A_877 = arith.cmpi eq, %shift_right_arithmetic3A_846, %eq3A_876 : vector<64x256xi32>
    %select_n3A_878 = arith.select %eq3A_877, %gather3A_874, %select_n3A_863 : vector<64x256xi1>, vector<64x256xf32>
    %slice3A_879 = vector.extract_strided_slice %get3A_650 {offsets = [0, 256], sizes = [64, 128], strides = [1, 1]} : vector<64x1024xf32> to vector<64x128xf32>
    %lt3A_880 = arith.constant 0 : i32
    %lt3A_881 = vector.broadcast %lt3A_880 : i32 to vector<64x256xi32>
    %lt3A_882 = arith.cmpi slt, %and3A_843, %lt3A_881 : vector<64x256xi32>
    %add3A_883 = arith.constant 128 : i32
    %add3A_884 = vector.broadcast %add3A_883 : i32 to vector<64x256xi32>
    %add3A_885 = arith.addi %and3A_843, %add3A_884 : vector<64x256xi32>
    %select_n3A_886 = arith.select %lt3A_882, %add3A_885, %and3A_843 : vector<64x256xi1>, vector<64x256xi32>
    %reshape3A_887 = vector.shape_cast %select_n3A_886 : vector<64x256xi32> to vector<64x256x1xi32>
    %gather3A_888 = vector.shape_cast %reshape3A_887 : vector<64x256x1xi32> to vector<64x256xi32>
    %gather3A_889 = tpu.dynamic_gather %slice3A_879[%gather3A_888] in [1] : vector<64x128xf32>, vector<64x256xi32> -> vector<64x256xf32>
    %eq3A_890 = arith.constant 2 : i32
    %eq3A_891 = vector.broadcast %eq3A_890 : i32 to vector<64x256xi32>
    %eq3A_892 = arith.cmpi eq, %shift_right_arithmetic3A_846, %eq3A_891 : vector<64x256xi32>
    %select_n3A_893 = arith.select %eq3A_892, %gather3A_889, %select_n3A_878 : vector<64x256xi1>, vector<64x256xf32>
    %slice3A_894 = vector.extract_strided_slice %get3A_650 {offsets = [0, 384], sizes = [64, 128], strides = [1, 1]} : vector<64x1024xf32> to vector<64x128xf32>
    %lt3A_895 = arith.constant 0 : i32
    %lt3A_896 = vector.broadcast %lt3A_895 : i32 to vector<64x256xi32>
    %lt3A_897 = arith.cmpi slt, %and3A_843, %lt3A_896 : vector<64x256xi32>
    %add3A_898 = arith.constant 128 : i32
    %add3A_899 = vector.broadcast %add3A_898 : i32 to vector<64x256xi32>
    %add3A_900 = arith.addi %and3A_843, %add3A_899 : vector<64x256xi32>
    %select_n3A_901 = arith.select %lt3A_897, %add3A_900, %and3A_843 : vector<64x256xi1>, vector<64x256xi32>
    %reshape3A_902 = vector.shape_cast %select_n3A_901 : vector<64x256xi32> to vector<64x256x1xi32>
    %gather3A_903 = vector.shape_cast %reshape3A_902 : vector<64x256x1xi32> to vector<64x256xi32>
    %gather3A_904 = tpu.dynamic_gather %slice3A_894[%gather3A_903] in [1] : vector<64x128xf32>, vector<64x256xi32> -> vector<64x256xf32>
    %eq3A_905 = arith.constant 3 : i32
    %eq3A_906 = vector.broadcast %eq3A_905 : i32 to vector<64x256xi32>
    %eq3A_907 = arith.cmpi eq, %shift_right_arithmetic3A_846, %eq3A_906 : vector<64x256xi32>
    %select_n3A_908 = arith.select %eq3A_907, %gather3A_904, %select_n3A_893 : vector<64x256xi1>, vector<64x256xf32>
    %slice3A_909 = vector.extract_strided_slice %get3A_650 {offsets = [0, 512], sizes = [64, 128], strides = [1, 1]} : vector<64x1024xf32> to vector<64x128xf32>
    %lt3A_910 = arith.constant 0 : i32
    %lt3A_911 = vector.broadcast %lt3A_910 : i32 to vector<64x256xi32>
    %lt3A_912 = arith.cmpi slt, %and3A_843, %lt3A_911 : vector<64x256xi32>
    %add3A_913 = arith.constant 128 : i32
    %add3A_914 = vector.broadcast %add3A_913 : i32 to vector<64x256xi32>
    %add3A_915 = arith.addi %and3A_843, %add3A_914 : vector<64x256xi32>
    %select_n3A_916 = arith.select %lt3A_912, %add3A_915, %and3A_843 : vector<64x256xi1>, vector<64x256xi32>
    %reshape3A_917 = vector.shape_cast %select_n3A_916 : vector<64x256xi32> to vector<64x256x1xi32>
    %gather3A_918 = vector.shape_cast %reshape3A_917 : vector<64x256x1xi32> to vector<64x256xi32>
    %gather3A_919 = tpu.dynamic_gather %slice3A_909[%gather3A_918] in [1] : vector<64x128xf32>, vector<64x256xi32> -> vector<64x256xf32>
    %eq3A_920 = arith.constant 4 : i32
    %eq3A_921 = vector.broadcast %eq3A_920 : i32 to vector<64x256xi32>
    %eq3A_922 = arith.cmpi eq, %shift_right_arithmetic3A_846, %eq3A_921 : vector<64x256xi32>
    %select_n3A_923 = arith.select %eq3A_922, %gather3A_919, %select_n3A_908 : vector<64x256xi1>, vector<64x256xf32>
    %slice3A_924 = vector.extract_strided_slice %get3A_650 {offsets = [0, 640], sizes = [64, 128], strides = [1, 1]} : vector<64x1024xf32> to vector<64x128xf32>
    %lt3A_925 = arith.constant 0 : i32
    %lt3A_926 = vector.broadcast %lt3A_925 : i32 to vector<64x256xi32>
    %lt3A_927 = arith.cmpi slt, %and3A_843, %lt3A_926 : vector<64x256xi32>
    %add3A_928 = arith.constant 128 : i32
    %add3A_929 = vector.broadcast %add3A_928 : i32 to vector<64x256xi32>
    %add3A_930 = arith.addi %and3A_843, %add3A_929 : vector<64x256xi32>
    %select_n3A_931 = arith.select %lt3A_927, %add3A_930, %and3A_843 : vector<64x256xi1>, vector<64x256xi32>
    %reshape3A_932 = vector.shape_cast %select_n3A_931 : vector<64x256xi32> to vector<64x256x1xi32>
    %gather3A_933 = vector.shape_cast %reshape3A_932 : vector<64x256x1xi32> to vector<64x256xi32>
    %gather3A_934 = tpu.dynamic_gather %slice3A_924[%gather3A_933] in [1] : vector<64x128xf32>, vector<64x256xi32> -> vector<64x256xf32>
    %eq3A_935 = arith.constant 5 : i32
    %eq3A_936 = vector.broadcast %eq3A_935 : i32 to vector<64x256xi32>
    %eq3A_937 = arith.cmpi eq, %shift_right_arithmetic3A_846, %eq3A_936 : vector<64x256xi32>
    %select_n3A_938 = arith.select %eq3A_937, %gather3A_934, %select_n3A_923 : vector<64x256xi1>, vector<64x256xf32>
    %slice3A_939 = vector.extract_strided_slice %get3A_650 {offsets = [0, 768], sizes = [64, 128], strides = [1, 1]} : vector<64x1024xf32> to vector<64x128xf32>
    %lt3A_940 = arith.constant 0 : i32
    %lt3A_941 = vector.broadcast %lt3A_940 : i32 to vector<64x256xi32>
    %lt3A_942 = arith.cmpi slt, %and3A_843, %lt3A_941 : vector<64x256xi32>
    %add3A_943 = arith.constant 128 : i32
    %add3A_944 = vector.broadcast %add3A_943 : i32 to vector<64x256xi32>
    %add3A_945 = arith.addi %and3A_843, %add3A_944 : vector<64x256xi32>
    %select_n3A_946 = arith.select %lt3A_942, %add3A_945, %and3A_843 : vector<64x256xi1>, vector<64x256xi32>
    %reshape3A_947 = vector.shape_cast %select_n3A_946 : vector<64x256xi32> to vector<64x256x1xi32>
    %gather3A_948 = vector.shape_cast %reshape3A_947 : vector<64x256x1xi32> to vector<64x256xi32>
    %gather3A_949 = tpu.dynamic_gather %slice3A_939[%gather3A_948] in [1] : vector<64x128xf32>, vector<64x256xi32> -> vector<64x256xf32>
    %eq3A_950 = arith.constant 6 : i32
    %eq3A_951 = vector.broadcast %eq3A_950 : i32 to vector<64x256xi32>
    %eq3A_952 = arith.cmpi eq, %shift_right_arithmetic3A_846, %eq3A_951 : vector<64x256xi32>
    %select_n3A_953 = arith.select %eq3A_952, %gather3A_949, %select_n3A_938 : vector<64x256xi1>, vector<64x256xf32>
    %slice3A_954 = vector.extract_strided_slice %get3A_650 {offsets = [0, 896], sizes = [64, 128], strides = [1, 1]} : vector<64x1024xf32> to vector<64x128xf32>
    %lt3A_955 = arith.constant 0 : i32
    %lt3A_956 = vector.broadcast %lt3A_955 : i32 to vector<64x256xi32>
    %lt3A_957 = arith.cmpi slt, %and3A_843, %lt3A_956 : vector<64x256xi32>
    %add3A_958 = arith.constant 128 : i32
    %add3A_959 = vector.broadcast %add3A_958 : i32 to vector<64x256xi32>
    %add3A_960 = arith.addi %and3A_843, %add3A_959 : vector<64x256xi32>
    %select_n3A_961 = arith.select %lt3A_957, %add3A_960, %and3A_843 : vector<64x256xi1>, vector<64x256xi32>
    %reshape3A_962 = vector.shape_cast %select_n3A_961 : vector<64x256xi32> to vector<64x256x1xi32>
    %gather3A_963 = vector.shape_cast %reshape3A_962 : vector<64x256x1xi32> to vector<64x256xi32>
    %gather3A_964 = tpu.dynamic_gather %slice3A_954[%gather3A_963] in [1] : vector<64x128xf32>, vector<64x256xi32> -> vector<64x256xf32>
    %eq3A_965 = arith.constant 7 : i32
    %eq3A_966 = vector.broadcast %eq3A_965 : i32 to vector<64x256xi32>
    %eq3A_967 = arith.cmpi eq, %shift_right_arithmetic3A_846, %eq3A_966 : vector<64x256xi32>
    %select_n3A_968 = arith.select %eq3A_967, %gather3A_964, %select_n3A_953 : vector<64x256xi1>, vector<64x256xf32>
    %transpose3A_969 = tpu.transpose %select_n3A_968, [1, 0] : vector<64x256xf32> -> vector<256x64xf32>
    %add3A_970 = arith.addf %add3A_326, %transpose3A_969 : vector<256x64xf32>
    %sub3A_971 = arith.subf %sub3A_327, %transpose3A_969 : vector<256x64xf32>
    %dot_general3A_972 = arith.constant dense<0.000000e+00> : vector<256x1024xf32>
    %dot_general3A_973 = tpu.matmul %sub3A_486, %get3A_650, %dot_general3A_972 {dimension_numbers = #tpu.dot_dimension_numbers<[1], [0], [0], [1], [0, 0, 1, 1], [], []>, transpose_lhs_hint = false} : vector<256x64xf32>, vector<64x1024xf32>, vector<256x1024xf32> -> vector<256x1024xf32>
    %mul3A_974 = arith.mulf %sub3A_486, %sub3A_486 : vector<256x64xf32>
    %reduce_sum3A_975 = arith.constant dense<0.000000e+00> : vector<256xf32>
    %reduce_sum3A_976 = vector.multi_reduction <add>, %mul3A_974, %reduce_sum3A_975 [1] : vector<256x64xf32> to vector<256xf32>
    %broadcast_in_dim3A_977 = vector.shape_cast %reduce_sum3A_976 : vector<256xf32> to vector<256x1xf32>
    %add3A_978 = vector.broadcast %broadcast_in_dim3A_977 : vector<256x1xf32> to vector<256x1024xf32>
    %add3A_979 = vector.broadcast %get3A_653 : vector<1x1024xf32> to vector<256x1024xf32>
    %add3A_980 = arith.addf %add3A_978, %add3A_979 : vector<256x1024xf32>
    %mul3A_981 = arith.constant 2.000000e+00 : f32
    %mul3A_982 = vector.broadcast %mul3A_981 : f32 to vector<256x1024xf32>
    %mul3A_983 = arith.mulf %mul3A_982, %dot_general3A_973 : vector<256x1024xf32>
    %sub3A_984 = arith.subf %add3A_980, %mul3A_983 : vector<256x1024xf32>
    %reduce_min3A_985 = arith.constant dense<0x7F800000> : vector<256xf32>
    %reduce_min3A_986 = vector.multi_reduction <minimumf>, %sub3A_984, %reduce_min3A_985 [1] : vector<256x1024xf32> to vector<256xf32>
    %broadcast_in_dim3A_987 = vector.shape_cast %reduce_min3A_986 : vector<256xf32> to vector<256x1xf32>
    %eq3A_988 = vector.broadcast %broadcast_in_dim3A_987 : vector<256x1xf32> to vector<256x1024xf32>
    %eq3A_989 = arith.cmpf oeq, %sub3A_984, %eq3A_988 : vector<256x1024xf32>
    %jit3A_990 = arith.constant 1.024000e+03 : f32
    %broadcast_in_dim3A_991 = vector.broadcast %jit3A_990 : f32 to vector<256x1024xf32>
    %select_n3A_992 = arith.select %eq3A_989, %convert_element_type3A, %broadcast_in_dim3A_991 : vector<256x1024xi1>, vector<256x1024xf32>
    %reduce_min3A_993 = arith.constant dense<0x7F800000> : vector<256xf32>
    %reduce_min3A_994 = vector.multi_reduction <minimumf>, %select_n3A_992, %reduce_min3A_993 [1] : vector<256x1024xf32> to vector<256xf32>
    %broadcast_in_dim3A_995 = vector.shape_cast %reduce_min3A_994 : vector<256xf32> to vector<256x1xf32>
    %convert_element_type3A_996 = arith.fptosi %broadcast_in_dim3A_995 : vector<256x1xf32> to vector<256x1xi32>
    %transpose3A_997 = tpu.transpose %convert_element_type3A_996, [1, 0] : vector<256x1xi32> -> vector<1x256xi32>
    %broadcast_in_dim3A_998 = vector.shape_cast %transpose3A_997 : vector<1x256xi32> to vector<1x256xi32>
    %broadcast_in_dim3A_999 = vector.broadcast %broadcast_in_dim3A_998 : vector<1x256xi32> to vector<64x256xi32>
    %and3A_1000 = arith.constant 127 : i32
    %and3A_1001 = vector.broadcast %and3A_1000 : i32 to vector<64x256xi32>
    %and3A_1002 = arith.andi %broadcast_in_dim3A_999, %and3A_1001 : vector<64x256xi32>
    %shift_right_arithmetic3A_1003 = arith.constant 7 : i32
    %shift_right_arithmetic3A_1004 = vector.broadcast %shift_right_arithmetic3A_1003 : i32 to vector<64x256xi32>
    %shift_right_arithmetic3A_1005 = arith.shrsi %broadcast_in_dim3A_999, %shift_right_arithmetic3A_1004 : vector<64x256xi32>
    %broadcast_in_dim3A_1006 = arith.constant 0.000000e+00 : f32
    %broadcast_in_dim3A_1007 = vector.broadcast %broadcast_in_dim3A_1006 : f32 to vector<64x256xf32>
    %slice3A_1008 = vector.extract_strided_slice %get3A_650 {offsets = [0, 0], sizes = [64, 128], strides = [1, 1]} : vector<64x1024xf32> to vector<64x128xf32>
    %lt3A_1009 = arith.constant 0 : i32
    %lt3A_1010 = vector.broadcast %lt3A_1009 : i32 to vector<64x256xi32>
    %lt3A_1011 = arith.cmpi slt, %and3A_1002, %lt3A_1010 : vector<64x256xi32>
    %add3A_1012 = arith.constant 128 : i32
    %add3A_1013 = vector.broadcast %add3A_1012 : i32 to vector<64x256xi32>
    %add3A_1014 = arith.addi %and3A_1002, %add3A_1013 : vector<64x256xi32>
    %select_n3A_1015 = arith.select %lt3A_1011, %add3A_1014, %and3A_1002 : vector<64x256xi1>, vector<64x256xi32>
    %reshape3A_1016 = vector.shape_cast %select_n3A_1015 : vector<64x256xi32> to vector<64x256x1xi32>
    %gather3A_1017 = vector.shape_cast %reshape3A_1016 : vector<64x256x1xi32> to vector<64x256xi32>
    %gather3A_1018 = tpu.dynamic_gather %slice3A_1008[%gather3A_1017] in [1] : vector<64x128xf32>, vector<64x256xi32> -> vector<64x256xf32>
    %eq3A_1019 = arith.constant 0 : i32
    %eq3A_1020 = vector.broadcast %eq3A_1019 : i32 to vector<64x256xi32>
    %eq3A_1021 = arith.cmpi eq, %shift_right_arithmetic3A_1005, %eq3A_1020 : vector<64x256xi32>
    %select_n3A_1022 = arith.select %eq3A_1021, %gather3A_1018, %broadcast_in_dim3A_1007 : vector<64x256xi1>, vector<64x256xf32>
    %slice3A_1023 = vector.extract_strided_slice %get3A_650 {offsets = [0, 128], sizes = [64, 128], strides = [1, 1]} : vector<64x1024xf32> to vector<64x128xf32>
    %lt3A_1024 = arith.constant 0 : i32
    %lt3A_1025 = vector.broadcast %lt3A_1024 : i32 to vector<64x256xi32>
    %lt3A_1026 = arith.cmpi slt, %and3A_1002, %lt3A_1025 : vector<64x256xi32>
    %add3A_1027 = arith.constant 128 : i32
    %add3A_1028 = vector.broadcast %add3A_1027 : i32 to vector<64x256xi32>
    %add3A_1029 = arith.addi %and3A_1002, %add3A_1028 : vector<64x256xi32>
    %select_n3A_1030 = arith.select %lt3A_1026, %add3A_1029, %and3A_1002 : vector<64x256xi1>, vector<64x256xi32>
    %reshape3A_1031 = vector.shape_cast %select_n3A_1030 : vector<64x256xi32> to vector<64x256x1xi32>
    %gather3A_1032 = vector.shape_cast %reshape3A_1031 : vector<64x256x1xi32> to vector<64x256xi32>
    %gather3A_1033 = tpu.dynamic_gather %slice3A_1023[%gather3A_1032] in [1] : vector<64x128xf32>, vector<64x256xi32> -> vector<64x256xf32>
    %eq3A_1034 = arith.constant 1 : i32
    %eq3A_1035 = vector.broadcast %eq3A_1034 : i32 to vector<64x256xi32>
    %eq3A_1036 = arith.cmpi eq, %shift_right_arithmetic3A_1005, %eq3A_1035 : vector<64x256xi32>
    %select_n3A_1037 = arith.select %eq3A_1036, %gather3A_1033, %select_n3A_1022 : vector<64x256xi1>, vector<64x256xf32>
    %slice3A_1038 = vector.extract_strided_slice %get3A_650 {offsets = [0, 256], sizes = [64, 128], strides = [1, 1]} : vector<64x1024xf32> to vector<64x128xf32>
    %lt3A_1039 = arith.constant 0 : i32
    %lt3A_1040 = vector.broadcast %lt3A_1039 : i32 to vector<64x256xi32>
    %lt3A_1041 = arith.cmpi slt, %and3A_1002, %lt3A_1040 : vector<64x256xi32>
    %add3A_1042 = arith.constant 128 : i32
    %add3A_1043 = vector.broadcast %add3A_1042 : i32 to vector<64x256xi32>
    %add3A_1044 = arith.addi %and3A_1002, %add3A_1043 : vector<64x256xi32>
    %select_n3A_1045 = arith.select %lt3A_1041, %add3A_1044, %and3A_1002 : vector<64x256xi1>, vector<64x256xi32>
    %reshape3A_1046 = vector.shape_cast %select_n3A_1045 : vector<64x256xi32> to vector<64x256x1xi32>
    %gather3A_1047 = vector.shape_cast %reshape3A_1046 : vector<64x256x1xi32> to vector<64x256xi32>
    %gather3A_1048 = tpu.dynamic_gather %slice3A_1038[%gather3A_1047] in [1] : vector<64x128xf32>, vector<64x256xi32> -> vector<64x256xf32>
    %eq3A_1049 = arith.constant 2 : i32
    %eq3A_1050 = vector.broadcast %eq3A_1049 : i32 to vector<64x256xi32>
    %eq3A_1051 = arith.cmpi eq, %shift_right_arithmetic3A_1005, %eq3A_1050 : vector<64x256xi32>
    %select_n3A_1052 = arith.select %eq3A_1051, %gather3A_1048, %select_n3A_1037 : vector<64x256xi1>, vector<64x256xf32>
    %slice3A_1053 = vector.extract_strided_slice %get3A_650 {offsets = [0, 384], sizes = [64, 128], strides = [1, 1]} : vector<64x1024xf32> to vector<64x128xf32>
    %lt3A_1054 = arith.constant 0 : i32
    %lt3A_1055 = vector.broadcast %lt3A_1054 : i32 to vector<64x256xi32>
    %lt3A_1056 = arith.cmpi slt, %and3A_1002, %lt3A_1055 : vector<64x256xi32>
    %add3A_1057 = arith.constant 128 : i32
    %add3A_1058 = vector.broadcast %add3A_1057 : i32 to vector<64x256xi32>
    %add3A_1059 = arith.addi %and3A_1002, %add3A_1058 : vector<64x256xi32>
    %select_n3A_1060 = arith.select %lt3A_1056, %add3A_1059, %and3A_1002 : vector<64x256xi1>, vector<64x256xi32>
    %reshape3A_1061 = vector.shape_cast %select_n3A_1060 : vector<64x256xi32> to vector<64x256x1xi32>
    %gather3A_1062 = vector.shape_cast %reshape3A_1061 : vector<64x256x1xi32> to vector<64x256xi32>
    %gather3A_1063 = tpu.dynamic_gather %slice3A_1053[%gather3A_1062] in [1] : vector<64x128xf32>, vector<64x256xi32> -> vector<64x256xf32>
    %eq3A_1064 = arith.constant 3 : i32
    %eq3A_1065 = vector.broadcast %eq3A_1064 : i32 to vector<64x256xi32>
    %eq3A_1066 = arith.cmpi eq, %shift_right_arithmetic3A_1005, %eq3A_1065 : vector<64x256xi32>
    %select_n3A_1067 = arith.select %eq3A_1066, %gather3A_1063, %select_n3A_1052 : vector<64x256xi1>, vector<64x256xf32>
    %slice3A_1068 = vector.extract_strided_slice %get3A_650 {offsets = [0, 512], sizes = [64, 128], strides = [1, 1]} : vector<64x1024xf32> to vector<64x128xf32>
    %lt3A_1069 = arith.constant 0 : i32
    %lt3A_1070 = vector.broadcast %lt3A_1069 : i32 to vector<64x256xi32>
    %lt3A_1071 = arith.cmpi slt, %and3A_1002, %lt3A_1070 : vector<64x256xi32>
    %add3A_1072 = arith.constant 128 : i32
    %add3A_1073 = vector.broadcast %add3A_1072 : i32 to vector<64x256xi32>
    %add3A_1074 = arith.addi %and3A_1002, %add3A_1073 : vector<64x256xi32>
    %select_n3A_1075 = arith.select %lt3A_1071, %add3A_1074, %and3A_1002 : vector<64x256xi1>, vector<64x256xi32>
    %reshape3A_1076 = vector.shape_cast %select_n3A_1075 : vector<64x256xi32> to vector<64x256x1xi32>
    %gather3A_1077 = vector.shape_cast %reshape3A_1076 : vector<64x256x1xi32> to vector<64x256xi32>
    %gather3A_1078 = tpu.dynamic_gather %slice3A_1068[%gather3A_1077] in [1] : vector<64x128xf32>, vector<64x256xi32> -> vector<64x256xf32>
    %eq3A_1079 = arith.constant 4 : i32
    %eq3A_1080 = vector.broadcast %eq3A_1079 : i32 to vector<64x256xi32>
    %eq3A_1081 = arith.cmpi eq, %shift_right_arithmetic3A_1005, %eq3A_1080 : vector<64x256xi32>
    %select_n3A_1082 = arith.select %eq3A_1081, %gather3A_1078, %select_n3A_1067 : vector<64x256xi1>, vector<64x256xf32>
    %slice3A_1083 = vector.extract_strided_slice %get3A_650 {offsets = [0, 640], sizes = [64, 128], strides = [1, 1]} : vector<64x1024xf32> to vector<64x128xf32>
    %lt3A_1084 = arith.constant 0 : i32
    %lt3A_1085 = vector.broadcast %lt3A_1084 : i32 to vector<64x256xi32>
    %lt3A_1086 = arith.cmpi slt, %and3A_1002, %lt3A_1085 : vector<64x256xi32>
    %add3A_1087 = arith.constant 128 : i32
    %add3A_1088 = vector.broadcast %add3A_1087 : i32 to vector<64x256xi32>
    %add3A_1089 = arith.addi %and3A_1002, %add3A_1088 : vector<64x256xi32>
    %select_n3A_1090 = arith.select %lt3A_1086, %add3A_1089, %and3A_1002 : vector<64x256xi1>, vector<64x256xi32>
    %reshape3A_1091 = vector.shape_cast %select_n3A_1090 : vector<64x256xi32> to vector<64x256x1xi32>
    %gather3A_1092 = vector.shape_cast %reshape3A_1091 : vector<64x256x1xi32> to vector<64x256xi32>
    %gather3A_1093 = tpu.dynamic_gather %slice3A_1083[%gather3A_1092] in [1] : vector<64x128xf32>, vector<64x256xi32> -> vector<64x256xf32>
    %eq3A_1094 = arith.constant 5 : i32
    %eq3A_1095 = vector.broadcast %eq3A_1094 : i32 to vector<64x256xi32>
    %eq3A_1096 = arith.cmpi eq, %shift_right_arithmetic3A_1005, %eq3A_1095 : vector<64x256xi32>
    %select_n3A_1097 = arith.select %eq3A_1096, %gather3A_1093, %select_n3A_1082 : vector<64x256xi1>, vector<64x256xf32>
    %slice3A_1098 = vector.extract_strided_slice %get3A_650 {offsets = [0, 768], sizes = [64, 128], strides = [1, 1]} : vector<64x1024xf32> to vector<64x128xf32>
    %lt3A_1099 = arith.constant 0 : i32
    %lt3A_1100 = vector.broadcast %lt3A_1099 : i32 to vector<64x256xi32>
    %lt3A_1101 = arith.cmpi slt, %and3A_1002, %lt3A_1100 : vector<64x256xi32>
    %add3A_1102 = arith.constant 128 : i32
    %add3A_1103 = vector.broadcast %add3A_1102 : i32 to vector<64x256xi32>
    %add3A_1104 = arith.addi %and3A_1002, %add3A_1103 : vector<64x256xi32>
    %select_n3A_1105 = arith.select %lt3A_1101, %add3A_1104, %and3A_1002 : vector<64x256xi1>, vector<64x256xi32>
    %reshape3A_1106 = vector.shape_cast %select_n3A_1105 : vector<64x256xi32> to vector<64x256x1xi32>
    %gather3A_1107 = vector.shape_cast %reshape3A_1106 : vector<64x256x1xi32> to vector<64x256xi32>
    %gather3A_1108 = tpu.dynamic_gather %slice3A_1098[%gather3A_1107] in [1] : vector<64x128xf32>, vector<64x256xi32> -> vector<64x256xf32>
    %eq3A_1109 = arith.constant 6 : i32
    %eq3A_1110 = vector.broadcast %eq3A_1109 : i32 to vector<64x256xi32>
    %eq3A_1111 = arith.cmpi eq, %shift_right_arithmetic3A_1005, %eq3A_1110 : vector<64x256xi32>
    %select_n3A_1112 = arith.select %eq3A_1111, %gather3A_1108, %select_n3A_1097 : vector<64x256xi1>, vector<64x256xf32>
    %slice3A_1113 = vector.extract_strided_slice %get3A_650 {offsets = [0, 896], sizes = [64, 128], strides = [1, 1]} : vector<64x1024xf32> to vector<64x128xf32>
    %lt3A_1114 = arith.constant 0 : i32
    %lt3A_1115 = vector.broadcast %lt3A_1114 : i32 to vector<64x256xi32>
    %lt3A_1116 = arith.cmpi slt, %and3A_1002, %lt3A_1115 : vector<64x256xi32>
    %add3A_1117 = arith.constant 128 : i32
    %add3A_1118 = vector.broadcast %add3A_1117 : i32 to vector<64x256xi32>
    %add3A_1119 = arith.addi %and3A_1002, %add3A_1118 : vector<64x256xi32>
    %select_n3A_1120 = arith.select %lt3A_1116, %add3A_1119, %and3A_1002 : vector<64x256xi1>, vector<64x256xi32>
    %reshape3A_1121 = vector.shape_cast %select_n3A_1120 : vector<64x256xi32> to vector<64x256x1xi32>
    %gather3A_1122 = vector.shape_cast %reshape3A_1121 : vector<64x256x1xi32> to vector<64x256xi32>
    %gather3A_1123 = tpu.dynamic_gather %slice3A_1113[%gather3A_1122] in [1] : vector<64x128xf32>, vector<64x256xi32> -> vector<64x256xf32>
    %eq3A_1124 = arith.constant 7 : i32
    %eq3A_1125 = vector.broadcast %eq3A_1124 : i32 to vector<64x256xi32>
    %eq3A_1126 = arith.cmpi eq, %shift_right_arithmetic3A_1005, %eq3A_1125 : vector<64x256xi32>
    %select_n3A_1127 = arith.select %eq3A_1126, %gather3A_1123, %select_n3A_1112 : vector<64x256xi1>, vector<64x256xf32>
    %transpose3A_1128 = tpu.transpose %select_n3A_1127, [1, 0] : vector<64x256xf32> -> vector<256x64xf32>
    %add3A_1129 = arith.addf %add3A_485, %transpose3A_1128 : vector<256x64xf32>
    %sub3A_1130 = arith.subf %sub3A_486, %transpose3A_1128 : vector<256x64xf32>
    %dot_general3A_1131 = arith.constant dense<0.000000e+00> : vector<256x1024xf32>
    %dot_general3A_1132 = tpu.matmul %sub3A_645, %get3A_650, %dot_general3A_1131 {dimension_numbers = #tpu.dot_dimension_numbers<[1], [0], [0], [1], [0, 0, 1, 1], [], []>, transpose_lhs_hint = false} : vector<256x64xf32>, vector<64x1024xf32>, vector<256x1024xf32> -> vector<256x1024xf32>
    %mul3A_1133 = arith.mulf %sub3A_645, %sub3A_645 : vector<256x64xf32>
    %reduce_sum3A_1134 = arith.constant dense<0.000000e+00> : vector<256xf32>
    %reduce_sum3A_1135 = vector.multi_reduction <add>, %mul3A_1133, %reduce_sum3A_1134 [1] : vector<256x64xf32> to vector<256xf32>
    %broadcast_in_dim3A_1136 = vector.shape_cast %reduce_sum3A_1135 : vector<256xf32> to vector<256x1xf32>
    %add3A_1137 = vector.broadcast %broadcast_in_dim3A_1136 : vector<256x1xf32> to vector<256x1024xf32>
    %add3A_1138 = vector.broadcast %get3A_653 : vector<1x1024xf32> to vector<256x1024xf32>
    %add3A_1139 = arith.addf %add3A_1137, %add3A_1138 : vector<256x1024xf32>
    %mul3A_1140 = arith.constant 2.000000e+00 : f32
    %mul3A_1141 = vector.broadcast %mul3A_1140 : f32 to vector<256x1024xf32>
    %mul3A_1142 = arith.mulf %mul3A_1141, %dot_general3A_1132 : vector<256x1024xf32>
    %sub3A_1143 = arith.subf %add3A_1139, %mul3A_1142 : vector<256x1024xf32>
    %reduce_min3A_1144 = arith.constant dense<0x7F800000> : vector<256xf32>
    %reduce_min3A_1145 = vector.multi_reduction <minimumf>, %sub3A_1143, %reduce_min3A_1144 [1] : vector<256x1024xf32> to vector<256xf32>
    %broadcast_in_dim3A_1146 = vector.shape_cast %reduce_min3A_1145 : vector<256xf32> to vector<256x1xf32>
    %eq3A_1147 = vector.broadcast %broadcast_in_dim3A_1146 : vector<256x1xf32> to vector<256x1024xf32>
    %eq3A_1148 = arith.cmpf oeq, %sub3A_1143, %eq3A_1147 : vector<256x1024xf32>
    %jit3A_1149 = arith.constant 1.024000e+03 : f32
    %broadcast_in_dim3A_1150 = vector.broadcast %jit3A_1149 : f32 to vector<256x1024xf32>
    %select_n3A_1151 = arith.select %eq3A_1148, %convert_element_type3A, %broadcast_in_dim3A_1150 : vector<256x1024xi1>, vector<256x1024xf32>
    %reduce_min3A_1152 = arith.constant dense<0x7F800000> : vector<256xf32>
    %reduce_min3A_1153 = vector.multi_reduction <minimumf>, %select_n3A_1151, %reduce_min3A_1152 [1] : vector<256x1024xf32> to vector<256xf32>
    %broadcast_in_dim3A_1154 = vector.shape_cast %reduce_min3A_1153 : vector<256xf32> to vector<256x1xf32>
    %convert_element_type3A_1155 = arith.fptosi %broadcast_in_dim3A_1154 : vector<256x1xf32> to vector<256x1xi32>
    %transpose3A_1156 = tpu.transpose %convert_element_type3A_1155, [1, 0] : vector<256x1xi32> -> vector<1x256xi32>
    %broadcast_in_dim3A_1157 = vector.shape_cast %transpose3A_1156 : vector<1x256xi32> to vector<1x256xi32>
    %broadcast_in_dim3A_1158 = vector.broadcast %broadcast_in_dim3A_1157 : vector<1x256xi32> to vector<64x256xi32>
    %and3A_1159 = arith.constant 127 : i32
    %and3A_1160 = vector.broadcast %and3A_1159 : i32 to vector<64x256xi32>
    %and3A_1161 = arith.andi %broadcast_in_dim3A_1158, %and3A_1160 : vector<64x256xi32>
    %shift_right_arithmetic3A_1162 = arith.constant 7 : i32
    %shift_right_arithmetic3A_1163 = vector.broadcast %shift_right_arithmetic3A_1162 : i32 to vector<64x256xi32>
    %shift_right_arithmetic3A_1164 = arith.shrsi %broadcast_in_dim3A_1158, %shift_right_arithmetic3A_1163 : vector<64x256xi32>
    %broadcast_in_dim3A_1165 = arith.constant 0.000000e+00 : f32
    %broadcast_in_dim3A_1166 = vector.broadcast %broadcast_in_dim3A_1165 : f32 to vector<64x256xf32>
    %slice3A_1167 = vector.extract_strided_slice %get3A_650 {offsets = [0, 0], sizes = [64, 128], strides = [1, 1]} : vector<64x1024xf32> to vector<64x128xf32>
    %lt3A_1168 = arith.constant 0 : i32
    %lt3A_1169 = vector.broadcast %lt3A_1168 : i32 to vector<64x256xi32>
    %lt3A_1170 = arith.cmpi slt, %and3A_1161, %lt3A_1169 : vector<64x256xi32>
    %add3A_1171 = arith.constant 128 : i32
    %add3A_1172 = vector.broadcast %add3A_1171 : i32 to vector<64x256xi32>
    %add3A_1173 = arith.addi %and3A_1161, %add3A_1172 : vector<64x256xi32>
    %select_n3A_1174 = arith.select %lt3A_1170, %add3A_1173, %and3A_1161 : vector<64x256xi1>, vector<64x256xi32>
    %reshape3A_1175 = vector.shape_cast %select_n3A_1174 : vector<64x256xi32> to vector<64x256x1xi32>
    %gather3A_1176 = vector.shape_cast %reshape3A_1175 : vector<64x256x1xi32> to vector<64x256xi32>
    %gather3A_1177 = tpu.dynamic_gather %slice3A_1167[%gather3A_1176] in [1] : vector<64x128xf32>, vector<64x256xi32> -> vector<64x256xf32>
    %eq3A_1178 = arith.constant 0 : i32
    %eq3A_1179 = vector.broadcast %eq3A_1178 : i32 to vector<64x256xi32>
    %eq3A_1180 = arith.cmpi eq, %shift_right_arithmetic3A_1164, %eq3A_1179 : vector<64x256xi32>
    %select_n3A_1181 = arith.select %eq3A_1180, %gather3A_1177, %broadcast_in_dim3A_1166 : vector<64x256xi1>, vector<64x256xf32>
    %slice3A_1182 = vector.extract_strided_slice %get3A_650 {offsets = [0, 128], sizes = [64, 128], strides = [1, 1]} : vector<64x1024xf32> to vector<64x128xf32>
    %lt3A_1183 = arith.constant 0 : i32
    %lt3A_1184 = vector.broadcast %lt3A_1183 : i32 to vector<64x256xi32>
    %lt3A_1185 = arith.cmpi slt, %and3A_1161, %lt3A_1184 : vector<64x256xi32>
    %add3A_1186 = arith.constant 128 : i32
    %add3A_1187 = vector.broadcast %add3A_1186 : i32 to vector<64x256xi32>
    %add3A_1188 = arith.addi %and3A_1161, %add3A_1187 : vector<64x256xi32>
    %select_n3A_1189 = arith.select %lt3A_1185, %add3A_1188, %and3A_1161 : vector<64x256xi1>, vector<64x256xi32>
    %reshape3A_1190 = vector.shape_cast %select_n3A_1189 : vector<64x256xi32> to vector<64x256x1xi32>
    %gather3A_1191 = vector.shape_cast %reshape3A_1190 : vector<64x256x1xi32> to vector<64x256xi32>
    %gather3A_1192 = tpu.dynamic_gather %slice3A_1182[%gather3A_1191] in [1] : vector<64x128xf32>, vector<64x256xi32> -> vector<64x256xf32>
    %eq3A_1193 = arith.constant 1 : i32
    %eq3A_1194 = vector.broadcast %eq3A_1193 : i32 to vector<64x256xi32>
    %eq3A_1195 = arith.cmpi eq, %shift_right_arithmetic3A_1164, %eq3A_1194 : vector<64x256xi32>
    %select_n3A_1196 = arith.select %eq3A_1195, %gather3A_1192, %select_n3A_1181 : vector<64x256xi1>, vector<64x256xf32>
    %slice3A_1197 = vector.extract_strided_slice %get3A_650 {offsets = [0, 256], sizes = [64, 128], strides = [1, 1]} : vector<64x1024xf32> to vector<64x128xf32>
    %lt3A_1198 = arith.constant 0 : i32
    %lt3A_1199 = vector.broadcast %lt3A_1198 : i32 to vector<64x256xi32>
    %lt3A_1200 = arith.cmpi slt, %and3A_1161, %lt3A_1199 : vector<64x256xi32>
    %add3A_1201 = arith.constant 128 : i32
    %add3A_1202 = vector.broadcast %add3A_1201 : i32 to vector<64x256xi32>
    %add3A_1203 = arith.addi %and3A_1161, %add3A_1202 : vector<64x256xi32>
    %select_n3A_1204 = arith.select %lt3A_1200, %add3A_1203, %and3A_1161 : vector<64x256xi1>, vector<64x256xi32>
    %reshape3A_1205 = vector.shape_cast %select_n3A_1204 : vector<64x256xi32> to vector<64x256x1xi32>
    %gather3A_1206 = vector.shape_cast %reshape3A_1205 : vector<64x256x1xi32> to vector<64x256xi32>
    %gather3A_1207 = tpu.dynamic_gather %slice3A_1197[%gather3A_1206] in [1] : vector<64x128xf32>, vector<64x256xi32> -> vector<64x256xf32>
    %eq3A_1208 = arith.constant 2 : i32
    %eq3A_1209 = vector.broadcast %eq3A_1208 : i32 to vector<64x256xi32>
    %eq3A_1210 = arith.cmpi eq, %shift_right_arithmetic3A_1164, %eq3A_1209 : vector<64x256xi32>
    %select_n3A_1211 = arith.select %eq3A_1210, %gather3A_1207, %select_n3A_1196 : vector<64x256xi1>, vector<64x256xf32>
    %slice3A_1212 = vector.extract_strided_slice %get3A_650 {offsets = [0, 384], sizes = [64, 128], strides = [1, 1]} : vector<64x1024xf32> to vector<64x128xf32>
    %lt3A_1213 = arith.constant 0 : i32
    %lt3A_1214 = vector.broadcast %lt3A_1213 : i32 to vector<64x256xi32>
    %lt3A_1215 = arith.cmpi slt, %and3A_1161, %lt3A_1214 : vector<64x256xi32>
    %add3A_1216 = arith.constant 128 : i32
    %add3A_1217 = vector.broadcast %add3A_1216 : i32 to vector<64x256xi32>
    %add3A_1218 = arith.addi %and3A_1161, %add3A_1217 : vector<64x256xi32>
    %select_n3A_1219 = arith.select %lt3A_1215, %add3A_1218, %and3A_1161 : vector<64x256xi1>, vector<64x256xi32>
    %reshape3A_1220 = vector.shape_cast %select_n3A_1219 : vector<64x256xi32> to vector<64x256x1xi32>
    %gather3A_1221 = vector.shape_cast %reshape3A_1220 : vector<64x256x1xi32> to vector<64x256xi32>
    %gather3A_1222 = tpu.dynamic_gather %slice3A_1212[%gather3A_1221] in [1] : vector<64x128xf32>, vector<64x256xi32> -> vector<64x256xf32>
    %eq3A_1223 = arith.constant 3 : i32
    %eq3A_1224 = vector.broadcast %eq3A_1223 : i32 to vector<64x256xi32>
    %eq3A_1225 = arith.cmpi eq, %shift_right_arithmetic3A_1164, %eq3A_1224 : vector<64x256xi32>
    %select_n3A_1226 = arith.select %eq3A_1225, %gather3A_1222, %select_n3A_1211 : vector<64x256xi1>, vector<64x256xf32>
    %slice3A_1227 = vector.extract_strided_slice %get3A_650 {offsets = [0, 512], sizes = [64, 128], strides = [1, 1]} : vector<64x1024xf32> to vector<64x128xf32>
    %lt3A_1228 = arith.constant 0 : i32
    %lt3A_1229 = vector.broadcast %lt3A_1228 : i32 to vector<64x256xi32>
    %lt3A_1230 = arith.cmpi slt, %and3A_1161, %lt3A_1229 : vector<64x256xi32>
    %add3A_1231 = arith.constant 128 : i32
    %add3A_1232 = vector.broadcast %add3A_1231 : i32 to vector<64x256xi32>
    %add3A_1233 = arith.addi %and3A_1161, %add3A_1232 : vector<64x256xi32>
    %select_n3A_1234 = arith.select %lt3A_1230, %add3A_1233, %and3A_1161 : vector<64x256xi1>, vector<64x256xi32>
    %reshape3A_1235 = vector.shape_cast %select_n3A_1234 : vector<64x256xi32> to vector<64x256x1xi32>
    %gather3A_1236 = vector.shape_cast %reshape3A_1235 : vector<64x256x1xi32> to vector<64x256xi32>
    %gather3A_1237 = tpu.dynamic_gather %slice3A_1227[%gather3A_1236] in [1] : vector<64x128xf32>, vector<64x256xi32> -> vector<64x256xf32>
    %eq3A_1238 = arith.constant 4 : i32
    %eq3A_1239 = vector.broadcast %eq3A_1238 : i32 to vector<64x256xi32>
    %eq3A_1240 = arith.cmpi eq, %shift_right_arithmetic3A_1164, %eq3A_1239 : vector<64x256xi32>
    %select_n3A_1241 = arith.select %eq3A_1240, %gather3A_1237, %select_n3A_1226 : vector<64x256xi1>, vector<64x256xf32>
    %slice3A_1242 = vector.extract_strided_slice %get3A_650 {offsets = [0, 640], sizes = [64, 128], strides = [1, 1]} : vector<64x1024xf32> to vector<64x128xf32>
    %lt3A_1243 = arith.constant 0 : i32
    %lt3A_1244 = vector.broadcast %lt3A_1243 : i32 to vector<64x256xi32>
    %lt3A_1245 = arith.cmpi slt, %and3A_1161, %lt3A_1244 : vector<64x256xi32>
    %add3A_1246 = arith.constant 128 : i32
    %add3A_1247 = vector.broadcast %add3A_1246 : i32 to vector<64x256xi32>
    %add3A_1248 = arith.addi %and3A_1161, %add3A_1247 : vector<64x256xi32>
    %select_n3A_1249 = arith.select %lt3A_1245, %add3A_1248, %and3A_1161 : vector<64x256xi1>, vector<64x256xi32>
    %reshape3A_1250 = vector.shape_cast %select_n3A_1249 : vector<64x256xi32> to vector<64x256x1xi32>
    %gather3A_1251 = vector.shape_cast %reshape3A_1250 : vector<64x256x1xi32> to vector<64x256xi32>
    %gather3A_1252 = tpu.dynamic_gather %slice3A_1242[%gather3A_1251] in [1] : vector<64x128xf32>, vector<64x256xi32> -> vector<64x256xf32>
    %eq3A_1253 = arith.constant 5 : i32
    %eq3A_1254 = vector.broadcast %eq3A_1253 : i32 to vector<64x256xi32>
    %eq3A_1255 = arith.cmpi eq, %shift_right_arithmetic3A_1164, %eq3A_1254 : vector<64x256xi32>
    %select_n3A_1256 = arith.select %eq3A_1255, %gather3A_1252, %select_n3A_1241 : vector<64x256xi1>, vector<64x256xf32>
    %slice3A_1257 = vector.extract_strided_slice %get3A_650 {offsets = [0, 768], sizes = [64, 128], strides = [1, 1]} : vector<64x1024xf32> to vector<64x128xf32>
    %lt3A_1258 = arith.constant 0 : i32
    %lt3A_1259 = vector.broadcast %lt3A_1258 : i32 to vector<64x256xi32>
    %lt3A_1260 = arith.cmpi slt, %and3A_1161, %lt3A_1259 : vector<64x256xi32>
    %add3A_1261 = arith.constant 128 : i32
    %add3A_1262 = vector.broadcast %add3A_1261 : i32 to vector<64x256xi32>
    %add3A_1263 = arith.addi %and3A_1161, %add3A_1262 : vector<64x256xi32>
    %select_n3A_1264 = arith.select %lt3A_1260, %add3A_1263, %and3A_1161 : vector<64x256xi1>, vector<64x256xi32>
    %reshape3A_1265 = vector.shape_cast %select_n3A_1264 : vector<64x256xi32> to vector<64x256x1xi32>
    %gather3A_1266 = vector.shape_cast %reshape3A_1265 : vector<64x256x1xi32> to vector<64x256xi32>
    %gather3A_1267 = tpu.dynamic_gather %slice3A_1257[%gather3A_1266] in [1] : vector<64x128xf32>, vector<64x256xi32> -> vector<64x256xf32>
    %eq3A_1268 = arith.constant 6 : i32
    %eq3A_1269 = vector.broadcast %eq3A_1268 : i32 to vector<64x256xi32>
    %eq3A_1270 = arith.cmpi eq, %shift_right_arithmetic3A_1164, %eq3A_1269 : vector<64x256xi32>
    %select_n3A_1271 = arith.select %eq3A_1270, %gather3A_1267, %select_n3A_1256 : vector<64x256xi1>, vector<64x256xf32>
    %slice3A_1272 = vector.extract_strided_slice %get3A_650 {offsets = [0, 896], sizes = [64, 128], strides = [1, 1]} : vector<64x1024xf32> to vector<64x128xf32>
    %lt3A_1273 = arith.constant 0 : i32
    %lt3A_1274 = vector.broadcast %lt3A_1273 : i32 to vector<64x256xi32>
    %lt3A_1275 = arith.cmpi slt, %and3A_1161, %lt3A_1274 : vector<64x256xi32>
    %add3A_1276 = arith.constant 128 : i32
    %add3A_1277 = vector.broadcast %add3A_1276 : i32 to vector<64x256xi32>
    %add3A_1278 = arith.addi %and3A_1161, %add3A_1277 : vector<64x256xi32>
    %select_n3A_1279 = arith.select %lt3A_1275, %add3A_1278, %and3A_1161 : vector<64x256xi1>, vector<64x256xi32>
    %reshape3A_1280 = vector.shape_cast %select_n3A_1279 : vector<64x256xi32> to vector<64x256x1xi32>
    %gather3A_1281 = vector.shape_cast %reshape3A_1280 : vector<64x256x1xi32> to vector<64x256xi32>
    %gather3A_1282 = tpu.dynamic_gather %slice3A_1272[%gather3A_1281] in [1] : vector<64x128xf32>, vector<64x256xi32> -> vector<64x256xf32>
    %eq3A_1283 = arith.constant 7 : i32
    %eq3A_1284 = vector.broadcast %eq3A_1283 : i32 to vector<64x256xi32>
    %eq3A_1285 = arith.cmpi eq, %shift_right_arithmetic3A_1164, %eq3A_1284 : vector<64x256xi32>
    %select_n3A_1286 = arith.select %eq3A_1285, %gather3A_1282, %select_n3A_1271 : vector<64x256xi1>, vector<64x256xf32>
    %transpose3A_1287 = tpu.transpose %select_n3A_1286, [1, 0] : vector<64x256xf32> -> vector<256x64xf32>
    %add3A_1288 = arith.addf %add3A_644, %transpose3A_1287 : vector<256x64xf32>
    %sub3A_1289 = arith.subf %sub3A_645, %transpose3A_1287 : vector<256x64xf32>
    %get3A_1290 = arith.constant 2 : index
    %get3A_1291 = arith.constant 0 : index
    %get3A_1292 = arith.constant 0 : index
    %get3A_1293 = vector.load %arg2[%get3A_1290, %get3A_1291, %get3A_1292] : memref<4x64x1024xf32, #tpu.memory_space<vmem>>, vector<1x64x1024xf32>
    %get3A_1294 = vector.shape_cast %get3A_1293 : vector<1x64x1024xf32> to vector<64x1024xf32>
    %get3A_1295 = arith.constant 2 : index
    %get3A_1296 = arith.constant 0 : index
    %get3A_1297 = vector.load %arg3[%get3A_1295, %get3A_1296] : memref<4x1024xf32, #tpu.memory_space<vmem>>, vector<1x1024xf32>
    %dot_general3A_1298 = arith.constant dense<0.000000e+00> : vector<256x1024xf32>
    %dot_general3A_1299 = tpu.matmul %sub3A_812, %get3A_1294, %dot_general3A_1298 {dimension_numbers = #tpu.dot_dimension_numbers<[1], [0], [0], [1], [0, 0, 1, 1], [], []>, transpose_lhs_hint = false} : vector<256x64xf32>, vector<64x1024xf32>, vector<256x1024xf32> -> vector<256x1024xf32>
    %mul3A_1300 = arith.mulf %sub3A_812, %sub3A_812 : vector<256x64xf32>
    %reduce_sum3A_1301 = arith.constant dense<0.000000e+00> : vector<256xf32>
    %reduce_sum3A_1302 = vector.multi_reduction <add>, %mul3A_1300, %reduce_sum3A_1301 [1] : vector<256x64xf32> to vector<256xf32>
    %broadcast_in_dim3A_1303 = vector.shape_cast %reduce_sum3A_1302 : vector<256xf32> to vector<256x1xf32>
    %add3A_1304 = vector.broadcast %broadcast_in_dim3A_1303 : vector<256x1xf32> to vector<256x1024xf32>
    %add3A_1305 = vector.broadcast %get3A_1297 : vector<1x1024xf32> to vector<256x1024xf32>
    %add3A_1306 = arith.addf %add3A_1304, %add3A_1305 : vector<256x1024xf32>
    %mul3A_1307 = arith.constant 2.000000e+00 : f32
    %mul3A_1308 = vector.broadcast %mul3A_1307 : f32 to vector<256x1024xf32>
    %mul3A_1309 = arith.mulf %mul3A_1308, %dot_general3A_1299 : vector<256x1024xf32>
    %sub3A_1310 = arith.subf %add3A_1306, %mul3A_1309 : vector<256x1024xf32>
    %reduce_min3A_1311 = arith.constant dense<0x7F800000> : vector<256xf32>
    %reduce_min3A_1312 = vector.multi_reduction <minimumf>, %sub3A_1310, %reduce_min3A_1311 [1] : vector<256x1024xf32> to vector<256xf32>
    %broadcast_in_dim3A_1313 = vector.shape_cast %reduce_min3A_1312 : vector<256xf32> to vector<256x1xf32>
    %eq3A_1314 = vector.broadcast %broadcast_in_dim3A_1313 : vector<256x1xf32> to vector<256x1024xf32>
    %eq3A_1315 = arith.cmpf oeq, %sub3A_1310, %eq3A_1314 : vector<256x1024xf32>
    %jit3A_1316 = arith.constant 1.024000e+03 : f32
    %broadcast_in_dim3A_1317 = vector.broadcast %jit3A_1316 : f32 to vector<256x1024xf32>
    %select_n3A_1318 = arith.select %eq3A_1315, %convert_element_type3A, %broadcast_in_dim3A_1317 : vector<256x1024xi1>, vector<256x1024xf32>
    %reduce_min3A_1319 = arith.constant dense<0x7F800000> : vector<256xf32>
    %reduce_min3A_1320 = vector.multi_reduction <minimumf>, %select_n3A_1318, %reduce_min3A_1319 [1] : vector<256x1024xf32> to vector<256xf32>
    %broadcast_in_dim3A_1321 = vector.shape_cast %reduce_min3A_1320 : vector<256xf32> to vector<256x1xf32>
    %convert_element_type3A_1322 = arith.fptosi %broadcast_in_dim3A_1321 : vector<256x1xf32> to vector<256x1xi32>
    %transpose3A_1323 = tpu.transpose %convert_element_type3A_1322, [1, 0] : vector<256x1xi32> -> vector<1x256xi32>
    %broadcast_in_dim3A_1324 = vector.shape_cast %transpose3A_1323 : vector<1x256xi32> to vector<1x256xi32>
    %broadcast_in_dim3A_1325 = vector.broadcast %broadcast_in_dim3A_1324 : vector<1x256xi32> to vector<64x256xi32>
    %and3A_1326 = arith.constant 127 : i32
    %and3A_1327 = vector.broadcast %and3A_1326 : i32 to vector<64x256xi32>
    %and3A_1328 = arith.andi %broadcast_in_dim3A_1325, %and3A_1327 : vector<64x256xi32>
    %shift_right_arithmetic3A_1329 = arith.constant 7 : i32
    %shift_right_arithmetic3A_1330 = vector.broadcast %shift_right_arithmetic3A_1329 : i32 to vector<64x256xi32>
    %shift_right_arithmetic3A_1331 = arith.shrsi %broadcast_in_dim3A_1325, %shift_right_arithmetic3A_1330 : vector<64x256xi32>
    %broadcast_in_dim3A_1332 = arith.constant 0.000000e+00 : f32
    %broadcast_in_dim3A_1333 = vector.broadcast %broadcast_in_dim3A_1332 : f32 to vector<64x256xf32>
    %slice3A_1334 = vector.extract_strided_slice %get3A_1294 {offsets = [0, 0], sizes = [64, 128], strides = [1, 1]} : vector<64x1024xf32> to vector<64x128xf32>
    %lt3A_1335 = arith.constant 0 : i32
    %lt3A_1336 = vector.broadcast %lt3A_1335 : i32 to vector<64x256xi32>
    %lt3A_1337 = arith.cmpi slt, %and3A_1328, %lt3A_1336 : vector<64x256xi32>
    %add3A_1338 = arith.constant 128 : i32
    %add3A_1339 = vector.broadcast %add3A_1338 : i32 to vector<64x256xi32>
    %add3A_1340 = arith.addi %and3A_1328, %add3A_1339 : vector<64x256xi32>
    %select_n3A_1341 = arith.select %lt3A_1337, %add3A_1340, %and3A_1328 : vector<64x256xi1>, vector<64x256xi32>
    %reshape3A_1342 = vector.shape_cast %select_n3A_1341 : vector<64x256xi32> to vector<64x256x1xi32>
    %gather3A_1343 = vector.shape_cast %reshape3A_1342 : vector<64x256x1xi32> to vector<64x256xi32>
    %gather3A_1344 = tpu.dynamic_gather %slice3A_1334[%gather3A_1343] in [1] : vector<64x128xf32>, vector<64x256xi32> -> vector<64x256xf32>
    %eq3A_1345 = arith.constant 0 : i32
    %eq3A_1346 = vector.broadcast %eq3A_1345 : i32 to vector<64x256xi32>
    %eq3A_1347 = arith.cmpi eq, %shift_right_arithmetic3A_1331, %eq3A_1346 : vector<64x256xi32>
    %select_n3A_1348 = arith.select %eq3A_1347, %gather3A_1344, %broadcast_in_dim3A_1333 : vector<64x256xi1>, vector<64x256xf32>
    %slice3A_1349 = vector.extract_strided_slice %get3A_1294 {offsets = [0, 128], sizes = [64, 128], strides = [1, 1]} : vector<64x1024xf32> to vector<64x128xf32>
    %lt3A_1350 = arith.constant 0 : i32
    %lt3A_1351 = vector.broadcast %lt3A_1350 : i32 to vector<64x256xi32>
    %lt3A_1352 = arith.cmpi slt, %and3A_1328, %lt3A_1351 : vector<64x256xi32>
    %add3A_1353 = arith.constant 128 : i32
    %add3A_1354 = vector.broadcast %add3A_1353 : i32 to vector<64x256xi32>
    %add3A_1355 = arith.addi %and3A_1328, %add3A_1354 : vector<64x256xi32>
    %select_n3A_1356 = arith.select %lt3A_1352, %add3A_1355, %and3A_1328 : vector<64x256xi1>, vector<64x256xi32>
    %reshape3A_1357 = vector.shape_cast %select_n3A_1356 : vector<64x256xi32> to vector<64x256x1xi32>
    %gather3A_1358 = vector.shape_cast %reshape3A_1357 : vector<64x256x1xi32> to vector<64x256xi32>
    %gather3A_1359 = tpu.dynamic_gather %slice3A_1349[%gather3A_1358] in [1] : vector<64x128xf32>, vector<64x256xi32> -> vector<64x256xf32>
    %eq3A_1360 = arith.constant 1 : i32
    %eq3A_1361 = vector.broadcast %eq3A_1360 : i32 to vector<64x256xi32>
    %eq3A_1362 = arith.cmpi eq, %shift_right_arithmetic3A_1331, %eq3A_1361 : vector<64x256xi32>
    %select_n3A_1363 = arith.select %eq3A_1362, %gather3A_1359, %select_n3A_1348 : vector<64x256xi1>, vector<64x256xf32>
    %slice3A_1364 = vector.extract_strided_slice %get3A_1294 {offsets = [0, 256], sizes = [64, 128], strides = [1, 1]} : vector<64x1024xf32> to vector<64x128xf32>
    %lt3A_1365 = arith.constant 0 : i32
    %lt3A_1366 = vector.broadcast %lt3A_1365 : i32 to vector<64x256xi32>
    %lt3A_1367 = arith.cmpi slt, %and3A_1328, %lt3A_1366 : vector<64x256xi32>
    %add3A_1368 = arith.constant 128 : i32
    %add3A_1369 = vector.broadcast %add3A_1368 : i32 to vector<64x256xi32>
    %add3A_1370 = arith.addi %and3A_1328, %add3A_1369 : vector<64x256xi32>
    %select_n3A_1371 = arith.select %lt3A_1367, %add3A_1370, %and3A_1328 : vector<64x256xi1>, vector<64x256xi32>
    %reshape3A_1372 = vector.shape_cast %select_n3A_1371 : vector<64x256xi32> to vector<64x256x1xi32>
    %gather3A_1373 = vector.shape_cast %reshape3A_1372 : vector<64x256x1xi32> to vector<64x256xi32>
    %gather3A_1374 = tpu.dynamic_gather %slice3A_1364[%gather3A_1373] in [1] : vector<64x128xf32>, vector<64x256xi32> -> vector<64x256xf32>
    %eq3A_1375 = arith.constant 2 : i32
    %eq3A_1376 = vector.broadcast %eq3A_1375 : i32 to vector<64x256xi32>
    %eq3A_1377 = arith.cmpi eq, %shift_right_arithmetic3A_1331, %eq3A_1376 : vector<64x256xi32>
    %select_n3A_1378 = arith.select %eq3A_1377, %gather3A_1374, %select_n3A_1363 : vector<64x256xi1>, vector<64x256xf32>
    %slice3A_1379 = vector.extract_strided_slice %get3A_1294 {offsets = [0, 384], sizes = [64, 128], strides = [1, 1]} : vector<64x1024xf32> to vector<64x128xf32>
    %lt3A_1380 = arith.constant 0 : i32
    %lt3A_1381 = vector.broadcast %lt3A_1380 : i32 to vector<64x256xi32>
    %lt3A_1382 = arith.cmpi slt, %and3A_1328, %lt3A_1381 : vector<64x256xi32>
    %add3A_1383 = arith.constant 128 : i32
    %add3A_1384 = vector.broadcast %add3A_1383 : i32 to vector<64x256xi32>
    %add3A_1385 = arith.addi %and3A_1328, %add3A_1384 : vector<64x256xi32>
    %select_n3A_1386 = arith.select %lt3A_1382, %add3A_1385, %and3A_1328 : vector<64x256xi1>, vector<64x256xi32>
    %reshape3A_1387 = vector.shape_cast %select_n3A_1386 : vector<64x256xi32> to vector<64x256x1xi32>
    %gather3A_1388 = vector.shape_cast %reshape3A_1387 : vector<64x256x1xi32> to vector<64x256xi32>
    %gather3A_1389 = tpu.dynamic_gather %slice3A_1379[%gather3A_1388] in [1] : vector<64x128xf32>, vector<64x256xi32> -> vector<64x256xf32>
    %eq3A_1390 = arith.constant 3 : i32
    %eq3A_1391 = vector.broadcast %eq3A_1390 : i32 to vector<64x256xi32>
    %eq3A_1392 = arith.cmpi eq, %shift_right_arithmetic3A_1331, %eq3A_1391 : vector<64x256xi32>
    %select_n3A_1393 = arith.select %eq3A_1392, %gather3A_1389, %select_n3A_1378 : vector<64x256xi1>, vector<64x256xf32>
    %slice3A_1394 = vector.extract_strided_slice %get3A_1294 {offsets = [0, 512], sizes = [64, 128], strides = [1, 1]} : vector<64x1024xf32> to vector<64x128xf32>
    %lt3A_1395 = arith.constant 0 : i32
    %lt3A_1396 = vector.broadcast %lt3A_1395 : i32 to vector<64x256xi32>
    %lt3A_1397 = arith.cmpi slt, %and3A_1328, %lt3A_1396 : vector<64x256xi32>
    %add3A_1398 = arith.constant 128 : i32
    %add3A_1399 = vector.broadcast %add3A_1398 : i32 to vector<64x256xi32>
    %add3A_1400 = arith.addi %and3A_1328, %add3A_1399 : vector<64x256xi32>
    %select_n3A_1401 = arith.select %lt3A_1397, %add3A_1400, %and3A_1328 : vector<64x256xi1>, vector<64x256xi32>
    %reshape3A_1402 = vector.shape_cast %select_n3A_1401 : vector<64x256xi32> to vector<64x256x1xi32>
    %gather3A_1403 = vector.shape_cast %reshape3A_1402 : vector<64x256x1xi32> to vector<64x256xi32>
    %gather3A_1404 = tpu.dynamic_gather %slice3A_1394[%gather3A_1403] in [1] : vector<64x128xf32>, vector<64x256xi32> -> vector<64x256xf32>
    %eq3A_1405 = arith.constant 4 : i32
    %eq3A_1406 = vector.broadcast %eq3A_1405 : i32 to vector<64x256xi32>
    %eq3A_1407 = arith.cmpi eq, %shift_right_arithmetic3A_1331, %eq3A_1406 : vector<64x256xi32>
    %select_n3A_1408 = arith.select %eq3A_1407, %gather3A_1404, %select_n3A_1393 : vector<64x256xi1>, vector<64x256xf32>
    %slice3A_1409 = vector.extract_strided_slice %get3A_1294 {offsets = [0, 640], sizes = [64, 128], strides = [1, 1]} : vector<64x1024xf32> to vector<64x128xf32>
    %lt3A_1410 = arith.constant 0 : i32
    %lt3A_1411 = vector.broadcast %lt3A_1410 : i32 to vector<64x256xi32>
    %lt3A_1412 = arith.cmpi slt, %and3A_1328, %lt3A_1411 : vector<64x256xi32>
    %add3A_1413 = arith.constant 128 : i32
    %add3A_1414 = vector.broadcast %add3A_1413 : i32 to vector<64x256xi32>
    %add3A_1415 = arith.addi %and3A_1328, %add3A_1414 : vector<64x256xi32>
    %select_n3A_1416 = arith.select %lt3A_1412, %add3A_1415, %and3A_1328 : vector<64x256xi1>, vector<64x256xi32>
    %reshape3A_1417 = vector.shape_cast %select_n3A_1416 : vector<64x256xi32> to vector<64x256x1xi32>
    %gather3A_1418 = vector.shape_cast %reshape3A_1417 : vector<64x256x1xi32> to vector<64x256xi32>
    %gather3A_1419 = tpu.dynamic_gather %slice3A_1409[%gather3A_1418] in [1] : vector<64x128xf32>, vector<64x256xi32> -> vector<64x256xf32>
    %eq3A_1420 = arith.constant 5 : i32
    %eq3A_1421 = vector.broadcast %eq3A_1420 : i32 to vector<64x256xi32>
    %eq3A_1422 = arith.cmpi eq, %shift_right_arithmetic3A_1331, %eq3A_1421 : vector<64x256xi32>
    %select_n3A_1423 = arith.select %eq3A_1422, %gather3A_1419, %select_n3A_1408 : vector<64x256xi1>, vector<64x256xf32>
    %slice3A_1424 = vector.extract_strided_slice %get3A_1294 {offsets = [0, 768], sizes = [64, 128], strides = [1, 1]} : vector<64x1024xf32> to vector<64x128xf32>
    %lt3A_1425 = arith.constant 0 : i32
    %lt3A_1426 = vector.broadcast %lt3A_1425 : i32 to vector<64x256xi32>
    %lt3A_1427 = arith.cmpi slt, %and3A_1328, %lt3A_1426 : vector<64x256xi32>
    %add3A_1428 = arith.constant 128 : i32
    %add3A_1429 = vector.broadcast %add3A_1428 : i32 to vector<64x256xi32>
    %add3A_1430 = arith.addi %and3A_1328, %add3A_1429 : vector<64x256xi32>
    %select_n3A_1431 = arith.select %lt3A_1427, %add3A_1430, %and3A_1328 : vector<64x256xi1>, vector<64x256xi32>
    %reshape3A_1432 = vector.shape_cast %select_n3A_1431 : vector<64x256xi32> to vector<64x256x1xi32>
    %gather3A_1433 = vector.shape_cast %reshape3A_1432 : vector<64x256x1xi32> to vector<64x256xi32>
    %gather3A_1434 = tpu.dynamic_gather %slice3A_1424[%gather3A_1433] in [1] : vector<64x128xf32>, vector<64x256xi32> -> vector<64x256xf32>
    %eq3A_1435 = arith.constant 6 : i32
    %eq3A_1436 = vector.broadcast %eq3A_1435 : i32 to vector<64x256xi32>
    %eq3A_1437 = arith.cmpi eq, %shift_right_arithmetic3A_1331, %eq3A_1436 : vector<64x256xi32>
    %select_n3A_1438 = arith.select %eq3A_1437, %gather3A_1434, %select_n3A_1423 : vector<64x256xi1>, vector<64x256xf32>
    %slice3A_1439 = vector.extract_strided_slice %get3A_1294 {offsets = [0, 896], sizes = [64, 128], strides = [1, 1]} : vector<64x1024xf32> to vector<64x128xf32>
    %lt3A_1440 = arith.constant 0 : i32
    %lt3A_1441 = vector.broadcast %lt3A_1440 : i32 to vector<64x256xi32>
    %lt3A_1442 = arith.cmpi slt, %and3A_1328, %lt3A_1441 : vector<64x256xi32>
    %add3A_1443 = arith.constant 128 : i32
    %add3A_1444 = vector.broadcast %add3A_1443 : i32 to vector<64x256xi32>
    %add3A_1445 = arith.addi %and3A_1328, %add3A_1444 : vector<64x256xi32>
    %select_n3A_1446 = arith.select %lt3A_1442, %add3A_1445, %and3A_1328 : vector<64x256xi1>, vector<64x256xi32>
    %reshape3A_1447 = vector.shape_cast %select_n3A_1446 : vector<64x256xi32> to vector<64x256x1xi32>
    %gather3A_1448 = vector.shape_cast %reshape3A_1447 : vector<64x256x1xi32> to vector<64x256xi32>
    %gather3A_1449 = tpu.dynamic_gather %slice3A_1439[%gather3A_1448] in [1] : vector<64x128xf32>, vector<64x256xi32> -> vector<64x256xf32>
    %eq3A_1450 = arith.constant 7 : i32
    %eq3A_1451 = vector.broadcast %eq3A_1450 : i32 to vector<64x256xi32>
    %eq3A_1452 = arith.cmpi eq, %shift_right_arithmetic3A_1331, %eq3A_1451 : vector<64x256xi32>
    %select_n3A_1453 = arith.select %eq3A_1452, %gather3A_1449, %select_n3A_1438 : vector<64x256xi1>, vector<64x256xf32>
    %transpose3A_1454 = tpu.transpose %select_n3A_1453, [1, 0] : vector<64x256xf32> -> vector<256x64xf32>
    %add3A_1455 = arith.addf %add3A_811, %transpose3A_1454 : vector<256x64xf32>
    %sub3A_1456 = arith.subf %sub3A_812, %transpose3A_1454 : vector<256x64xf32>
    %dot_general3A_1457 = arith.constant dense<0.000000e+00> : vector<256x1024xf32>
    %dot_general3A_1458 = tpu.matmul %sub3A_971, %get3A_1294, %dot_general3A_1457 {dimension_numbers = #tpu.dot_dimension_numbers<[1], [0], [0], [1], [0, 0, 1, 1], [], []>, transpose_lhs_hint = false} : vector<256x64xf32>, vector<64x1024xf32>, vector<256x1024xf32> -> vector<256x1024xf32>
    %mul3A_1459 = arith.mulf %sub3A_971, %sub3A_971 : vector<256x64xf32>
    %reduce_sum3A_1460 = arith.constant dense<0.000000e+00> : vector<256xf32>
    %reduce_sum3A_1461 = vector.multi_reduction <add>, %mul3A_1459, %reduce_sum3A_1460 [1] : vector<256x64xf32> to vector<256xf32>
    %broadcast_in_dim3A_1462 = vector.shape_cast %reduce_sum3A_1461 : vector<256xf32> to vector<256x1xf32>
    %add3A_1463 = vector.broadcast %broadcast_in_dim3A_1462 : vector<256x1xf32> to vector<256x1024xf32>
    %add3A_1464 = vector.broadcast %get3A_1297 : vector<1x1024xf32> to vector<256x1024xf32>
    %add3A_1465 = arith.addf %add3A_1463, %add3A_1464 : vector<256x1024xf32>
    %mul3A_1466 = arith.constant 2.000000e+00 : f32
    %mul3A_1467 = vector.broadcast %mul3A_1466 : f32 to vector<256x1024xf32>
    %mul3A_1468 = arith.mulf %mul3A_1467, %dot_general3A_1458 : vector<256x1024xf32>
    %sub3A_1469 = arith.subf %add3A_1465, %mul3A_1468 : vector<256x1024xf32>
    %reduce_min3A_1470 = arith.constant dense<0x7F800000> : vector<256xf32>
    %reduce_min3A_1471 = vector.multi_reduction <minimumf>, %sub3A_1469, %reduce_min3A_1470 [1] : vector<256x1024xf32> to vector<256xf32>
    %broadcast_in_dim3A_1472 = vector.shape_cast %reduce_min3A_1471 : vector<256xf32> to vector<256x1xf32>
    %eq3A_1473 = vector.broadcast %broadcast_in_dim3A_1472 : vector<256x1xf32> to vector<256x1024xf32>
    %eq3A_1474 = arith.cmpf oeq, %sub3A_1469, %eq3A_1473 : vector<256x1024xf32>
    %jit3A_1475 = arith.constant 1.024000e+03 : f32
    %broadcast_in_dim3A_1476 = vector.broadcast %jit3A_1475 : f32 to vector<256x1024xf32>
    %select_n3A_1477 = arith.select %eq3A_1474, %convert_element_type3A, %broadcast_in_dim3A_1476 : vector<256x1024xi1>, vector<256x1024xf32>
    %reduce_min3A_1478 = arith.constant dense<0x7F800000> : vector<256xf32>
    %reduce_min3A_1479 = vector.multi_reduction <minimumf>, %select_n3A_1477, %reduce_min3A_1478 [1] : vector<256x1024xf32> to vector<256xf32>
    %broadcast_in_dim3A_1480 = vector.shape_cast %reduce_min3A_1479 : vector<256xf32> to vector<256x1xf32>
    %convert_element_type3A_1481 = arith.fptosi %broadcast_in_dim3A_1480 : vector<256x1xf32> to vector<256x1xi32>
    %transpose3A_1482 = tpu.transpose %convert_element_type3A_1481, [1, 0] : vector<256x1xi32> -> vector<1x256xi32>
    %broadcast_in_dim3A_1483 = vector.shape_cast %transpose3A_1482 : vector<1x256xi32> to vector<1x256xi32>
    %broadcast_in_dim3A_1484 = vector.broadcast %broadcast_in_dim3A_1483 : vector<1x256xi32> to vector<64x256xi32>
    %and3A_1485 = arith.constant 127 : i32
    %and3A_1486 = vector.broadcast %and3A_1485 : i32 to vector<64x256xi32>
    %and3A_1487 = arith.andi %broadcast_in_dim3A_1484, %and3A_1486 : vector<64x256xi32>
    %shift_right_arithmetic3A_1488 = arith.constant 7 : i32
    %shift_right_arithmetic3A_1489 = vector.broadcast %shift_right_arithmetic3A_1488 : i32 to vector<64x256xi32>
    %shift_right_arithmetic3A_1490 = arith.shrsi %broadcast_in_dim3A_1484, %shift_right_arithmetic3A_1489 : vector<64x256xi32>
    %broadcast_in_dim3A_1491 = arith.constant 0.000000e+00 : f32
    %broadcast_in_dim3A_1492 = vector.broadcast %broadcast_in_dim3A_1491 : f32 to vector<64x256xf32>
    %slice3A_1493 = vector.extract_strided_slice %get3A_1294 {offsets = [0, 0], sizes = [64, 128], strides = [1, 1]} : vector<64x1024xf32> to vector<64x128xf32>
    %lt3A_1494 = arith.constant 0 : i32
    %lt3A_1495 = vector.broadcast %lt3A_1494 : i32 to vector<64x256xi32>
    %lt3A_1496 = arith.cmpi slt, %and3A_1487, %lt3A_1495 : vector<64x256xi32>
    %add3A_1497 = arith.constant 128 : i32
    %add3A_1498 = vector.broadcast %add3A_1497 : i32 to vector<64x256xi32>
    %add3A_1499 = arith.addi %and3A_1487, %add3A_1498 : vector<64x256xi32>
    %select_n3A_1500 = arith.select %lt3A_1496, %add3A_1499, %and3A_1487 : vector<64x256xi1>, vector<64x256xi32>
    %reshape3A_1501 = vector.shape_cast %select_n3A_1500 : vector<64x256xi32> to vector<64x256x1xi32>
    %gather3A_1502 = vector.shape_cast %reshape3A_1501 : vector<64x256x1xi32> to vector<64x256xi32>
    %gather3A_1503 = tpu.dynamic_gather %slice3A_1493[%gather3A_1502] in [1] : vector<64x128xf32>, vector<64x256xi32> -> vector<64x256xf32>
    %eq3A_1504 = arith.constant 0 : i32
    %eq3A_1505 = vector.broadcast %eq3A_1504 : i32 to vector<64x256xi32>
    %eq3A_1506 = arith.cmpi eq, %shift_right_arithmetic3A_1490, %eq3A_1505 : vector<64x256xi32>
    %select_n3A_1507 = arith.select %eq3A_1506, %gather3A_1503, %broadcast_in_dim3A_1492 : vector<64x256xi1>, vector<64x256xf32>
    %slice3A_1508 = vector.extract_strided_slice %get3A_1294 {offsets = [0, 128], sizes = [64, 128], strides = [1, 1]} : vector<64x1024xf32> to vector<64x128xf32>
    %lt3A_1509 = arith.constant 0 : i32
    %lt3A_1510 = vector.broadcast %lt3A_1509 : i32 to vector<64x256xi32>
    %lt3A_1511 = arith.cmpi slt, %and3A_1487, %lt3A_1510 : vector<64x256xi32>
    %add3A_1512 = arith.constant 128 : i32
    %add3A_1513 = vector.broadcast %add3A_1512 : i32 to vector<64x256xi32>
    %add3A_1514 = arith.addi %and3A_1487, %add3A_1513 : vector<64x256xi32>
    %select_n3A_1515 = arith.select %lt3A_1511, %add3A_1514, %and3A_1487 : vector<64x256xi1>, vector<64x256xi32>
    %reshape3A_1516 = vector.shape_cast %select_n3A_1515 : vector<64x256xi32> to vector<64x256x1xi32>
    %gather3A_1517 = vector.shape_cast %reshape3A_1516 : vector<64x256x1xi32> to vector<64x256xi32>
    %gather3A_1518 = tpu.dynamic_gather %slice3A_1508[%gather3A_1517] in [1] : vector<64x128xf32>, vector<64x256xi32> -> vector<64x256xf32>
    %eq3A_1519 = arith.constant 1 : i32
    %eq3A_1520 = vector.broadcast %eq3A_1519 : i32 to vector<64x256xi32>
    %eq3A_1521 = arith.cmpi eq, %shift_right_arithmetic3A_1490, %eq3A_1520 : vector<64x256xi32>
    %select_n3A_1522 = arith.select %eq3A_1521, %gather3A_1518, %select_n3A_1507 : vector<64x256xi1>, vector<64x256xf32>
    %slice3A_1523 = vector.extract_strided_slice %get3A_1294 {offsets = [0, 256], sizes = [64, 128], strides = [1, 1]} : vector<64x1024xf32> to vector<64x128xf32>
    %lt3A_1524 = arith.constant 0 : i32
    %lt3A_1525 = vector.broadcast %lt3A_1524 : i32 to vector<64x256xi32>
    %lt3A_1526 = arith.cmpi slt, %and3A_1487, %lt3A_1525 : vector<64x256xi32>
    %add3A_1527 = arith.constant 128 : i32
    %add3A_1528 = vector.broadcast %add3A_1527 : i32 to vector<64x256xi32>
    %add3A_1529 = arith.addi %and3A_1487, %add3A_1528 : vector<64x256xi32>
    %select_n3A_1530 = arith.select %lt3A_1526, %add3A_1529, %and3A_1487 : vector<64x256xi1>, vector<64x256xi32>
    %reshape3A_1531 = vector.shape_cast %select_n3A_1530 : vector<64x256xi32> to vector<64x256x1xi32>
    %gather3A_1532 = vector.shape_cast %reshape3A_1531 : vector<64x256x1xi32> to vector<64x256xi32>
    %gather3A_1533 = tpu.dynamic_gather %slice3A_1523[%gather3A_1532] in [1] : vector<64x128xf32>, vector<64x256xi32> -> vector<64x256xf32>
    %eq3A_1534 = arith.constant 2 : i32
    %eq3A_1535 = vector.broadcast %eq3A_1534 : i32 to vector<64x256xi32>
    %eq3A_1536 = arith.cmpi eq, %shift_right_arithmetic3A_1490, %eq3A_1535 : vector<64x256xi32>
    %select_n3A_1537 = arith.select %eq3A_1536, %gather3A_1533, %select_n3A_1522 : vector<64x256xi1>, vector<64x256xf32>
    %slice3A_1538 = vector.extract_strided_slice %get3A_1294 {offsets = [0, 384], sizes = [64, 128], strides = [1, 1]} : vector<64x1024xf32> to vector<64x128xf32>
    %lt3A_1539 = arith.constant 0 : i32
    %lt3A_1540 = vector.broadcast %lt3A_1539 : i32 to vector<64x256xi32>
    %lt3A_1541 = arith.cmpi slt, %and3A_1487, %lt3A_1540 : vector<64x256xi32>
    %add3A_1542 = arith.constant 128 : i32
    %add3A_1543 = vector.broadcast %add3A_1542 : i32 to vector<64x256xi32>
    %add3A_1544 = arith.addi %and3A_1487, %add3A_1543 : vector<64x256xi32>
    %select_n3A_1545 = arith.select %lt3A_1541, %add3A_1544, %and3A_1487 : vector<64x256xi1>, vector<64x256xi32>
    %reshape3A_1546 = vector.shape_cast %select_n3A_1545 : vector<64x256xi32> to vector<64x256x1xi32>
    %gather3A_1547 = vector.shape_cast %reshape3A_1546 : vector<64x256x1xi32> to vector<64x256xi32>
    %gather3A_1548 = tpu.dynamic_gather %slice3A_1538[%gather3A_1547] in [1] : vector<64x128xf32>, vector<64x256xi32> -> vector<64x256xf32>
    %eq3A_1549 = arith.constant 3 : i32
    %eq3A_1550 = vector.broadcast %eq3A_1549 : i32 to vector<64x256xi32>
    %eq3A_1551 = arith.cmpi eq, %shift_right_arithmetic3A_1490, %eq3A_1550 : vector<64x256xi32>
    %select_n3A_1552 = arith.select %eq3A_1551, %gather3A_1548, %select_n3A_1537 : vector<64x256xi1>, vector<64x256xf32>
    %slice3A_1553 = vector.extract_strided_slice %get3A_1294 {offsets = [0, 512], sizes = [64, 128], strides = [1, 1]} : vector<64x1024xf32> to vector<64x128xf32>
    %lt3A_1554 = arith.constant 0 : i32
    %lt3A_1555 = vector.broadcast %lt3A_1554 : i32 to vector<64x256xi32>
    %lt3A_1556 = arith.cmpi slt, %and3A_1487, %lt3A_1555 : vector<64x256xi32>
    %add3A_1557 = arith.constant 128 : i32
    %add3A_1558 = vector.broadcast %add3A_1557 : i32 to vector<64x256xi32>
    %add3A_1559 = arith.addi %and3A_1487, %add3A_1558 : vector<64x256xi32>
    %select_n3A_1560 = arith.select %lt3A_1556, %add3A_1559, %and3A_1487 : vector<64x256xi1>, vector<64x256xi32>
    %reshape3A_1561 = vector.shape_cast %select_n3A_1560 : vector<64x256xi32> to vector<64x256x1xi32>
    %gather3A_1562 = vector.shape_cast %reshape3A_1561 : vector<64x256x1xi32> to vector<64x256xi32>
    %gather3A_1563 = tpu.dynamic_gather %slice3A_1553[%gather3A_1562] in [1] : vector<64x128xf32>, vector<64x256xi32> -> vector<64x256xf32>
    %eq3A_1564 = arith.constant 4 : i32
    %eq3A_1565 = vector.broadcast %eq3A_1564 : i32 to vector<64x256xi32>
    %eq3A_1566 = arith.cmpi eq, %shift_right_arithmetic3A_1490, %eq3A_1565 : vector<64x256xi32>
    %select_n3A_1567 = arith.select %eq3A_1566, %gather3A_1563, %select_n3A_1552 : vector<64x256xi1>, vector<64x256xf32>
    %slice3A_1568 = vector.extract_strided_slice %get3A_1294 {offsets = [0, 640], sizes = [64, 128], strides = [1, 1]} : vector<64x1024xf32> to vector<64x128xf32>
    %lt3A_1569 = arith.constant 0 : i32
    %lt3A_1570 = vector.broadcast %lt3A_1569 : i32 to vector<64x256xi32>
    %lt3A_1571 = arith.cmpi slt, %and3A_1487, %lt3A_1570 : vector<64x256xi32>
    %add3A_1572 = arith.constant 128 : i32
    %add3A_1573 = vector.broadcast %add3A_1572 : i32 to vector<64x256xi32>
    %add3A_1574 = arith.addi %and3A_1487, %add3A_1573 : vector<64x256xi32>
    %select_n3A_1575 = arith.select %lt3A_1571, %add3A_1574, %and3A_1487 : vector<64x256xi1>, vector<64x256xi32>
    %reshape3A_1576 = vector.shape_cast %select_n3A_1575 : vector<64x256xi32> to vector<64x256x1xi32>
    %gather3A_1577 = vector.shape_cast %reshape3A_1576 : vector<64x256x1xi32> to vector<64x256xi32>
    %gather3A_1578 = tpu.dynamic_gather %slice3A_1568[%gather3A_1577] in [1] : vector<64x128xf32>, vector<64x256xi32> -> vector<64x256xf32>
    %eq3A_1579 = arith.constant 5 : i32
    %eq3A_1580 = vector.broadcast %eq3A_1579 : i32 to vector<64x256xi32>
    %eq3A_1581 = arith.cmpi eq, %shift_right_arithmetic3A_1490, %eq3A_1580 : vector<64x256xi32>
    %select_n3A_1582 = arith.select %eq3A_1581, %gather3A_1578, %select_n3A_1567 : vector<64x256xi1>, vector<64x256xf32>
    %slice3A_1583 = vector.extract_strided_slice %get3A_1294 {offsets = [0, 768], sizes = [64, 128], strides = [1, 1]} : vector<64x1024xf32> to vector<64x128xf32>
    %lt3A_1584 = arith.constant 0 : i32
    %lt3A_1585 = vector.broadcast %lt3A_1584 : i32 to vector<64x256xi32>
    %lt3A_1586 = arith.cmpi slt, %and3A_1487, %lt3A_1585 : vector<64x256xi32>
    %add3A_1587 = arith.constant 128 : i32
    %add3A_1588 = vector.broadcast %add3A_1587 : i32 to vector<64x256xi32>
    %add3A_1589 = arith.addi %and3A_1487, %add3A_1588 : vector<64x256xi32>
    %select_n3A_1590 = arith.select %lt3A_1586, %add3A_1589, %and3A_1487 : vector<64x256xi1>, vector<64x256xi32>
    %reshape3A_1591 = vector.shape_cast %select_n3A_1590 : vector<64x256xi32> to vector<64x256x1xi32>
    %gather3A_1592 = vector.shape_cast %reshape3A_1591 : vector<64x256x1xi32> to vector<64x256xi32>
    %gather3A_1593 = tpu.dynamic_gather %slice3A_1583[%gather3A_1592] in [1] : vector<64x128xf32>, vector<64x256xi32> -> vector<64x256xf32>
    %eq3A_1594 = arith.constant 6 : i32
    %eq3A_1595 = vector.broadcast %eq3A_1594 : i32 to vector<64x256xi32>
    %eq3A_1596 = arith.cmpi eq, %shift_right_arithmetic3A_1490, %eq3A_1595 : vector<64x256xi32>
    %select_n3A_1597 = arith.select %eq3A_1596, %gather3A_1593, %select_n3A_1582 : vector<64x256xi1>, vector<64x256xf32>
    %slice3A_1598 = vector.extract_strided_slice %get3A_1294 {offsets = [0, 896], sizes = [64, 128], strides = [1, 1]} : vector<64x1024xf32> to vector<64x128xf32>
    %lt3A_1599 = arith.constant 0 : i32
    %lt3A_1600 = vector.broadcast %lt3A_1599 : i32 to vector<64x256xi32>
    %lt3A_1601 = arith.cmpi slt, %and3A_1487, %lt3A_1600 : vector<64x256xi32>
    %add3A_1602 = arith.constant 128 : i32
    %add3A_1603 = vector.broadcast %add3A_1602 : i32 to vector<64x256xi32>
    %add3A_1604 = arith.addi %and3A_1487, %add3A_1603 : vector<64x256xi32>
    %select_n3A_1605 = arith.select %lt3A_1601, %add3A_1604, %and3A_1487 : vector<64x256xi1>, vector<64x256xi32>
    %reshape3A_1606 = vector.shape_cast %select_n3A_1605 : vector<64x256xi32> to vector<64x256x1xi32>
    %gather3A_1607 = vector.shape_cast %reshape3A_1606 : vector<64x256x1xi32> to vector<64x256xi32>
    %gather3A_1608 = tpu.dynamic_gather %slice3A_1598[%gather3A_1607] in [1] : vector<64x128xf32>, vector<64x256xi32> -> vector<64x256xf32>
    %eq3A_1609 = arith.constant 7 : i32
    %eq3A_1610 = vector.broadcast %eq3A_1609 : i32 to vector<64x256xi32>
    %eq3A_1611 = arith.cmpi eq, %shift_right_arithmetic3A_1490, %eq3A_1610 : vector<64x256xi32>
    %select_n3A_1612 = arith.select %eq3A_1611, %gather3A_1608, %select_n3A_1597 : vector<64x256xi1>, vector<64x256xf32>
    %transpose3A_1613 = tpu.transpose %select_n3A_1612, [1, 0] : vector<64x256xf32> -> vector<256x64xf32>
    %add3A_1614 = arith.addf %add3A_970, %transpose3A_1613 : vector<256x64xf32>
    %sub3A_1615 = arith.subf %sub3A_971, %transpose3A_1613 : vector<256x64xf32>
    %dot_general3A_1616 = arith.constant dense<0.000000e+00> : vector<256x1024xf32>
    %dot_general3A_1617 = tpu.matmul %sub3A_1130, %get3A_1294, %dot_general3A_1616 {dimension_numbers = #tpu.dot_dimension_numbers<[1], [0], [0], [1], [0, 0, 1, 1], [], []>, transpose_lhs_hint = false} : vector<256x64xf32>, vector<64x1024xf32>, vector<256x1024xf32> -> vector<256x1024xf32>
    %mul3A_1618 = arith.mulf %sub3A_1130, %sub3A_1130 : vector<256x64xf32>
    %reduce_sum3A_1619 = arith.constant dense<0.000000e+00> : vector<256xf32>
    %reduce_sum3A_1620 = vector.multi_reduction <add>, %mul3A_1618, %reduce_sum3A_1619 [1] : vector<256x64xf32> to vector<256xf32>
    %broadcast_in_dim3A_1621 = vector.shape_cast %reduce_sum3A_1620 : vector<256xf32> to vector<256x1xf32>
    %add3A_1622 = vector.broadcast %broadcast_in_dim3A_1621 : vector<256x1xf32> to vector<256x1024xf32>
    %add3A_1623 = vector.broadcast %get3A_1297 : vector<1x1024xf32> to vector<256x1024xf32>
    %add3A_1624 = arith.addf %add3A_1622, %add3A_1623 : vector<256x1024xf32>
    %mul3A_1625 = arith.constant 2.000000e+00 : f32
    %mul3A_1626 = vector.broadcast %mul3A_1625 : f32 to vector<256x1024xf32>
    %mul3A_1627 = arith.mulf %mul3A_1626, %dot_general3A_1617 : vector<256x1024xf32>
    %sub3A_1628 = arith.subf %add3A_1624, %mul3A_1627 : vector<256x1024xf32>
    %reduce_min3A_1629 = arith.constant dense<0x7F800000> : vector<256xf32>
    %reduce_min3A_1630 = vector.multi_reduction <minimumf>, %sub3A_1628, %reduce_min3A_1629 [1] : vector<256x1024xf32> to vector<256xf32>
    %broadcast_in_dim3A_1631 = vector.shape_cast %reduce_min3A_1630 : vector<256xf32> to vector<256x1xf32>
    %eq3A_1632 = vector.broadcast %broadcast_in_dim3A_1631 : vector<256x1xf32> to vector<256x1024xf32>
    %eq3A_1633 = arith.cmpf oeq, %sub3A_1628, %eq3A_1632 : vector<256x1024xf32>
    %jit3A_1634 = arith.constant 1.024000e+03 : f32
    %broadcast_in_dim3A_1635 = vector.broadcast %jit3A_1634 : f32 to vector<256x1024xf32>
    %select_n3A_1636 = arith.select %eq3A_1633, %convert_element_type3A, %broadcast_in_dim3A_1635 : vector<256x1024xi1>, vector<256x1024xf32>
    %reduce_min3A_1637 = arith.constant dense<0x7F800000> : vector<256xf32>
    %reduce_min3A_1638 = vector.multi_reduction <minimumf>, %select_n3A_1636, %reduce_min3A_1637 [1] : vector<256x1024xf32> to vector<256xf32>
    %broadcast_in_dim3A_1639 = vector.shape_cast %reduce_min3A_1638 : vector<256xf32> to vector<256x1xf32>
    %convert_element_type3A_1640 = arith.fptosi %broadcast_in_dim3A_1639 : vector<256x1xf32> to vector<256x1xi32>
    %transpose3A_1641 = tpu.transpose %convert_element_type3A_1640, [1, 0] : vector<256x1xi32> -> vector<1x256xi32>
    %broadcast_in_dim3A_1642 = vector.shape_cast %transpose3A_1641 : vector<1x256xi32> to vector<1x256xi32>
    %broadcast_in_dim3A_1643 = vector.broadcast %broadcast_in_dim3A_1642 : vector<1x256xi32> to vector<64x256xi32>
    %and3A_1644 = arith.constant 127 : i32
    %and3A_1645 = vector.broadcast %and3A_1644 : i32 to vector<64x256xi32>
    %and3A_1646 = arith.andi %broadcast_in_dim3A_1643, %and3A_1645 : vector<64x256xi32>
    %shift_right_arithmetic3A_1647 = arith.constant 7 : i32
    %shift_right_arithmetic3A_1648 = vector.broadcast %shift_right_arithmetic3A_1647 : i32 to vector<64x256xi32>
    %shift_right_arithmetic3A_1649 = arith.shrsi %broadcast_in_dim3A_1643, %shift_right_arithmetic3A_1648 : vector<64x256xi32>
    %broadcast_in_dim3A_1650 = arith.constant 0.000000e+00 : f32
    %broadcast_in_dim3A_1651 = vector.broadcast %broadcast_in_dim3A_1650 : f32 to vector<64x256xf32>
    %slice3A_1652 = vector.extract_strided_slice %get3A_1294 {offsets = [0, 0], sizes = [64, 128], strides = [1, 1]} : vector<64x1024xf32> to vector<64x128xf32>
    %lt3A_1653 = arith.constant 0 : i32
    %lt3A_1654 = vector.broadcast %lt3A_1653 : i32 to vector<64x256xi32>
    %lt3A_1655 = arith.cmpi slt, %and3A_1646, %lt3A_1654 : vector<64x256xi32>
    %add3A_1656 = arith.constant 128 : i32
    %add3A_1657 = vector.broadcast %add3A_1656 : i32 to vector<64x256xi32>
    %add3A_1658 = arith.addi %and3A_1646, %add3A_1657 : vector<64x256xi32>
    %select_n3A_1659 = arith.select %lt3A_1655, %add3A_1658, %and3A_1646 : vector<64x256xi1>, vector<64x256xi32>
    %reshape3A_1660 = vector.shape_cast %select_n3A_1659 : vector<64x256xi32> to vector<64x256x1xi32>
    %gather3A_1661 = vector.shape_cast %reshape3A_1660 : vector<64x256x1xi32> to vector<64x256xi32>
    %gather3A_1662 = tpu.dynamic_gather %slice3A_1652[%gather3A_1661] in [1] : vector<64x128xf32>, vector<64x256xi32> -> vector<64x256xf32>
    %eq3A_1663 = arith.constant 0 : i32
    %eq3A_1664 = vector.broadcast %eq3A_1663 : i32 to vector<64x256xi32>
    %eq3A_1665 = arith.cmpi eq, %shift_right_arithmetic3A_1649, %eq3A_1664 : vector<64x256xi32>
    %select_n3A_1666 = arith.select %eq3A_1665, %gather3A_1662, %broadcast_in_dim3A_1651 : vector<64x256xi1>, vector<64x256xf32>
    %slice3A_1667 = vector.extract_strided_slice %get3A_1294 {offsets = [0, 128], sizes = [64, 128], strides = [1, 1]} : vector<64x1024xf32> to vector<64x128xf32>
    %lt3A_1668 = arith.constant 0 : i32
    %lt3A_1669 = vector.broadcast %lt3A_1668 : i32 to vector<64x256xi32>
    %lt3A_1670 = arith.cmpi slt, %and3A_1646, %lt3A_1669 : vector<64x256xi32>
    %add3A_1671 = arith.constant 128 : i32
    %add3A_1672 = vector.broadcast %add3A_1671 : i32 to vector<64x256xi32>
    %add3A_1673 = arith.addi %and3A_1646, %add3A_1672 : vector<64x256xi32>
    %select_n3A_1674 = arith.select %lt3A_1670, %add3A_1673, %and3A_1646 : vector<64x256xi1>, vector<64x256xi32>
    %reshape3A_1675 = vector.shape_cast %select_n3A_1674 : vector<64x256xi32> to vector<64x256x1xi32>
    %gather3A_1676 = vector.shape_cast %reshape3A_1675 : vector<64x256x1xi32> to vector<64x256xi32>
    %gather3A_1677 = tpu.dynamic_gather %slice3A_1667[%gather3A_1676] in [1] : vector<64x128xf32>, vector<64x256xi32> -> vector<64x256xf32>
    %eq3A_1678 = arith.constant 1 : i32
    %eq3A_1679 = vector.broadcast %eq3A_1678 : i32 to vector<64x256xi32>
    %eq3A_1680 = arith.cmpi eq, %shift_right_arithmetic3A_1649, %eq3A_1679 : vector<64x256xi32>
    %select_n3A_1681 = arith.select %eq3A_1680, %gather3A_1677, %select_n3A_1666 : vector<64x256xi1>, vector<64x256xf32>
    %slice3A_1682 = vector.extract_strided_slice %get3A_1294 {offsets = [0, 256], sizes = [64, 128], strides = [1, 1]} : vector<64x1024xf32> to vector<64x128xf32>
    %lt3A_1683 = arith.constant 0 : i32
    %lt3A_1684 = vector.broadcast %lt3A_1683 : i32 to vector<64x256xi32>
    %lt3A_1685 = arith.cmpi slt, %and3A_1646, %lt3A_1684 : vector<64x256xi32>
    %add3A_1686 = arith.constant 128 : i32
    %add3A_1687 = vector.broadcast %add3A_1686 : i32 to vector<64x256xi32>
    %add3A_1688 = arith.addi %and3A_1646, %add3A_1687 : vector<64x256xi32>
    %select_n3A_1689 = arith.select %lt3A_1685, %add3A_1688, %and3A_1646 : vector<64x256xi1>, vector<64x256xi32>
    %reshape3A_1690 = vector.shape_cast %select_n3A_1689 : vector<64x256xi32> to vector<64x256x1xi32>
    %gather3A_1691 = vector.shape_cast %reshape3A_1690 : vector<64x256x1xi32> to vector<64x256xi32>
    %gather3A_1692 = tpu.dynamic_gather %slice3A_1682[%gather3A_1691] in [1] : vector<64x128xf32>, vector<64x256xi32> -> vector<64x256xf32>
    %eq3A_1693 = arith.constant 2 : i32
    %eq3A_1694 = vector.broadcast %eq3A_1693 : i32 to vector<64x256xi32>
    %eq3A_1695 = arith.cmpi eq, %shift_right_arithmetic3A_1649, %eq3A_1694 : vector<64x256xi32>
    %select_n3A_1696 = arith.select %eq3A_1695, %gather3A_1692, %select_n3A_1681 : vector<64x256xi1>, vector<64x256xf32>
    %slice3A_1697 = vector.extract_strided_slice %get3A_1294 {offsets = [0, 384], sizes = [64, 128], strides = [1, 1]} : vector<64x1024xf32> to vector<64x128xf32>
    %lt3A_1698 = arith.constant 0 : i32
    %lt3A_1699 = vector.broadcast %lt3A_1698 : i32 to vector<64x256xi32>
    %lt3A_1700 = arith.cmpi slt, %and3A_1646, %lt3A_1699 : vector<64x256xi32>
    %add3A_1701 = arith.constant 128 : i32
    %add3A_1702 = vector.broadcast %add3A_1701 : i32 to vector<64x256xi32>
    %add3A_1703 = arith.addi %and3A_1646, %add3A_1702 : vector<64x256xi32>
    %select_n3A_1704 = arith.select %lt3A_1700, %add3A_1703, %and3A_1646 : vector<64x256xi1>, vector<64x256xi32>
    %reshape3A_1705 = vector.shape_cast %select_n3A_1704 : vector<64x256xi32> to vector<64x256x1xi32>
    %gather3A_1706 = vector.shape_cast %reshape3A_1705 : vector<64x256x1xi32> to vector<64x256xi32>
    %gather3A_1707 = tpu.dynamic_gather %slice3A_1697[%gather3A_1706] in [1] : vector<64x128xf32>, vector<64x256xi32> -> vector<64x256xf32>
    %eq3A_1708 = arith.constant 3 : i32
    %eq3A_1709 = vector.broadcast %eq3A_1708 : i32 to vector<64x256xi32>
    %eq3A_1710 = arith.cmpi eq, %shift_right_arithmetic3A_1649, %eq3A_1709 : vector<64x256xi32>
    %select_n3A_1711 = arith.select %eq3A_1710, %gather3A_1707, %select_n3A_1696 : vector<64x256xi1>, vector<64x256xf32>
    %slice3A_1712 = vector.extract_strided_slice %get3A_1294 {offsets = [0, 512], sizes = [64, 128], strides = [1, 1]} : vector<64x1024xf32> to vector<64x128xf32>
    %lt3A_1713 = arith.constant 0 : i32
    %lt3A_1714 = vector.broadcast %lt3A_1713 : i32 to vector<64x256xi32>
    %lt3A_1715 = arith.cmpi slt, %and3A_1646, %lt3A_1714 : vector<64x256xi32>
    %add3A_1716 = arith.constant 128 : i32
    %add3A_1717 = vector.broadcast %add3A_1716 : i32 to vector<64x256xi32>
    %add3A_1718 = arith.addi %and3A_1646, %add3A_1717 : vector<64x256xi32>
    %select_n3A_1719 = arith.select %lt3A_1715, %add3A_1718, %and3A_1646 : vector<64x256xi1>, vector<64x256xi32>
    %reshape3A_1720 = vector.shape_cast %select_n3A_1719 : vector<64x256xi32> to vector<64x256x1xi32>
    %gather3A_1721 = vector.shape_cast %reshape3A_1720 : vector<64x256x1xi32> to vector<64x256xi32>
    %gather3A_1722 = tpu.dynamic_gather %slice3A_1712[%gather3A_1721] in [1] : vector<64x128xf32>, vector<64x256xi32> -> vector<64x256xf32>
    %eq3A_1723 = arith.constant 4 : i32
    %eq3A_1724 = vector.broadcast %eq3A_1723 : i32 to vector<64x256xi32>
    %eq3A_1725 = arith.cmpi eq, %shift_right_arithmetic3A_1649, %eq3A_1724 : vector<64x256xi32>
    %select_n3A_1726 = arith.select %eq3A_1725, %gather3A_1722, %select_n3A_1711 : vector<64x256xi1>, vector<64x256xf32>
    %slice3A_1727 = vector.extract_strided_slice %get3A_1294 {offsets = [0, 640], sizes = [64, 128], strides = [1, 1]} : vector<64x1024xf32> to vector<64x128xf32>
    %lt3A_1728 = arith.constant 0 : i32
    %lt3A_1729 = vector.broadcast %lt3A_1728 : i32 to vector<64x256xi32>
    %lt3A_1730 = arith.cmpi slt, %and3A_1646, %lt3A_1729 : vector<64x256xi32>
    %add3A_1731 = arith.constant 128 : i32
    %add3A_1732 = vector.broadcast %add3A_1731 : i32 to vector<64x256xi32>
    %add3A_1733 = arith.addi %and3A_1646, %add3A_1732 : vector<64x256xi32>
    %select_n3A_1734 = arith.select %lt3A_1730, %add3A_1733, %and3A_1646 : vector<64x256xi1>, vector<64x256xi32>
    %reshape3A_1735 = vector.shape_cast %select_n3A_1734 : vector<64x256xi32> to vector<64x256x1xi32>
    %gather3A_1736 = vector.shape_cast %reshape3A_1735 : vector<64x256x1xi32> to vector<64x256xi32>
    %gather3A_1737 = tpu.dynamic_gather %slice3A_1727[%gather3A_1736] in [1] : vector<64x128xf32>, vector<64x256xi32> -> vector<64x256xf32>
    %eq3A_1738 = arith.constant 5 : i32
    %eq3A_1739 = vector.broadcast %eq3A_1738 : i32 to vector<64x256xi32>
    %eq3A_1740 = arith.cmpi eq, %shift_right_arithmetic3A_1649, %eq3A_1739 : vector<64x256xi32>
    %select_n3A_1741 = arith.select %eq3A_1740, %gather3A_1737, %select_n3A_1726 : vector<64x256xi1>, vector<64x256xf32>
    %slice3A_1742 = vector.extract_strided_slice %get3A_1294 {offsets = [0, 768], sizes = [64, 128], strides = [1, 1]} : vector<64x1024xf32> to vector<64x128xf32>
    %lt3A_1743 = arith.constant 0 : i32
    %lt3A_1744 = vector.broadcast %lt3A_1743 : i32 to vector<64x256xi32>
    %lt3A_1745 = arith.cmpi slt, %and3A_1646, %lt3A_1744 : vector<64x256xi32>
    %add3A_1746 = arith.constant 128 : i32
    %add3A_1747 = vector.broadcast %add3A_1746 : i32 to vector<64x256xi32>
    %add3A_1748 = arith.addi %and3A_1646, %add3A_1747 : vector<64x256xi32>
    %select_n3A_1749 = arith.select %lt3A_1745, %add3A_1748, %and3A_1646 : vector<64x256xi1>, vector<64x256xi32>
    %reshape3A_1750 = vector.shape_cast %select_n3A_1749 : vector<64x256xi32> to vector<64x256x1xi32>
    %gather3A_1751 = vector.shape_cast %reshape3A_1750 : vector<64x256x1xi32> to vector<64x256xi32>
    %gather3A_1752 = tpu.dynamic_gather %slice3A_1742[%gather3A_1751] in [1] : vector<64x128xf32>, vector<64x256xi32> -> vector<64x256xf32>
    %eq3A_1753 = arith.constant 6 : i32
    %eq3A_1754 = vector.broadcast %eq3A_1753 : i32 to vector<64x256xi32>
    %eq3A_1755 = arith.cmpi eq, %shift_right_arithmetic3A_1649, %eq3A_1754 : vector<64x256xi32>
    %select_n3A_1756 = arith.select %eq3A_1755, %gather3A_1752, %select_n3A_1741 : vector<64x256xi1>, vector<64x256xf32>
    %slice3A_1757 = vector.extract_strided_slice %get3A_1294 {offsets = [0, 896], sizes = [64, 128], strides = [1, 1]} : vector<64x1024xf32> to vector<64x128xf32>
    %lt3A_1758 = arith.constant 0 : i32
    %lt3A_1759 = vector.broadcast %lt3A_1758 : i32 to vector<64x256xi32>
    %lt3A_1760 = arith.cmpi slt, %and3A_1646, %lt3A_1759 : vector<64x256xi32>
    %add3A_1761 = arith.constant 128 : i32
    %add3A_1762 = vector.broadcast %add3A_1761 : i32 to vector<64x256xi32>
    %add3A_1763 = arith.addi %and3A_1646, %add3A_1762 : vector<64x256xi32>
    %select_n3A_1764 = arith.select %lt3A_1760, %add3A_1763, %and3A_1646 : vector<64x256xi1>, vector<64x256xi32>
    %reshape3A_1765 = vector.shape_cast %select_n3A_1764 : vector<64x256xi32> to vector<64x256x1xi32>
    %gather3A_1766 = vector.shape_cast %reshape3A_1765 : vector<64x256x1xi32> to vector<64x256xi32>
    %gather3A_1767 = tpu.dynamic_gather %slice3A_1757[%gather3A_1766] in [1] : vector<64x128xf32>, vector<64x256xi32> -> vector<64x256xf32>
    %eq3A_1768 = arith.constant 7 : i32
    %eq3A_1769 = vector.broadcast %eq3A_1768 : i32 to vector<64x256xi32>
    %eq3A_1770 = arith.cmpi eq, %shift_right_arithmetic3A_1649, %eq3A_1769 : vector<64x256xi32>
    %select_n3A_1771 = arith.select %eq3A_1770, %gather3A_1767, %select_n3A_1756 : vector<64x256xi1>, vector<64x256xf32>
    %transpose3A_1772 = tpu.transpose %select_n3A_1771, [1, 0] : vector<64x256xf32> -> vector<256x64xf32>
    %add3A_1773 = arith.addf %add3A_1129, %transpose3A_1772 : vector<256x64xf32>
    %sub3A_1774 = arith.subf %sub3A_1130, %transpose3A_1772 : vector<256x64xf32>
    %dot_general3A_1775 = arith.constant dense<0.000000e+00> : vector<256x1024xf32>
    %dot_general3A_1776 = tpu.matmul %sub3A_1289, %get3A_1294, %dot_general3A_1775 {dimension_numbers = #tpu.dot_dimension_numbers<[1], [0], [0], [1], [0, 0, 1, 1], [], []>, transpose_lhs_hint = false} : vector<256x64xf32>, vector<64x1024xf32>, vector<256x1024xf32> -> vector<256x1024xf32>
    %mul3A_1777 = arith.mulf %sub3A_1289, %sub3A_1289 : vector<256x64xf32>
    %reduce_sum3A_1778 = arith.constant dense<0.000000e+00> : vector<256xf32>
    %reduce_sum3A_1779 = vector.multi_reduction <add>, %mul3A_1777, %reduce_sum3A_1778 [1] : vector<256x64xf32> to vector<256xf32>
    %broadcast_in_dim3A_1780 = vector.shape_cast %reduce_sum3A_1779 : vector<256xf32> to vector<256x1xf32>
    %add3A_1781 = vector.broadcast %broadcast_in_dim3A_1780 : vector<256x1xf32> to vector<256x1024xf32>
    %add3A_1782 = vector.broadcast %get3A_1297 : vector<1x1024xf32> to vector<256x1024xf32>
    %add3A_1783 = arith.addf %add3A_1781, %add3A_1782 : vector<256x1024xf32>
    %mul3A_1784 = arith.constant 2.000000e+00 : f32
    %mul3A_1785 = vector.broadcast %mul3A_1784 : f32 to vector<256x1024xf32>
    %mul3A_1786 = arith.mulf %mul3A_1785, %dot_general3A_1776 : vector<256x1024xf32>
    %sub3A_1787 = arith.subf %add3A_1783, %mul3A_1786 : vector<256x1024xf32>
    %reduce_min3A_1788 = arith.constant dense<0x7F800000> : vector<256xf32>
    %reduce_min3A_1789 = vector.multi_reduction <minimumf>, %sub3A_1787, %reduce_min3A_1788 [1] : vector<256x1024xf32> to vector<256xf32>
    %broadcast_in_dim3A_1790 = vector.shape_cast %reduce_min3A_1789 : vector<256xf32> to vector<256x1xf32>
    %eq3A_1791 = vector.broadcast %broadcast_in_dim3A_1790 : vector<256x1xf32> to vector<256x1024xf32>
    %eq3A_1792 = arith.cmpf oeq, %sub3A_1787, %eq3A_1791 : vector<256x1024xf32>
    %jit3A_1793 = arith.constant 1.024000e+03 : f32
    %broadcast_in_dim3A_1794 = vector.broadcast %jit3A_1793 : f32 to vector<256x1024xf32>
    %select_n3A_1795 = arith.select %eq3A_1792, %convert_element_type3A, %broadcast_in_dim3A_1794 : vector<256x1024xi1>, vector<256x1024xf32>
    %reduce_min3A_1796 = arith.constant dense<0x7F800000> : vector<256xf32>
    %reduce_min3A_1797 = vector.multi_reduction <minimumf>, %select_n3A_1795, %reduce_min3A_1796 [1] : vector<256x1024xf32> to vector<256xf32>
    %broadcast_in_dim3A_1798 = vector.shape_cast %reduce_min3A_1797 : vector<256xf32> to vector<256x1xf32>
    %convert_element_type3A_1799 = arith.fptosi %broadcast_in_dim3A_1798 : vector<256x1xf32> to vector<256x1xi32>
    %transpose3A_1800 = tpu.transpose %convert_element_type3A_1799, [1, 0] : vector<256x1xi32> -> vector<1x256xi32>
    %broadcast_in_dim3A_1801 = vector.shape_cast %transpose3A_1800 : vector<1x256xi32> to vector<1x256xi32>
    %broadcast_in_dim3A_1802 = vector.broadcast %broadcast_in_dim3A_1801 : vector<1x256xi32> to vector<64x256xi32>
    %and3A_1803 = arith.constant 127 : i32
    %and3A_1804 = vector.broadcast %and3A_1803 : i32 to vector<64x256xi32>
    %and3A_1805 = arith.andi %broadcast_in_dim3A_1802, %and3A_1804 : vector<64x256xi32>
    %shift_right_arithmetic3A_1806 = arith.constant 7 : i32
    %shift_right_arithmetic3A_1807 = vector.broadcast %shift_right_arithmetic3A_1806 : i32 to vector<64x256xi32>
    %shift_right_arithmetic3A_1808 = arith.shrsi %broadcast_in_dim3A_1802, %shift_right_arithmetic3A_1807 : vector<64x256xi32>
    %broadcast_in_dim3A_1809 = arith.constant 0.000000e+00 : f32
    %broadcast_in_dim3A_1810 = vector.broadcast %broadcast_in_dim3A_1809 : f32 to vector<64x256xf32>
    %slice3A_1811 = vector.extract_strided_slice %get3A_1294 {offsets = [0, 0], sizes = [64, 128], strides = [1, 1]} : vector<64x1024xf32> to vector<64x128xf32>
    %lt3A_1812 = arith.constant 0 : i32
    %lt3A_1813 = vector.broadcast %lt3A_1812 : i32 to vector<64x256xi32>
    %lt3A_1814 = arith.cmpi slt, %and3A_1805, %lt3A_1813 : vector<64x256xi32>
    %add3A_1815 = arith.constant 128 : i32
    %add3A_1816 = vector.broadcast %add3A_1815 : i32 to vector<64x256xi32>
    %add3A_1817 = arith.addi %and3A_1805, %add3A_1816 : vector<64x256xi32>
    %select_n3A_1818 = arith.select %lt3A_1814, %add3A_1817, %and3A_1805 : vector<64x256xi1>, vector<64x256xi32>
    %reshape3A_1819 = vector.shape_cast %select_n3A_1818 : vector<64x256xi32> to vector<64x256x1xi32>
    %gather3A_1820 = vector.shape_cast %reshape3A_1819 : vector<64x256x1xi32> to vector<64x256xi32>
    %gather3A_1821 = tpu.dynamic_gather %slice3A_1811[%gather3A_1820] in [1] : vector<64x128xf32>, vector<64x256xi32> -> vector<64x256xf32>
    %eq3A_1822 = arith.constant 0 : i32
    %eq3A_1823 = vector.broadcast %eq3A_1822 : i32 to vector<64x256xi32>
    %eq3A_1824 = arith.cmpi eq, %shift_right_arithmetic3A_1808, %eq3A_1823 : vector<64x256xi32>
    %select_n3A_1825 = arith.select %eq3A_1824, %gather3A_1821, %broadcast_in_dim3A_1810 : vector<64x256xi1>, vector<64x256xf32>
    %slice3A_1826 = vector.extract_strided_slice %get3A_1294 {offsets = [0, 128], sizes = [64, 128], strides = [1, 1]} : vector<64x1024xf32> to vector<64x128xf32>
    %lt3A_1827 = arith.constant 0 : i32
    %lt3A_1828 = vector.broadcast %lt3A_1827 : i32 to vector<64x256xi32>
    %lt3A_1829 = arith.cmpi slt, %and3A_1805, %lt3A_1828 : vector<64x256xi32>
    %add3A_1830 = arith.constant 128 : i32
    %add3A_1831 = vector.broadcast %add3A_1830 : i32 to vector<64x256xi32>
    %add3A_1832 = arith.addi %and3A_1805, %add3A_1831 : vector<64x256xi32>
    %select_n3A_1833 = arith.select %lt3A_1829, %add3A_1832, %and3A_1805 : vector<64x256xi1>, vector<64x256xi32>
    %reshape3A_1834 = vector.shape_cast %select_n3A_1833 : vector<64x256xi32> to vector<64x256x1xi32>
    %gather3A_1835 = vector.shape_cast %reshape3A_1834 : vector<64x256x1xi32> to vector<64x256xi32>
    %gather3A_1836 = tpu.dynamic_gather %slice3A_1826[%gather3A_1835] in [1] : vector<64x128xf32>, vector<64x256xi32> -> vector<64x256xf32>
    %eq3A_1837 = arith.constant 1 : i32
    %eq3A_1838 = vector.broadcast %eq3A_1837 : i32 to vector<64x256xi32>
    %eq3A_1839 = arith.cmpi eq, %shift_right_arithmetic3A_1808, %eq3A_1838 : vector<64x256xi32>
    %select_n3A_1840 = arith.select %eq3A_1839, %gather3A_1836, %select_n3A_1825 : vector<64x256xi1>, vector<64x256xf32>
    %slice3A_1841 = vector.extract_strided_slice %get3A_1294 {offsets = [0, 256], sizes = [64, 128], strides = [1, 1]} : vector<64x1024xf32> to vector<64x128xf32>
    %lt3A_1842 = arith.constant 0 : i32
    %lt3A_1843 = vector.broadcast %lt3A_1842 : i32 to vector<64x256xi32>
    %lt3A_1844 = arith.cmpi slt, %and3A_1805, %lt3A_1843 : vector<64x256xi32>
    %add3A_1845 = arith.constant 128 : i32
    %add3A_1846 = vector.broadcast %add3A_1845 : i32 to vector<64x256xi32>
    %add3A_1847 = arith.addi %and3A_1805, %add3A_1846 : vector<64x256xi32>
    %select_n3A_1848 = arith.select %lt3A_1844, %add3A_1847, %and3A_1805 : vector<64x256xi1>, vector<64x256xi32>
    %reshape3A_1849 = vector.shape_cast %select_n3A_1848 : vector<64x256xi32> to vector<64x256x1xi32>
    %gather3A_1850 = vector.shape_cast %reshape3A_1849 : vector<64x256x1xi32> to vector<64x256xi32>
    %gather3A_1851 = tpu.dynamic_gather %slice3A_1841[%gather3A_1850] in [1] : vector<64x128xf32>, vector<64x256xi32> -> vector<64x256xf32>
    %eq3A_1852 = arith.constant 2 : i32
    %eq3A_1853 = vector.broadcast %eq3A_1852 : i32 to vector<64x256xi32>
    %eq3A_1854 = arith.cmpi eq, %shift_right_arithmetic3A_1808, %eq3A_1853 : vector<64x256xi32>
    %select_n3A_1855 = arith.select %eq3A_1854, %gather3A_1851, %select_n3A_1840 : vector<64x256xi1>, vector<64x256xf32>
    %slice3A_1856 = vector.extract_strided_slice %get3A_1294 {offsets = [0, 384], sizes = [64, 128], strides = [1, 1]} : vector<64x1024xf32> to vector<64x128xf32>
    %lt3A_1857 = arith.constant 0 : i32
    %lt3A_1858 = vector.broadcast %lt3A_1857 : i32 to vector<64x256xi32>
    %lt3A_1859 = arith.cmpi slt, %and3A_1805, %lt3A_1858 : vector<64x256xi32>
    %add3A_1860 = arith.constant 128 : i32
    %add3A_1861 = vector.broadcast %add3A_1860 : i32 to vector<64x256xi32>
    %add3A_1862 = arith.addi %and3A_1805, %add3A_1861 : vector<64x256xi32>
    %select_n3A_1863 = arith.select %lt3A_1859, %add3A_1862, %and3A_1805 : vector<64x256xi1>, vector<64x256xi32>
    %reshape3A_1864 = vector.shape_cast %select_n3A_1863 : vector<64x256xi32> to vector<64x256x1xi32>
    %gather3A_1865 = vector.shape_cast %reshape3A_1864 : vector<64x256x1xi32> to vector<64x256xi32>
    %gather3A_1866 = tpu.dynamic_gather %slice3A_1856[%gather3A_1865] in [1] : vector<64x128xf32>, vector<64x256xi32> -> vector<64x256xf32>
    %eq3A_1867 = arith.constant 3 : i32
    %eq3A_1868 = vector.broadcast %eq3A_1867 : i32 to vector<64x256xi32>
    %eq3A_1869 = arith.cmpi eq, %shift_right_arithmetic3A_1808, %eq3A_1868 : vector<64x256xi32>
    %select_n3A_1870 = arith.select %eq3A_1869, %gather3A_1866, %select_n3A_1855 : vector<64x256xi1>, vector<64x256xf32>
    %slice3A_1871 = vector.extract_strided_slice %get3A_1294 {offsets = [0, 512], sizes = [64, 128], strides = [1, 1]} : vector<64x1024xf32> to vector<64x128xf32>
    %lt3A_1872 = arith.constant 0 : i32
    %lt3A_1873 = vector.broadcast %lt3A_1872 : i32 to vector<64x256xi32>
    %lt3A_1874 = arith.cmpi slt, %and3A_1805, %lt3A_1873 : vector<64x256xi32>
    %add3A_1875 = arith.constant 128 : i32
    %add3A_1876 = vector.broadcast %add3A_1875 : i32 to vector<64x256xi32>
    %add3A_1877 = arith.addi %and3A_1805, %add3A_1876 : vector<64x256xi32>
    %select_n3A_1878 = arith.select %lt3A_1874, %add3A_1877, %and3A_1805 : vector<64x256xi1>, vector<64x256xi32>
    %reshape3A_1879 = vector.shape_cast %select_n3A_1878 : vector<64x256xi32> to vector<64x256x1xi32>
    %gather3A_1880 = vector.shape_cast %reshape3A_1879 : vector<64x256x1xi32> to vector<64x256xi32>
    %gather3A_1881 = tpu.dynamic_gather %slice3A_1871[%gather3A_1880] in [1] : vector<64x128xf32>, vector<64x256xi32> -> vector<64x256xf32>
    %eq3A_1882 = arith.constant 4 : i32
    %eq3A_1883 = vector.broadcast %eq3A_1882 : i32 to vector<64x256xi32>
    %eq3A_1884 = arith.cmpi eq, %shift_right_arithmetic3A_1808, %eq3A_1883 : vector<64x256xi32>
    %select_n3A_1885 = arith.select %eq3A_1884, %gather3A_1881, %select_n3A_1870 : vector<64x256xi1>, vector<64x256xf32>
    %slice3A_1886 = vector.extract_strided_slice %get3A_1294 {offsets = [0, 640], sizes = [64, 128], strides = [1, 1]} : vector<64x1024xf32> to vector<64x128xf32>
    %lt3A_1887 = arith.constant 0 : i32
    %lt3A_1888 = vector.broadcast %lt3A_1887 : i32 to vector<64x256xi32>
    %lt3A_1889 = arith.cmpi slt, %and3A_1805, %lt3A_1888 : vector<64x256xi32>
    %add3A_1890 = arith.constant 128 : i32
    %add3A_1891 = vector.broadcast %add3A_1890 : i32 to vector<64x256xi32>
    %add3A_1892 = arith.addi %and3A_1805, %add3A_1891 : vector<64x256xi32>
    %select_n3A_1893 = arith.select %lt3A_1889, %add3A_1892, %and3A_1805 : vector<64x256xi1>, vector<64x256xi32>
    %reshape3A_1894 = vector.shape_cast %select_n3A_1893 : vector<64x256xi32> to vector<64x256x1xi32>
    %gather3A_1895 = vector.shape_cast %reshape3A_1894 : vector<64x256x1xi32> to vector<64x256xi32>
    %gather3A_1896 = tpu.dynamic_gather %slice3A_1886[%gather3A_1895] in [1] : vector<64x128xf32>, vector<64x256xi32> -> vector<64x256xf32>
    %eq3A_1897 = arith.constant 5 : i32
    %eq3A_1898 = vector.broadcast %eq3A_1897 : i32 to vector<64x256xi32>
    %eq3A_1899 = arith.cmpi eq, %shift_right_arithmetic3A_1808, %eq3A_1898 : vector<64x256xi32>
    %select_n3A_1900 = arith.select %eq3A_1899, %gather3A_1896, %select_n3A_1885 : vector<64x256xi1>, vector<64x256xf32>
    %slice3A_1901 = vector.extract_strided_slice %get3A_1294 {offsets = [0, 768], sizes = [64, 128], strides = [1, 1]} : vector<64x1024xf32> to vector<64x128xf32>
    %lt3A_1902 = arith.constant 0 : i32
    %lt3A_1903 = vector.broadcast %lt3A_1902 : i32 to vector<64x256xi32>
    %lt3A_1904 = arith.cmpi slt, %and3A_1805, %lt3A_1903 : vector<64x256xi32>
    %add3A_1905 = arith.constant 128 : i32
    %add3A_1906 = vector.broadcast %add3A_1905 : i32 to vector<64x256xi32>
    %add3A_1907 = arith.addi %and3A_1805, %add3A_1906 : vector<64x256xi32>
    %select_n3A_1908 = arith.select %lt3A_1904, %add3A_1907, %and3A_1805 : vector<64x256xi1>, vector<64x256xi32>
    %reshape3A_1909 = vector.shape_cast %select_n3A_1908 : vector<64x256xi32> to vector<64x256x1xi32>
    %gather3A_1910 = vector.shape_cast %reshape3A_1909 : vector<64x256x1xi32> to vector<64x256xi32>
    %gather3A_1911 = tpu.dynamic_gather %slice3A_1901[%gather3A_1910] in [1] : vector<64x128xf32>, vector<64x256xi32> -> vector<64x256xf32>
    %eq3A_1912 = arith.constant 6 : i32
    %eq3A_1913 = vector.broadcast %eq3A_1912 : i32 to vector<64x256xi32>
    %eq3A_1914 = arith.cmpi eq, %shift_right_arithmetic3A_1808, %eq3A_1913 : vector<64x256xi32>
    %select_n3A_1915 = arith.select %eq3A_1914, %gather3A_1911, %select_n3A_1900 : vector<64x256xi1>, vector<64x256xf32>
    %slice3A_1916 = vector.extract_strided_slice %get3A_1294 {offsets = [0, 896], sizes = [64, 128], strides = [1, 1]} : vector<64x1024xf32> to vector<64x128xf32>
    %lt3A_1917 = arith.constant 0 : i32
    %lt3A_1918 = vector.broadcast %lt3A_1917 : i32 to vector<64x256xi32>
    %lt3A_1919 = arith.cmpi slt, %and3A_1805, %lt3A_1918 : vector<64x256xi32>
    %add3A_1920 = arith.constant 128 : i32
    %add3A_1921 = vector.broadcast %add3A_1920 : i32 to vector<64x256xi32>
    %add3A_1922 = arith.addi %and3A_1805, %add3A_1921 : vector<64x256xi32>
    %select_n3A_1923 = arith.select %lt3A_1919, %add3A_1922, %and3A_1805 : vector<64x256xi1>, vector<64x256xi32>
    %reshape3A_1924 = vector.shape_cast %select_n3A_1923 : vector<64x256xi32> to vector<64x256x1xi32>
    %gather3A_1925 = vector.shape_cast %reshape3A_1924 : vector<64x256x1xi32> to vector<64x256xi32>
    %gather3A_1926 = tpu.dynamic_gather %slice3A_1916[%gather3A_1925] in [1] : vector<64x128xf32>, vector<64x256xi32> -> vector<64x256xf32>
    %eq3A_1927 = arith.constant 7 : i32
    %eq3A_1928 = vector.broadcast %eq3A_1927 : i32 to vector<64x256xi32>
    %eq3A_1929 = arith.cmpi eq, %shift_right_arithmetic3A_1808, %eq3A_1928 : vector<64x256xi32>
    %select_n3A_1930 = arith.select %eq3A_1929, %gather3A_1926, %select_n3A_1915 : vector<64x256xi1>, vector<64x256xf32>
    %transpose3A_1931 = tpu.transpose %select_n3A_1930, [1, 0] : vector<64x256xf32> -> vector<256x64xf32>
    %add3A_1932 = arith.addf %add3A_1288, %transpose3A_1931 : vector<256x64xf32>
    %sub3A_1933 = arith.subf %sub3A_1289, %transpose3A_1931 : vector<256x64xf32>
    %get3A_1934 = arith.constant 3 : index
    %get3A_1935 = arith.constant 0 : index
    %get3A_1936 = arith.constant 0 : index
    %get3A_1937 = vector.load %arg2[%get3A_1934, %get3A_1935, %get3A_1936] : memref<4x64x1024xf32, #tpu.memory_space<vmem>>, vector<1x64x1024xf32>
    %get3A_1938 = vector.shape_cast %get3A_1937 : vector<1x64x1024xf32> to vector<64x1024xf32>
    %get3A_1939 = arith.constant 3 : index
    %get3A_1940 = arith.constant 0 : index
    %get3A_1941 = vector.load %arg3[%get3A_1939, %get3A_1940] : memref<4x1024xf32, #tpu.memory_space<vmem>>, vector<1x1024xf32>
    %dot_general3A_1942 = arith.constant dense<0.000000e+00> : vector<256x1024xf32>
    %dot_general3A_1943 = tpu.matmul %sub3A_1456, %get3A_1938, %dot_general3A_1942 {dimension_numbers = #tpu.dot_dimension_numbers<[1], [0], [0], [1], [0, 0, 1, 1], [], []>, transpose_lhs_hint = false} : vector<256x64xf32>, vector<64x1024xf32>, vector<256x1024xf32> -> vector<256x1024xf32>
    %mul3A_1944 = arith.mulf %sub3A_1456, %sub3A_1456 : vector<256x64xf32>
    %reduce_sum3A_1945 = arith.constant dense<0.000000e+00> : vector<256xf32>
    %reduce_sum3A_1946 = vector.multi_reduction <add>, %mul3A_1944, %reduce_sum3A_1945 [1] : vector<256x64xf32> to vector<256xf32>
    %broadcast_in_dim3A_1947 = vector.shape_cast %reduce_sum3A_1946 : vector<256xf32> to vector<256x1xf32>
    %add3A_1948 = vector.broadcast %broadcast_in_dim3A_1947 : vector<256x1xf32> to vector<256x1024xf32>
    %add3A_1949 = vector.broadcast %get3A_1941 : vector<1x1024xf32> to vector<256x1024xf32>
    %add3A_1950 = arith.addf %add3A_1948, %add3A_1949 : vector<256x1024xf32>
    %mul3A_1951 = arith.constant 2.000000e+00 : f32
    %mul3A_1952 = vector.broadcast %mul3A_1951 : f32 to vector<256x1024xf32>
    %mul3A_1953 = arith.mulf %mul3A_1952, %dot_general3A_1943 : vector<256x1024xf32>
    %sub3A_1954 = arith.subf %add3A_1950, %mul3A_1953 : vector<256x1024xf32>
    %reduce_min3A_1955 = arith.constant dense<0x7F800000> : vector<256xf32>
    %reduce_min3A_1956 = vector.multi_reduction <minimumf>, %sub3A_1954, %reduce_min3A_1955 [1] : vector<256x1024xf32> to vector<256xf32>
    %broadcast_in_dim3A_1957 = vector.shape_cast %reduce_min3A_1956 : vector<256xf32> to vector<256x1xf32>
    %eq3A_1958 = vector.broadcast %broadcast_in_dim3A_1957 : vector<256x1xf32> to vector<256x1024xf32>
    %eq3A_1959 = arith.cmpf oeq, %sub3A_1954, %eq3A_1958 : vector<256x1024xf32>
    %jit3A_1960 = arith.constant 1.024000e+03 : f32
    %broadcast_in_dim3A_1961 = vector.broadcast %jit3A_1960 : f32 to vector<256x1024xf32>
    %select_n3A_1962 = arith.select %eq3A_1959, %convert_element_type3A, %broadcast_in_dim3A_1961 : vector<256x1024xi1>, vector<256x1024xf32>
    %reduce_min3A_1963 = arith.constant dense<0x7F800000> : vector<256xf32>
    %reduce_min3A_1964 = vector.multi_reduction <minimumf>, %select_n3A_1962, %reduce_min3A_1963 [1] : vector<256x1024xf32> to vector<256xf32>
    %broadcast_in_dim3A_1965 = vector.shape_cast %reduce_min3A_1964 : vector<256xf32> to vector<256x1xf32>
    %convert_element_type3A_1966 = arith.fptosi %broadcast_in_dim3A_1965 : vector<256x1xf32> to vector<256x1xi32>
    %transpose3A_1967 = tpu.transpose %convert_element_type3A_1966, [1, 0] : vector<256x1xi32> -> vector<1x256xi32>
    %broadcast_in_dim3A_1968 = vector.shape_cast %transpose3A_1967 : vector<1x256xi32> to vector<1x256xi32>
    %broadcast_in_dim3A_1969 = vector.broadcast %broadcast_in_dim3A_1968 : vector<1x256xi32> to vector<64x256xi32>
    %and3A_1970 = arith.constant 127 : i32
    %and3A_1971 = vector.broadcast %and3A_1970 : i32 to vector<64x256xi32>
    %and3A_1972 = arith.andi %broadcast_in_dim3A_1969, %and3A_1971 : vector<64x256xi32>
    %shift_right_arithmetic3A_1973 = arith.constant 7 : i32
    %shift_right_arithmetic3A_1974 = vector.broadcast %shift_right_arithmetic3A_1973 : i32 to vector<64x256xi32>
    %shift_right_arithmetic3A_1975 = arith.shrsi %broadcast_in_dim3A_1969, %shift_right_arithmetic3A_1974 : vector<64x256xi32>
    %broadcast_in_dim3A_1976 = arith.constant 0.000000e+00 : f32
    %broadcast_in_dim3A_1977 = vector.broadcast %broadcast_in_dim3A_1976 : f32 to vector<64x256xf32>
    %slice3A_1978 = vector.extract_strided_slice %get3A_1938 {offsets = [0, 0], sizes = [64, 128], strides = [1, 1]} : vector<64x1024xf32> to vector<64x128xf32>
    %lt3A_1979 = arith.constant 0 : i32
    %lt3A_1980 = vector.broadcast %lt3A_1979 : i32 to vector<64x256xi32>
    %lt3A_1981 = arith.cmpi slt, %and3A_1972, %lt3A_1980 : vector<64x256xi32>
    %add3A_1982 = arith.constant 128 : i32
    %add3A_1983 = vector.broadcast %add3A_1982 : i32 to vector<64x256xi32>
    %add3A_1984 = arith.addi %and3A_1972, %add3A_1983 : vector<64x256xi32>
    %select_n3A_1985 = arith.select %lt3A_1981, %add3A_1984, %and3A_1972 : vector<64x256xi1>, vector<64x256xi32>
    %reshape3A_1986 = vector.shape_cast %select_n3A_1985 : vector<64x256xi32> to vector<64x256x1xi32>
    %gather3A_1987 = vector.shape_cast %reshape3A_1986 : vector<64x256x1xi32> to vector<64x256xi32>
    %gather3A_1988 = tpu.dynamic_gather %slice3A_1978[%gather3A_1987] in [1] : vector<64x128xf32>, vector<64x256xi32> -> vector<64x256xf32>
    %eq3A_1989 = arith.constant 0 : i32
    %eq3A_1990 = vector.broadcast %eq3A_1989 : i32 to vector<64x256xi32>
    %eq3A_1991 = arith.cmpi eq, %shift_right_arithmetic3A_1975, %eq3A_1990 : vector<64x256xi32>
    %select_n3A_1992 = arith.select %eq3A_1991, %gather3A_1988, %broadcast_in_dim3A_1977 : vector<64x256xi1>, vector<64x256xf32>
    %slice3A_1993 = vector.extract_strided_slice %get3A_1938 {offsets = [0, 128], sizes = [64, 128], strides = [1, 1]} : vector<64x1024xf32> to vector<64x128xf32>
    %lt3A_1994 = arith.constant 0 : i32
    %lt3A_1995 = vector.broadcast %lt3A_1994 : i32 to vector<64x256xi32>
    %lt3A_1996 = arith.cmpi slt, %and3A_1972, %lt3A_1995 : vector<64x256xi32>
    %add3A_1997 = arith.constant 128 : i32
    %add3A_1998 = vector.broadcast %add3A_1997 : i32 to vector<64x256xi32>
    %add3A_1999 = arith.addi %and3A_1972, %add3A_1998 : vector<64x256xi32>
    %select_n3A_2000 = arith.select %lt3A_1996, %add3A_1999, %and3A_1972 : vector<64x256xi1>, vector<64x256xi32>
    %reshape3A_2001 = vector.shape_cast %select_n3A_2000 : vector<64x256xi32> to vector<64x256x1xi32>
    %gather3A_2002 = vector.shape_cast %reshape3A_2001 : vector<64x256x1xi32> to vector<64x256xi32>
    %gather3A_2003 = tpu.dynamic_gather %slice3A_1993[%gather3A_2002] in [1] : vector<64x128xf32>, vector<64x256xi32> -> vector<64x256xf32>
    %eq3A_2004 = arith.constant 1 : i32
    %eq3A_2005 = vector.broadcast %eq3A_2004 : i32 to vector<64x256xi32>
    %eq3A_2006 = arith.cmpi eq, %shift_right_arithmetic3A_1975, %eq3A_2005 : vector<64x256xi32>
    %select_n3A_2007 = arith.select %eq3A_2006, %gather3A_2003, %select_n3A_1992 : vector<64x256xi1>, vector<64x256xf32>
    %slice3A_2008 = vector.extract_strided_slice %get3A_1938 {offsets = [0, 256], sizes = [64, 128], strides = [1, 1]} : vector<64x1024xf32> to vector<64x128xf32>
    %lt3A_2009 = arith.constant 0 : i32
    %lt3A_2010 = vector.broadcast %lt3A_2009 : i32 to vector<64x256xi32>
    %lt3A_2011 = arith.cmpi slt, %and3A_1972, %lt3A_2010 : vector<64x256xi32>
    %add3A_2012 = arith.constant 128 : i32
    %add3A_2013 = vector.broadcast %add3A_2012 : i32 to vector<64x256xi32>
    %add3A_2014 = arith.addi %and3A_1972, %add3A_2013 : vector<64x256xi32>
    %select_n3A_2015 = arith.select %lt3A_2011, %add3A_2014, %and3A_1972 : vector<64x256xi1>, vector<64x256xi32>
    %reshape3A_2016 = vector.shape_cast %select_n3A_2015 : vector<64x256xi32> to vector<64x256x1xi32>
    %gather3A_2017 = vector.shape_cast %reshape3A_2016 : vector<64x256x1xi32> to vector<64x256xi32>
    %gather3A_2018 = tpu.dynamic_gather %slice3A_2008[%gather3A_2017] in [1] : vector<64x128xf32>, vector<64x256xi32> -> vector<64x256xf32>
    %eq3A_2019 = arith.constant 2 : i32
    %eq3A_2020 = vector.broadcast %eq3A_2019 : i32 to vector<64x256xi32>
    %eq3A_2021 = arith.cmpi eq, %shift_right_arithmetic3A_1975, %eq3A_2020 : vector<64x256xi32>
    %select_n3A_2022 = arith.select %eq3A_2021, %gather3A_2018, %select_n3A_2007 : vector<64x256xi1>, vector<64x256xf32>
    %slice3A_2023 = vector.extract_strided_slice %get3A_1938 {offsets = [0, 384], sizes = [64, 128], strides = [1, 1]} : vector<64x1024xf32> to vector<64x128xf32>
    %lt3A_2024 = arith.constant 0 : i32
    %lt3A_2025 = vector.broadcast %lt3A_2024 : i32 to vector<64x256xi32>
    %lt3A_2026 = arith.cmpi slt, %and3A_1972, %lt3A_2025 : vector<64x256xi32>
    %add3A_2027 = arith.constant 128 : i32
    %add3A_2028 = vector.broadcast %add3A_2027 : i32 to vector<64x256xi32>
    %add3A_2029 = arith.addi %and3A_1972, %add3A_2028 : vector<64x256xi32>
    %select_n3A_2030 = arith.select %lt3A_2026, %add3A_2029, %and3A_1972 : vector<64x256xi1>, vector<64x256xi32>
    %reshape3A_2031 = vector.shape_cast %select_n3A_2030 : vector<64x256xi32> to vector<64x256x1xi32>
    %gather3A_2032 = vector.shape_cast %reshape3A_2031 : vector<64x256x1xi32> to vector<64x256xi32>
    %gather3A_2033 = tpu.dynamic_gather %slice3A_2023[%gather3A_2032] in [1] : vector<64x128xf32>, vector<64x256xi32> -> vector<64x256xf32>
    %eq3A_2034 = arith.constant 3 : i32
    %eq3A_2035 = vector.broadcast %eq3A_2034 : i32 to vector<64x256xi32>
    %eq3A_2036 = arith.cmpi eq, %shift_right_arithmetic3A_1975, %eq3A_2035 : vector<64x256xi32>
    %select_n3A_2037 = arith.select %eq3A_2036, %gather3A_2033, %select_n3A_2022 : vector<64x256xi1>, vector<64x256xf32>
    %slice3A_2038 = vector.extract_strided_slice %get3A_1938 {offsets = [0, 512], sizes = [64, 128], strides = [1, 1]} : vector<64x1024xf32> to vector<64x128xf32>
    %lt3A_2039 = arith.constant 0 : i32
    %lt3A_2040 = vector.broadcast %lt3A_2039 : i32 to vector<64x256xi32>
    %lt3A_2041 = arith.cmpi slt, %and3A_1972, %lt3A_2040 : vector<64x256xi32>
    %add3A_2042 = arith.constant 128 : i32
    %add3A_2043 = vector.broadcast %add3A_2042 : i32 to vector<64x256xi32>
    %add3A_2044 = arith.addi %and3A_1972, %add3A_2043 : vector<64x256xi32>
    %select_n3A_2045 = arith.select %lt3A_2041, %add3A_2044, %and3A_1972 : vector<64x256xi1>, vector<64x256xi32>
    %reshape3A_2046 = vector.shape_cast %select_n3A_2045 : vector<64x256xi32> to vector<64x256x1xi32>
    %gather3A_2047 = vector.shape_cast %reshape3A_2046 : vector<64x256x1xi32> to vector<64x256xi32>
    %gather3A_2048 = tpu.dynamic_gather %slice3A_2038[%gather3A_2047] in [1] : vector<64x128xf32>, vector<64x256xi32> -> vector<64x256xf32>
    %eq3A_2049 = arith.constant 4 : i32
    %eq3A_2050 = vector.broadcast %eq3A_2049 : i32 to vector<64x256xi32>
    %eq3A_2051 = arith.cmpi eq, %shift_right_arithmetic3A_1975, %eq3A_2050 : vector<64x256xi32>
    %select_n3A_2052 = arith.select %eq3A_2051, %gather3A_2048, %select_n3A_2037 : vector<64x256xi1>, vector<64x256xf32>
    %slice3A_2053 = vector.extract_strided_slice %get3A_1938 {offsets = [0, 640], sizes = [64, 128], strides = [1, 1]} : vector<64x1024xf32> to vector<64x128xf32>
    %lt3A_2054 = arith.constant 0 : i32
    %lt3A_2055 = vector.broadcast %lt3A_2054 : i32 to vector<64x256xi32>
    %lt3A_2056 = arith.cmpi slt, %and3A_1972, %lt3A_2055 : vector<64x256xi32>
    %add3A_2057 = arith.constant 128 : i32
    %add3A_2058 = vector.broadcast %add3A_2057 : i32 to vector<64x256xi32>
    %add3A_2059 = arith.addi %and3A_1972, %add3A_2058 : vector<64x256xi32>
    %select_n3A_2060 = arith.select %lt3A_2056, %add3A_2059, %and3A_1972 : vector<64x256xi1>, vector<64x256xi32>
    %reshape3A_2061 = vector.shape_cast %select_n3A_2060 : vector<64x256xi32> to vector<64x256x1xi32>
    %gather3A_2062 = vector.shape_cast %reshape3A_2061 : vector<64x256x1xi32> to vector<64x256xi32>
    %gather3A_2063 = tpu.dynamic_gather %slice3A_2053[%gather3A_2062] in [1] : vector<64x128xf32>, vector<64x256xi32> -> vector<64x256xf32>
    %eq3A_2064 = arith.constant 5 : i32
    %eq3A_2065 = vector.broadcast %eq3A_2064 : i32 to vector<64x256xi32>
    %eq3A_2066 = arith.cmpi eq, %shift_right_arithmetic3A_1975, %eq3A_2065 : vector<64x256xi32>
    %select_n3A_2067 = arith.select %eq3A_2066, %gather3A_2063, %select_n3A_2052 : vector<64x256xi1>, vector<64x256xf32>
    %slice3A_2068 = vector.extract_strided_slice %get3A_1938 {offsets = [0, 768], sizes = [64, 128], strides = [1, 1]} : vector<64x1024xf32> to vector<64x128xf32>
    %lt3A_2069 = arith.constant 0 : i32
    %lt3A_2070 = vector.broadcast %lt3A_2069 : i32 to vector<64x256xi32>
    %lt3A_2071 = arith.cmpi slt, %and3A_1972, %lt3A_2070 : vector<64x256xi32>
    %add3A_2072 = arith.constant 128 : i32
    %add3A_2073 = vector.broadcast %add3A_2072 : i32 to vector<64x256xi32>
    %add3A_2074 = arith.addi %and3A_1972, %add3A_2073 : vector<64x256xi32>
    %select_n3A_2075 = arith.select %lt3A_2071, %add3A_2074, %and3A_1972 : vector<64x256xi1>, vector<64x256xi32>
    %reshape3A_2076 = vector.shape_cast %select_n3A_2075 : vector<64x256xi32> to vector<64x256x1xi32>
    %gather3A_2077 = vector.shape_cast %reshape3A_2076 : vector<64x256x1xi32> to vector<64x256xi32>
    %gather3A_2078 = tpu.dynamic_gather %slice3A_2068[%gather3A_2077] in [1] : vector<64x128xf32>, vector<64x256xi32> -> vector<64x256xf32>
    %eq3A_2079 = arith.constant 6 : i32
    %eq3A_2080 = vector.broadcast %eq3A_2079 : i32 to vector<64x256xi32>
    %eq3A_2081 = arith.cmpi eq, %shift_right_arithmetic3A_1975, %eq3A_2080 : vector<64x256xi32>
    %select_n3A_2082 = arith.select %eq3A_2081, %gather3A_2078, %select_n3A_2067 : vector<64x256xi1>, vector<64x256xf32>
    %slice3A_2083 = vector.extract_strided_slice %get3A_1938 {offsets = [0, 896], sizes = [64, 128], strides = [1, 1]} : vector<64x1024xf32> to vector<64x128xf32>
    %lt3A_2084 = arith.constant 0 : i32
    %lt3A_2085 = vector.broadcast %lt3A_2084 : i32 to vector<64x256xi32>
    %lt3A_2086 = arith.cmpi slt, %and3A_1972, %lt3A_2085 : vector<64x256xi32>
    %add3A_2087 = arith.constant 128 : i32
    %add3A_2088 = vector.broadcast %add3A_2087 : i32 to vector<64x256xi32>
    %add3A_2089 = arith.addi %and3A_1972, %add3A_2088 : vector<64x256xi32>
    %select_n3A_2090 = arith.select %lt3A_2086, %add3A_2089, %and3A_1972 : vector<64x256xi1>, vector<64x256xi32>
    %reshape3A_2091 = vector.shape_cast %select_n3A_2090 : vector<64x256xi32> to vector<64x256x1xi32>
    %gather3A_2092 = vector.shape_cast %reshape3A_2091 : vector<64x256x1xi32> to vector<64x256xi32>
    %gather3A_2093 = tpu.dynamic_gather %slice3A_2083[%gather3A_2092] in [1] : vector<64x128xf32>, vector<64x256xi32> -> vector<64x256xf32>
    %eq3A_2094 = arith.constant 7 : i32
    %eq3A_2095 = vector.broadcast %eq3A_2094 : i32 to vector<64x256xi32>
    %eq3A_2096 = arith.cmpi eq, %shift_right_arithmetic3A_1975, %eq3A_2095 : vector<64x256xi32>
    %select_n3A_2097 = arith.select %eq3A_2096, %gather3A_2093, %select_n3A_2082 : vector<64x256xi1>, vector<64x256xf32>
    %transpose3A_2098 = tpu.transpose %select_n3A_2097, [1, 0] : vector<64x256xf32> -> vector<256x64xf32>
    %add3A_2099 = arith.addf %add3A_1455, %transpose3A_2098 : vector<256x64xf32>
    %sub3A_2100 = arith.subf %sub3A_1456, %transpose3A_2098 : vector<256x64xf32>
    %dot_general3A_2101 = arith.constant dense<0.000000e+00> : vector<256x1024xf32>
    %dot_general3A_2102 = tpu.matmul %sub3A_1615, %get3A_1938, %dot_general3A_2101 {dimension_numbers = #tpu.dot_dimension_numbers<[1], [0], [0], [1], [0, 0, 1, 1], [], []>, transpose_lhs_hint = false} : vector<256x64xf32>, vector<64x1024xf32>, vector<256x1024xf32> -> vector<256x1024xf32>
    %mul3A_2103 = arith.mulf %sub3A_1615, %sub3A_1615 : vector<256x64xf32>
    %reduce_sum3A_2104 = arith.constant dense<0.000000e+00> : vector<256xf32>
    %reduce_sum3A_2105 = vector.multi_reduction <add>, %mul3A_2103, %reduce_sum3A_2104 [1] : vector<256x64xf32> to vector<256xf32>
    %broadcast_in_dim3A_2106 = vector.shape_cast %reduce_sum3A_2105 : vector<256xf32> to vector<256x1xf32>
    %add3A_2107 = vector.broadcast %broadcast_in_dim3A_2106 : vector<256x1xf32> to vector<256x1024xf32>
    %add3A_2108 = vector.broadcast %get3A_1941 : vector<1x1024xf32> to vector<256x1024xf32>
    %add3A_2109 = arith.addf %add3A_2107, %add3A_2108 : vector<256x1024xf32>
    %mul3A_2110 = arith.constant 2.000000e+00 : f32
    %mul3A_2111 = vector.broadcast %mul3A_2110 : f32 to vector<256x1024xf32>
    %mul3A_2112 = arith.mulf %mul3A_2111, %dot_general3A_2102 : vector<256x1024xf32>
    %sub3A_2113 = arith.subf %add3A_2109, %mul3A_2112 : vector<256x1024xf32>
    %reduce_min3A_2114 = arith.constant dense<0x7F800000> : vector<256xf32>
    %reduce_min3A_2115 = vector.multi_reduction <minimumf>, %sub3A_2113, %reduce_min3A_2114 [1] : vector<256x1024xf32> to vector<256xf32>
    %broadcast_in_dim3A_2116 = vector.shape_cast %reduce_min3A_2115 : vector<256xf32> to vector<256x1xf32>
    %eq3A_2117 = vector.broadcast %broadcast_in_dim3A_2116 : vector<256x1xf32> to vector<256x1024xf32>
    %eq3A_2118 = arith.cmpf oeq, %sub3A_2113, %eq3A_2117 : vector<256x1024xf32>
    %jit3A_2119 = arith.constant 1.024000e+03 : f32
    %broadcast_in_dim3A_2120 = vector.broadcast %jit3A_2119 : f32 to vector<256x1024xf32>
    %select_n3A_2121 = arith.select %eq3A_2118, %convert_element_type3A, %broadcast_in_dim3A_2120 : vector<256x1024xi1>, vector<256x1024xf32>
    %reduce_min3A_2122 = arith.constant dense<0x7F800000> : vector<256xf32>
    %reduce_min3A_2123 = vector.multi_reduction <minimumf>, %select_n3A_2121, %reduce_min3A_2122 [1] : vector<256x1024xf32> to vector<256xf32>
    %broadcast_in_dim3A_2124 = vector.shape_cast %reduce_min3A_2123 : vector<256xf32> to vector<256x1xf32>
    %convert_element_type3A_2125 = arith.fptosi %broadcast_in_dim3A_2124 : vector<256x1xf32> to vector<256x1xi32>
    %transpose3A_2126 = tpu.transpose %convert_element_type3A_2125, [1, 0] : vector<256x1xi32> -> vector<1x256xi32>
    %broadcast_in_dim3A_2127 = vector.shape_cast %transpose3A_2126 : vector<1x256xi32> to vector<1x256xi32>
    %broadcast_in_dim3A_2128 = vector.broadcast %broadcast_in_dim3A_2127 : vector<1x256xi32> to vector<64x256xi32>
    %and3A_2129 = arith.constant 127 : i32
    %and3A_2130 = vector.broadcast %and3A_2129 : i32 to vector<64x256xi32>
    %and3A_2131 = arith.andi %broadcast_in_dim3A_2128, %and3A_2130 : vector<64x256xi32>
    %shift_right_arithmetic3A_2132 = arith.constant 7 : i32
    %shift_right_arithmetic3A_2133 = vector.broadcast %shift_right_arithmetic3A_2132 : i32 to vector<64x256xi32>
    %shift_right_arithmetic3A_2134 = arith.shrsi %broadcast_in_dim3A_2128, %shift_right_arithmetic3A_2133 : vector<64x256xi32>
    %broadcast_in_dim3A_2135 = arith.constant 0.000000e+00 : f32
    %broadcast_in_dim3A_2136 = vector.broadcast %broadcast_in_dim3A_2135 : f32 to vector<64x256xf32>
    %slice3A_2137 = vector.extract_strided_slice %get3A_1938 {offsets = [0, 0], sizes = [64, 128], strides = [1, 1]} : vector<64x1024xf32> to vector<64x128xf32>
    %lt3A_2138 = arith.constant 0 : i32
    %lt3A_2139 = vector.broadcast %lt3A_2138 : i32 to vector<64x256xi32>
    %lt3A_2140 = arith.cmpi slt, %and3A_2131, %lt3A_2139 : vector<64x256xi32>
    %add3A_2141 = arith.constant 128 : i32
    %add3A_2142 = vector.broadcast %add3A_2141 : i32 to vector<64x256xi32>
    %add3A_2143 = arith.addi %and3A_2131, %add3A_2142 : vector<64x256xi32>
    %select_n3A_2144 = arith.select %lt3A_2140, %add3A_2143, %and3A_2131 : vector<64x256xi1>, vector<64x256xi32>
    %reshape3A_2145 = vector.shape_cast %select_n3A_2144 : vector<64x256xi32> to vector<64x256x1xi32>
    %gather3A_2146 = vector.shape_cast %reshape3A_2145 : vector<64x256x1xi32> to vector<64x256xi32>
    %gather3A_2147 = tpu.dynamic_gather %slice3A_2137[%gather3A_2146] in [1] : vector<64x128xf32>, vector<64x256xi32> -> vector<64x256xf32>
    %eq3A_2148 = arith.constant 0 : i32
    %eq3A_2149 = vector.broadcast %eq3A_2148 : i32 to vector<64x256xi32>
    %eq3A_2150 = arith.cmpi eq, %shift_right_arithmetic3A_2134, %eq3A_2149 : vector<64x256xi32>
    %select_n3A_2151 = arith.select %eq3A_2150, %gather3A_2147, %broadcast_in_dim3A_2136 : vector<64x256xi1>, vector<64x256xf32>
    %slice3A_2152 = vector.extract_strided_slice %get3A_1938 {offsets = [0, 128], sizes = [64, 128], strides = [1, 1]} : vector<64x1024xf32> to vector<64x128xf32>
    %lt3A_2153 = arith.constant 0 : i32
    %lt3A_2154 = vector.broadcast %lt3A_2153 : i32 to vector<64x256xi32>
    %lt3A_2155 = arith.cmpi slt, %and3A_2131, %lt3A_2154 : vector<64x256xi32>
    %add3A_2156 = arith.constant 128 : i32
    %add3A_2157 = vector.broadcast %add3A_2156 : i32 to vector<64x256xi32>
    %add3A_2158 = arith.addi %and3A_2131, %add3A_2157 : vector<64x256xi32>
    %select_n3A_2159 = arith.select %lt3A_2155, %add3A_2158, %and3A_2131 : vector<64x256xi1>, vector<64x256xi32>
    %reshape3A_2160 = vector.shape_cast %select_n3A_2159 : vector<64x256xi32> to vector<64x256x1xi32>
    %gather3A_2161 = vector.shape_cast %reshape3A_2160 : vector<64x256x1xi32> to vector<64x256xi32>
    %gather3A_2162 = tpu.dynamic_gather %slice3A_2152[%gather3A_2161] in [1] : vector<64x128xf32>, vector<64x256xi32> -> vector<64x256xf32>
    %eq3A_2163 = arith.constant 1 : i32
    %eq3A_2164 = vector.broadcast %eq3A_2163 : i32 to vector<64x256xi32>
    %eq3A_2165 = arith.cmpi eq, %shift_right_arithmetic3A_2134, %eq3A_2164 : vector<64x256xi32>
    %select_n3A_2166 = arith.select %eq3A_2165, %gather3A_2162, %select_n3A_2151 : vector<64x256xi1>, vector<64x256xf32>
    %slice3A_2167 = vector.extract_strided_slice %get3A_1938 {offsets = [0, 256], sizes = [64, 128], strides = [1, 1]} : vector<64x1024xf32> to vector<64x128xf32>
    %lt3A_2168 = arith.constant 0 : i32
    %lt3A_2169 = vector.broadcast %lt3A_2168 : i32 to vector<64x256xi32>
    %lt3A_2170 = arith.cmpi slt, %and3A_2131, %lt3A_2169 : vector<64x256xi32>
    %add3A_2171 = arith.constant 128 : i32
    %add3A_2172 = vector.broadcast %add3A_2171 : i32 to vector<64x256xi32>
    %add3A_2173 = arith.addi %and3A_2131, %add3A_2172 : vector<64x256xi32>
    %select_n3A_2174 = arith.select %lt3A_2170, %add3A_2173, %and3A_2131 : vector<64x256xi1>, vector<64x256xi32>
    %reshape3A_2175 = vector.shape_cast %select_n3A_2174 : vector<64x256xi32> to vector<64x256x1xi32>
    %gather3A_2176 = vector.shape_cast %reshape3A_2175 : vector<64x256x1xi32> to vector<64x256xi32>
    %gather3A_2177 = tpu.dynamic_gather %slice3A_2167[%gather3A_2176] in [1] : vector<64x128xf32>, vector<64x256xi32> -> vector<64x256xf32>
    %eq3A_2178 = arith.constant 2 : i32
    %eq3A_2179 = vector.broadcast %eq3A_2178 : i32 to vector<64x256xi32>
    %eq3A_2180 = arith.cmpi eq, %shift_right_arithmetic3A_2134, %eq3A_2179 : vector<64x256xi32>
    %select_n3A_2181 = arith.select %eq3A_2180, %gather3A_2177, %select_n3A_2166 : vector<64x256xi1>, vector<64x256xf32>
    %slice3A_2182 = vector.extract_strided_slice %get3A_1938 {offsets = [0, 384], sizes = [64, 128], strides = [1, 1]} : vector<64x1024xf32> to vector<64x128xf32>
    %lt3A_2183 = arith.constant 0 : i32
    %lt3A_2184 = vector.broadcast %lt3A_2183 : i32 to vector<64x256xi32>
    %lt3A_2185 = arith.cmpi slt, %and3A_2131, %lt3A_2184 : vector<64x256xi32>
    %add3A_2186 = arith.constant 128 : i32
    %add3A_2187 = vector.broadcast %add3A_2186 : i32 to vector<64x256xi32>
    %add3A_2188 = arith.addi %and3A_2131, %add3A_2187 : vector<64x256xi32>
    %select_n3A_2189 = arith.select %lt3A_2185, %add3A_2188, %and3A_2131 : vector<64x256xi1>, vector<64x256xi32>
    %reshape3A_2190 = vector.shape_cast %select_n3A_2189 : vector<64x256xi32> to vector<64x256x1xi32>
    %gather3A_2191 = vector.shape_cast %reshape3A_2190 : vector<64x256x1xi32> to vector<64x256xi32>
    %gather3A_2192 = tpu.dynamic_gather %slice3A_2182[%gather3A_2191] in [1] : vector<64x128xf32>, vector<64x256xi32> -> vector<64x256xf32>
    %eq3A_2193 = arith.constant 3 : i32
    %eq3A_2194 = vector.broadcast %eq3A_2193 : i32 to vector<64x256xi32>
    %eq3A_2195 = arith.cmpi eq, %shift_right_arithmetic3A_2134, %eq3A_2194 : vector<64x256xi32>
    %select_n3A_2196 = arith.select %eq3A_2195, %gather3A_2192, %select_n3A_2181 : vector<64x256xi1>, vector<64x256xf32>
    %slice3A_2197 = vector.extract_strided_slice %get3A_1938 {offsets = [0, 512], sizes = [64, 128], strides = [1, 1]} : vector<64x1024xf32> to vector<64x128xf32>
    %lt3A_2198 = arith.constant 0 : i32
    %lt3A_2199 = vector.broadcast %lt3A_2198 : i32 to vector<64x256xi32>
    %lt3A_2200 = arith.cmpi slt, %and3A_2131, %lt3A_2199 : vector<64x256xi32>
    %add3A_2201 = arith.constant 128 : i32
    %add3A_2202 = vector.broadcast %add3A_2201 : i32 to vector<64x256xi32>
    %add3A_2203 = arith.addi %and3A_2131, %add3A_2202 : vector<64x256xi32>
    %select_n3A_2204 = arith.select %lt3A_2200, %add3A_2203, %and3A_2131 : vector<64x256xi1>, vector<64x256xi32>
    %reshape3A_2205 = vector.shape_cast %select_n3A_2204 : vector<64x256xi32> to vector<64x256x1xi32>
    %gather3A_2206 = vector.shape_cast %reshape3A_2205 : vector<64x256x1xi32> to vector<64x256xi32>
    %gather3A_2207 = tpu.dynamic_gather %slice3A_2197[%gather3A_2206] in [1] : vector<64x128xf32>, vector<64x256xi32> -> vector<64x256xf32>
    %eq3A_2208 = arith.constant 4 : i32
    %eq3A_2209 = vector.broadcast %eq3A_2208 : i32 to vector<64x256xi32>
    %eq3A_2210 = arith.cmpi eq, %shift_right_arithmetic3A_2134, %eq3A_2209 : vector<64x256xi32>
    %select_n3A_2211 = arith.select %eq3A_2210, %gather3A_2207, %select_n3A_2196 : vector<64x256xi1>, vector<64x256xf32>
    %slice3A_2212 = vector.extract_strided_slice %get3A_1938 {offsets = [0, 640], sizes = [64, 128], strides = [1, 1]} : vector<64x1024xf32> to vector<64x128xf32>
    %lt3A_2213 = arith.constant 0 : i32
    %lt3A_2214 = vector.broadcast %lt3A_2213 : i32 to vector<64x256xi32>
    %lt3A_2215 = arith.cmpi slt, %and3A_2131, %lt3A_2214 : vector<64x256xi32>
    %add3A_2216 = arith.constant 128 : i32
    %add3A_2217 = vector.broadcast %add3A_2216 : i32 to vector<64x256xi32>
    %add3A_2218 = arith.addi %and3A_2131, %add3A_2217 : vector<64x256xi32>
    %select_n3A_2219 = arith.select %lt3A_2215, %add3A_2218, %and3A_2131 : vector<64x256xi1>, vector<64x256xi32>
    %reshape3A_2220 = vector.shape_cast %select_n3A_2219 : vector<64x256xi32> to vector<64x256x1xi32>
    %gather3A_2221 = vector.shape_cast %reshape3A_2220 : vector<64x256x1xi32> to vector<64x256xi32>
    %gather3A_2222 = tpu.dynamic_gather %slice3A_2212[%gather3A_2221] in [1] : vector<64x128xf32>, vector<64x256xi32> -> vector<64x256xf32>
    %eq3A_2223 = arith.constant 5 : i32
    %eq3A_2224 = vector.broadcast %eq3A_2223 : i32 to vector<64x256xi32>
    %eq3A_2225 = arith.cmpi eq, %shift_right_arithmetic3A_2134, %eq3A_2224 : vector<64x256xi32>
    %select_n3A_2226 = arith.select %eq3A_2225, %gather3A_2222, %select_n3A_2211 : vector<64x256xi1>, vector<64x256xf32>
    %slice3A_2227 = vector.extract_strided_slice %get3A_1938 {offsets = [0, 768], sizes = [64, 128], strides = [1, 1]} : vector<64x1024xf32> to vector<64x128xf32>
    %lt3A_2228 = arith.constant 0 : i32
    %lt3A_2229 = vector.broadcast %lt3A_2228 : i32 to vector<64x256xi32>
    %lt3A_2230 = arith.cmpi slt, %and3A_2131, %lt3A_2229 : vector<64x256xi32>
    %add3A_2231 = arith.constant 128 : i32
    %add3A_2232 = vector.broadcast %add3A_2231 : i32 to vector<64x256xi32>
    %add3A_2233 = arith.addi %and3A_2131, %add3A_2232 : vector<64x256xi32>
    %select_n3A_2234 = arith.select %lt3A_2230, %add3A_2233, %and3A_2131 : vector<64x256xi1>, vector<64x256xi32>
    %reshape3A_2235 = vector.shape_cast %select_n3A_2234 : vector<64x256xi32> to vector<64x256x1xi32>
    %gather3A_2236 = vector.shape_cast %reshape3A_2235 : vector<64x256x1xi32> to vector<64x256xi32>
    %gather3A_2237 = tpu.dynamic_gather %slice3A_2227[%gather3A_2236] in [1] : vector<64x128xf32>, vector<64x256xi32> -> vector<64x256xf32>
    %eq3A_2238 = arith.constant 6 : i32
    %eq3A_2239 = vector.broadcast %eq3A_2238 : i32 to vector<64x256xi32>
    %eq3A_2240 = arith.cmpi eq, %shift_right_arithmetic3A_2134, %eq3A_2239 : vector<64x256xi32>
    %select_n3A_2241 = arith.select %eq3A_2240, %gather3A_2237, %select_n3A_2226 : vector<64x256xi1>, vector<64x256xf32>
    %slice3A_2242 = vector.extract_strided_slice %get3A_1938 {offsets = [0, 896], sizes = [64, 128], strides = [1, 1]} : vector<64x1024xf32> to vector<64x128xf32>
    %lt3A_2243 = arith.constant 0 : i32
    %lt3A_2244 = vector.broadcast %lt3A_2243 : i32 to vector<64x256xi32>
    %lt3A_2245 = arith.cmpi slt, %and3A_2131, %lt3A_2244 : vector<64x256xi32>
    %add3A_2246 = arith.constant 128 : i32
    %add3A_2247 = vector.broadcast %add3A_2246 : i32 to vector<64x256xi32>
    %add3A_2248 = arith.addi %and3A_2131, %add3A_2247 : vector<64x256xi32>
    %select_n3A_2249 = arith.select %lt3A_2245, %add3A_2248, %and3A_2131 : vector<64x256xi1>, vector<64x256xi32>
    %reshape3A_2250 = vector.shape_cast %select_n3A_2249 : vector<64x256xi32> to vector<64x256x1xi32>
    %gather3A_2251 = vector.shape_cast %reshape3A_2250 : vector<64x256x1xi32> to vector<64x256xi32>
    %gather3A_2252 = tpu.dynamic_gather %slice3A_2242[%gather3A_2251] in [1] : vector<64x128xf32>, vector<64x256xi32> -> vector<64x256xf32>
    %eq3A_2253 = arith.constant 7 : i32
    %eq3A_2254 = vector.broadcast %eq3A_2253 : i32 to vector<64x256xi32>
    %eq3A_2255 = arith.cmpi eq, %shift_right_arithmetic3A_2134, %eq3A_2254 : vector<64x256xi32>
    %select_n3A_2256 = arith.select %eq3A_2255, %gather3A_2252, %select_n3A_2241 : vector<64x256xi1>, vector<64x256xf32>
    %transpose3A_2257 = tpu.transpose %select_n3A_2256, [1, 0] : vector<64x256xf32> -> vector<256x64xf32>
    %add3A_2258 = arith.addf %add3A_1614, %transpose3A_2257 : vector<256x64xf32>
    %sub3A_2259 = arith.subf %sub3A_1615, %transpose3A_2257 : vector<256x64xf32>
    %dot_general3A_2260 = arith.constant dense<0.000000e+00> : vector<256x1024xf32>
    %dot_general3A_2261 = tpu.matmul %sub3A_1774, %get3A_1938, %dot_general3A_2260 {dimension_numbers = #tpu.dot_dimension_numbers<[1], [0], [0], [1], [0, 0, 1, 1], [], []>, transpose_lhs_hint = false} : vector<256x64xf32>, vector<64x1024xf32>, vector<256x1024xf32> -> vector<256x1024xf32>
    %mul3A_2262 = arith.mulf %sub3A_1774, %sub3A_1774 : vector<256x64xf32>
    %reduce_sum3A_2263 = arith.constant dense<0.000000e+00> : vector<256xf32>
    %reduce_sum3A_2264 = vector.multi_reduction <add>, %mul3A_2262, %reduce_sum3A_2263 [1] : vector<256x64xf32> to vector<256xf32>
    %broadcast_in_dim3A_2265 = vector.shape_cast %reduce_sum3A_2264 : vector<256xf32> to vector<256x1xf32>
    %add3A_2266 = vector.broadcast %broadcast_in_dim3A_2265 : vector<256x1xf32> to vector<256x1024xf32>
    %add3A_2267 = vector.broadcast %get3A_1941 : vector<1x1024xf32> to vector<256x1024xf32>
    %add3A_2268 = arith.addf %add3A_2266, %add3A_2267 : vector<256x1024xf32>
    %mul3A_2269 = arith.constant 2.000000e+00 : f32
    %mul3A_2270 = vector.broadcast %mul3A_2269 : f32 to vector<256x1024xf32>
    %mul3A_2271 = arith.mulf %mul3A_2270, %dot_general3A_2261 : vector<256x1024xf32>
    %sub3A_2272 = arith.subf %add3A_2268, %mul3A_2271 : vector<256x1024xf32>
    %reduce_min3A_2273 = arith.constant dense<0x7F800000> : vector<256xf32>
    %reduce_min3A_2274 = vector.multi_reduction <minimumf>, %sub3A_2272, %reduce_min3A_2273 [1] : vector<256x1024xf32> to vector<256xf32>
    %broadcast_in_dim3A_2275 = vector.shape_cast %reduce_min3A_2274 : vector<256xf32> to vector<256x1xf32>
    %eq3A_2276 = vector.broadcast %broadcast_in_dim3A_2275 : vector<256x1xf32> to vector<256x1024xf32>
    %eq3A_2277 = arith.cmpf oeq, %sub3A_2272, %eq3A_2276 : vector<256x1024xf32>
    %jit3A_2278 = arith.constant 1.024000e+03 : f32
    %broadcast_in_dim3A_2279 = vector.broadcast %jit3A_2278 : f32 to vector<256x1024xf32>
    %select_n3A_2280 = arith.select %eq3A_2277, %convert_element_type3A, %broadcast_in_dim3A_2279 : vector<256x1024xi1>, vector<256x1024xf32>
    %reduce_min3A_2281 = arith.constant dense<0x7F800000> : vector<256xf32>
    %reduce_min3A_2282 = vector.multi_reduction <minimumf>, %select_n3A_2280, %reduce_min3A_2281 [1] : vector<256x1024xf32> to vector<256xf32>
    %broadcast_in_dim3A_2283 = vector.shape_cast %reduce_min3A_2282 : vector<256xf32> to vector<256x1xf32>
    %convert_element_type3A_2284 = arith.fptosi %broadcast_in_dim3A_2283 : vector<256x1xf32> to vector<256x1xi32>
    %transpose3A_2285 = tpu.transpose %convert_element_type3A_2284, [1, 0] : vector<256x1xi32> -> vector<1x256xi32>
    %broadcast_in_dim3A_2286 = vector.shape_cast %transpose3A_2285 : vector<1x256xi32> to vector<1x256xi32>
    %broadcast_in_dim3A_2287 = vector.broadcast %broadcast_in_dim3A_2286 : vector<1x256xi32> to vector<64x256xi32>
    %and3A_2288 = arith.constant 127 : i32
    %and3A_2289 = vector.broadcast %and3A_2288 : i32 to vector<64x256xi32>
    %and3A_2290 = arith.andi %broadcast_in_dim3A_2287, %and3A_2289 : vector<64x256xi32>
    %shift_right_arithmetic3A_2291 = arith.constant 7 : i32
    %shift_right_arithmetic3A_2292 = vector.broadcast %shift_right_arithmetic3A_2291 : i32 to vector<64x256xi32>
    %shift_right_arithmetic3A_2293 = arith.shrsi %broadcast_in_dim3A_2287, %shift_right_arithmetic3A_2292 : vector<64x256xi32>
    %broadcast_in_dim3A_2294 = arith.constant 0.000000e+00 : f32
    %broadcast_in_dim3A_2295 = vector.broadcast %broadcast_in_dim3A_2294 : f32 to vector<64x256xf32>
    %slice3A_2296 = vector.extract_strided_slice %get3A_1938 {offsets = [0, 0], sizes = [64, 128], strides = [1, 1]} : vector<64x1024xf32> to vector<64x128xf32>
    %lt3A_2297 = arith.constant 0 : i32
    %lt3A_2298 = vector.broadcast %lt3A_2297 : i32 to vector<64x256xi32>
    %lt3A_2299 = arith.cmpi slt, %and3A_2290, %lt3A_2298 : vector<64x256xi32>
    %add3A_2300 = arith.constant 128 : i32
    %add3A_2301 = vector.broadcast %add3A_2300 : i32 to vector<64x256xi32>
    %add3A_2302 = arith.addi %and3A_2290, %add3A_2301 : vector<64x256xi32>
    %select_n3A_2303 = arith.select %lt3A_2299, %add3A_2302, %and3A_2290 : vector<64x256xi1>, vector<64x256xi32>
    %reshape3A_2304 = vector.shape_cast %select_n3A_2303 : vector<64x256xi32> to vector<64x256x1xi32>
    %gather3A_2305 = vector.shape_cast %reshape3A_2304 : vector<64x256x1xi32> to vector<64x256xi32>
    %gather3A_2306 = tpu.dynamic_gather %slice3A_2296[%gather3A_2305] in [1] : vector<64x128xf32>, vector<64x256xi32> -> vector<64x256xf32>
    %eq3A_2307 = arith.constant 0 : i32
    %eq3A_2308 = vector.broadcast %eq3A_2307 : i32 to vector<64x256xi32>
    %eq3A_2309 = arith.cmpi eq, %shift_right_arithmetic3A_2293, %eq3A_2308 : vector<64x256xi32>
    %select_n3A_2310 = arith.select %eq3A_2309, %gather3A_2306, %broadcast_in_dim3A_2295 : vector<64x256xi1>, vector<64x256xf32>
    %slice3A_2311 = vector.extract_strided_slice %get3A_1938 {offsets = [0, 128], sizes = [64, 128], strides = [1, 1]} : vector<64x1024xf32> to vector<64x128xf32>
    %lt3A_2312 = arith.constant 0 : i32
    %lt3A_2313 = vector.broadcast %lt3A_2312 : i32 to vector<64x256xi32>
    %lt3A_2314 = arith.cmpi slt, %and3A_2290, %lt3A_2313 : vector<64x256xi32>
    %add3A_2315 = arith.constant 128 : i32
    %add3A_2316 = vector.broadcast %add3A_2315 : i32 to vector<64x256xi32>
    %add3A_2317 = arith.addi %and3A_2290, %add3A_2316 : vector<64x256xi32>
    %select_n3A_2318 = arith.select %lt3A_2314, %add3A_2317, %and3A_2290 : vector<64x256xi1>, vector<64x256xi32>
    %reshape3A_2319 = vector.shape_cast %select_n3A_2318 : vector<64x256xi32> to vector<64x256x1xi32>
    %gather3A_2320 = vector.shape_cast %reshape3A_2319 : vector<64x256x1xi32> to vector<64x256xi32>
    %gather3A_2321 = tpu.dynamic_gather %slice3A_2311[%gather3A_2320] in [1] : vector<64x128xf32>, vector<64x256xi32> -> vector<64x256xf32>
    %eq3A_2322 = arith.constant 1 : i32
    %eq3A_2323 = vector.broadcast %eq3A_2322 : i32 to vector<64x256xi32>
    %eq3A_2324 = arith.cmpi eq, %shift_right_arithmetic3A_2293, %eq3A_2323 : vector<64x256xi32>
    %select_n3A_2325 = arith.select %eq3A_2324, %gather3A_2321, %select_n3A_2310 : vector<64x256xi1>, vector<64x256xf32>
    %slice3A_2326 = vector.extract_strided_slice %get3A_1938 {offsets = [0, 256], sizes = [64, 128], strides = [1, 1]} : vector<64x1024xf32> to vector<64x128xf32>
    %lt3A_2327 = arith.constant 0 : i32
    %lt3A_2328 = vector.broadcast %lt3A_2327 : i32 to vector<64x256xi32>
    %lt3A_2329 = arith.cmpi slt, %and3A_2290, %lt3A_2328 : vector<64x256xi32>
    %add3A_2330 = arith.constant 128 : i32
    %add3A_2331 = vector.broadcast %add3A_2330 : i32 to vector<64x256xi32>
    %add3A_2332 = arith.addi %and3A_2290, %add3A_2331 : vector<64x256xi32>
    %select_n3A_2333 = arith.select %lt3A_2329, %add3A_2332, %and3A_2290 : vector<64x256xi1>, vector<64x256xi32>
    %reshape3A_2334 = vector.shape_cast %select_n3A_2333 : vector<64x256xi32> to vector<64x256x1xi32>
    %gather3A_2335 = vector.shape_cast %reshape3A_2334 : vector<64x256x1xi32> to vector<64x256xi32>
    %gather3A_2336 = tpu.dynamic_gather %slice3A_2326[%gather3A_2335] in [1] : vector<64x128xf32>, vector<64x256xi32> -> vector<64x256xf32>
    %eq3A_2337 = arith.constant 2 : i32
    %eq3A_2338 = vector.broadcast %eq3A_2337 : i32 to vector<64x256xi32>
    %eq3A_2339 = arith.cmpi eq, %shift_right_arithmetic3A_2293, %eq3A_2338 : vector<64x256xi32>
    %select_n3A_2340 = arith.select %eq3A_2339, %gather3A_2336, %select_n3A_2325 : vector<64x256xi1>, vector<64x256xf32>
    %slice3A_2341 = vector.extract_strided_slice %get3A_1938 {offsets = [0, 384], sizes = [64, 128], strides = [1, 1]} : vector<64x1024xf32> to vector<64x128xf32>
    %lt3A_2342 = arith.constant 0 : i32
    %lt3A_2343 = vector.broadcast %lt3A_2342 : i32 to vector<64x256xi32>
    %lt3A_2344 = arith.cmpi slt, %and3A_2290, %lt3A_2343 : vector<64x256xi32>
    %add3A_2345 = arith.constant 128 : i32
    %add3A_2346 = vector.broadcast %add3A_2345 : i32 to vector<64x256xi32>
    %add3A_2347 = arith.addi %and3A_2290, %add3A_2346 : vector<64x256xi32>
    %select_n3A_2348 = arith.select %lt3A_2344, %add3A_2347, %and3A_2290 : vector<64x256xi1>, vector<64x256xi32>
    %reshape3A_2349 = vector.shape_cast %select_n3A_2348 : vector<64x256xi32> to vector<64x256x1xi32>
    %gather3A_2350 = vector.shape_cast %reshape3A_2349 : vector<64x256x1xi32> to vector<64x256xi32>
    %gather3A_2351 = tpu.dynamic_gather %slice3A_2341[%gather3A_2350] in [1] : vector<64x128xf32>, vector<64x256xi32> -> vector<64x256xf32>
    %eq3A_2352 = arith.constant 3 : i32
    %eq3A_2353 = vector.broadcast %eq3A_2352 : i32 to vector<64x256xi32>
    %eq3A_2354 = arith.cmpi eq, %shift_right_arithmetic3A_2293, %eq3A_2353 : vector<64x256xi32>
    %select_n3A_2355 = arith.select %eq3A_2354, %gather3A_2351, %select_n3A_2340 : vector<64x256xi1>, vector<64x256xf32>
    %slice3A_2356 = vector.extract_strided_slice %get3A_1938 {offsets = [0, 512], sizes = [64, 128], strides = [1, 1]} : vector<64x1024xf32> to vector<64x128xf32>
    %lt3A_2357 = arith.constant 0 : i32
    %lt3A_2358 = vector.broadcast %lt3A_2357 : i32 to vector<64x256xi32>
    %lt3A_2359 = arith.cmpi slt, %and3A_2290, %lt3A_2358 : vector<64x256xi32>
    %add3A_2360 = arith.constant 128 : i32
    %add3A_2361 = vector.broadcast %add3A_2360 : i32 to vector<64x256xi32>
    %add3A_2362 = arith.addi %and3A_2290, %add3A_2361 : vector<64x256xi32>
    %select_n3A_2363 = arith.select %lt3A_2359, %add3A_2362, %and3A_2290 : vector<64x256xi1>, vector<64x256xi32>
    %reshape3A_2364 = vector.shape_cast %select_n3A_2363 : vector<64x256xi32> to vector<64x256x1xi32>
    %gather3A_2365 = vector.shape_cast %reshape3A_2364 : vector<64x256x1xi32> to vector<64x256xi32>
    %gather3A_2366 = tpu.dynamic_gather %slice3A_2356[%gather3A_2365] in [1] : vector<64x128xf32>, vector<64x256xi32> -> vector<64x256xf32>
    %eq3A_2367 = arith.constant 4 : i32
    %eq3A_2368 = vector.broadcast %eq3A_2367 : i32 to vector<64x256xi32>
    %eq3A_2369 = arith.cmpi eq, %shift_right_arithmetic3A_2293, %eq3A_2368 : vector<64x256xi32>
    %select_n3A_2370 = arith.select %eq3A_2369, %gather3A_2366, %select_n3A_2355 : vector<64x256xi1>, vector<64x256xf32>
    %slice3A_2371 = vector.extract_strided_slice %get3A_1938 {offsets = [0, 640], sizes = [64, 128], strides = [1, 1]} : vector<64x1024xf32> to vector<64x128xf32>
    %lt3A_2372 = arith.constant 0 : i32
    %lt3A_2373 = vector.broadcast %lt3A_2372 : i32 to vector<64x256xi32>
    %lt3A_2374 = arith.cmpi slt, %and3A_2290, %lt3A_2373 : vector<64x256xi32>
    %add3A_2375 = arith.constant 128 : i32
    %add3A_2376 = vector.broadcast %add3A_2375 : i32 to vector<64x256xi32>
    %add3A_2377 = arith.addi %and3A_2290, %add3A_2376 : vector<64x256xi32>
    %select_n3A_2378 = arith.select %lt3A_2374, %add3A_2377, %and3A_2290 : vector<64x256xi1>, vector<64x256xi32>
    %reshape3A_2379 = vector.shape_cast %select_n3A_2378 : vector<64x256xi32> to vector<64x256x1xi32>
    %gather3A_2380 = vector.shape_cast %reshape3A_2379 : vector<64x256x1xi32> to vector<64x256xi32>
    %gather3A_2381 = tpu.dynamic_gather %slice3A_2371[%gather3A_2380] in [1] : vector<64x128xf32>, vector<64x256xi32> -> vector<64x256xf32>
    %eq3A_2382 = arith.constant 5 : i32
    %eq3A_2383 = vector.broadcast %eq3A_2382 : i32 to vector<64x256xi32>
    %eq3A_2384 = arith.cmpi eq, %shift_right_arithmetic3A_2293, %eq3A_2383 : vector<64x256xi32>
    %select_n3A_2385 = arith.select %eq3A_2384, %gather3A_2381, %select_n3A_2370 : vector<64x256xi1>, vector<64x256xf32>
    %slice3A_2386 = vector.extract_strided_slice %get3A_1938 {offsets = [0, 768], sizes = [64, 128], strides = [1, 1]} : vector<64x1024xf32> to vector<64x128xf32>
    %lt3A_2387 = arith.constant 0 : i32
    %lt3A_2388 = vector.broadcast %lt3A_2387 : i32 to vector<64x256xi32>
    %lt3A_2389 = arith.cmpi slt, %and3A_2290, %lt3A_2388 : vector<64x256xi32>
    %add3A_2390 = arith.constant 128 : i32
    %add3A_2391 = vector.broadcast %add3A_2390 : i32 to vector<64x256xi32>
    %add3A_2392 = arith.addi %and3A_2290, %add3A_2391 : vector<64x256xi32>
    %select_n3A_2393 = arith.select %lt3A_2389, %add3A_2392, %and3A_2290 : vector<64x256xi1>, vector<64x256xi32>
    %reshape3A_2394 = vector.shape_cast %select_n3A_2393 : vector<64x256xi32> to vector<64x256x1xi32>
    %gather3A_2395 = vector.shape_cast %reshape3A_2394 : vector<64x256x1xi32> to vector<64x256xi32>
    %gather3A_2396 = tpu.dynamic_gather %slice3A_2386[%gather3A_2395] in [1] : vector<64x128xf32>, vector<64x256xi32> -> vector<64x256xf32>
    %eq3A_2397 = arith.constant 6 : i32
    %eq3A_2398 = vector.broadcast %eq3A_2397 : i32 to vector<64x256xi32>
    %eq3A_2399 = arith.cmpi eq, %shift_right_arithmetic3A_2293, %eq3A_2398 : vector<64x256xi32>
    %select_n3A_2400 = arith.select %eq3A_2399, %gather3A_2396, %select_n3A_2385 : vector<64x256xi1>, vector<64x256xf32>
    %slice3A_2401 = vector.extract_strided_slice %get3A_1938 {offsets = [0, 896], sizes = [64, 128], strides = [1, 1]} : vector<64x1024xf32> to vector<64x128xf32>
    %lt3A_2402 = arith.constant 0 : i32
    %lt3A_2403 = vector.broadcast %lt3A_2402 : i32 to vector<64x256xi32>
    %lt3A_2404 = arith.cmpi slt, %and3A_2290, %lt3A_2403 : vector<64x256xi32>
    %add3A_2405 = arith.constant 128 : i32
    %add3A_2406 = vector.broadcast %add3A_2405 : i32 to vector<64x256xi32>
    %add3A_2407 = arith.addi %and3A_2290, %add3A_2406 : vector<64x256xi32>
    %select_n3A_2408 = arith.select %lt3A_2404, %add3A_2407, %and3A_2290 : vector<64x256xi1>, vector<64x256xi32>
    %reshape3A_2409 = vector.shape_cast %select_n3A_2408 : vector<64x256xi32> to vector<64x256x1xi32>
    %gather3A_2410 = vector.shape_cast %reshape3A_2409 : vector<64x256x1xi32> to vector<64x256xi32>
    %gather3A_2411 = tpu.dynamic_gather %slice3A_2401[%gather3A_2410] in [1] : vector<64x128xf32>, vector<64x256xi32> -> vector<64x256xf32>
    %eq3A_2412 = arith.constant 7 : i32
    %eq3A_2413 = vector.broadcast %eq3A_2412 : i32 to vector<64x256xi32>
    %eq3A_2414 = arith.cmpi eq, %shift_right_arithmetic3A_2293, %eq3A_2413 : vector<64x256xi32>
    %select_n3A_2415 = arith.select %eq3A_2414, %gather3A_2411, %select_n3A_2400 : vector<64x256xi1>, vector<64x256xf32>
    %transpose3A_2416 = tpu.transpose %select_n3A_2415, [1, 0] : vector<64x256xf32> -> vector<256x64xf32>
    %add3A_2417 = arith.addf %add3A_1773, %transpose3A_2416 : vector<256x64xf32>
    %sub3A_2418 = arith.subf %sub3A_1774, %transpose3A_2416 : vector<256x64xf32>
    %dot_general3A_2419 = arith.constant dense<0.000000e+00> : vector<256x1024xf32>
    %dot_general3A_2420 = tpu.matmul %sub3A_1933, %get3A_1938, %dot_general3A_2419 {dimension_numbers = #tpu.dot_dimension_numbers<[1], [0], [0], [1], [0, 0, 1, 1], [], []>, transpose_lhs_hint = false} : vector<256x64xf32>, vector<64x1024xf32>, vector<256x1024xf32> -> vector<256x1024xf32>
    %mul3A_2421 = arith.mulf %sub3A_1933, %sub3A_1933 : vector<256x64xf32>
    %reduce_sum3A_2422 = arith.constant dense<0.000000e+00> : vector<256xf32>
    %reduce_sum3A_2423 = vector.multi_reduction <add>, %mul3A_2421, %reduce_sum3A_2422 [1] : vector<256x64xf32> to vector<256xf32>
    %broadcast_in_dim3A_2424 = vector.shape_cast %reduce_sum3A_2423 : vector<256xf32> to vector<256x1xf32>
    %add3A_2425 = vector.broadcast %broadcast_in_dim3A_2424 : vector<256x1xf32> to vector<256x1024xf32>
    %add3A_2426 = vector.broadcast %get3A_1941 : vector<1x1024xf32> to vector<256x1024xf32>
    %add3A_2427 = arith.addf %add3A_2425, %add3A_2426 : vector<256x1024xf32>
    %mul3A_2428 = arith.constant 2.000000e+00 : f32
    %mul3A_2429 = vector.broadcast %mul3A_2428 : f32 to vector<256x1024xf32>
    %mul3A_2430 = arith.mulf %mul3A_2429, %dot_general3A_2420 : vector<256x1024xf32>
    %sub3A_2431 = arith.subf %add3A_2427, %mul3A_2430 : vector<256x1024xf32>
    %reduce_min3A_2432 = arith.constant dense<0x7F800000> : vector<256xf32>
    %reduce_min3A_2433 = vector.multi_reduction <minimumf>, %sub3A_2431, %reduce_min3A_2432 [1] : vector<256x1024xf32> to vector<256xf32>
    %broadcast_in_dim3A_2434 = vector.shape_cast %reduce_min3A_2433 : vector<256xf32> to vector<256x1xf32>
    %eq3A_2435 = vector.broadcast %broadcast_in_dim3A_2434 : vector<256x1xf32> to vector<256x1024xf32>
    %eq3A_2436 = arith.cmpf oeq, %sub3A_2431, %eq3A_2435 : vector<256x1024xf32>
    %jit3A_2437 = arith.constant 1.024000e+03 : f32
    %broadcast_in_dim3A_2438 = vector.broadcast %jit3A_2437 : f32 to vector<256x1024xf32>
    %select_n3A_2439 = arith.select %eq3A_2436, %convert_element_type3A, %broadcast_in_dim3A_2438 : vector<256x1024xi1>, vector<256x1024xf32>
    %reduce_min3A_2440 = arith.constant dense<0x7F800000> : vector<256xf32>
    %reduce_min3A_2441 = vector.multi_reduction <minimumf>, %select_n3A_2439, %reduce_min3A_2440 [1] : vector<256x1024xf32> to vector<256xf32>
    %broadcast_in_dim3A_2442 = vector.shape_cast %reduce_min3A_2441 : vector<256xf32> to vector<256x1xf32>
    %convert_element_type3A_2443 = arith.fptosi %broadcast_in_dim3A_2442 : vector<256x1xf32> to vector<256x1xi32>
    %transpose3A_2444 = tpu.transpose %convert_element_type3A_2443, [1, 0] : vector<256x1xi32> -> vector<1x256xi32>
    %broadcast_in_dim3A_2445 = vector.shape_cast %transpose3A_2444 : vector<1x256xi32> to vector<1x256xi32>
    %broadcast_in_dim3A_2446 = vector.broadcast %broadcast_in_dim3A_2445 : vector<1x256xi32> to vector<64x256xi32>
    %and3A_2447 = arith.constant 127 : i32
    %and3A_2448 = vector.broadcast %and3A_2447 : i32 to vector<64x256xi32>
    %and3A_2449 = arith.andi %broadcast_in_dim3A_2446, %and3A_2448 : vector<64x256xi32>
    %shift_right_arithmetic3A_2450 = arith.constant 7 : i32
    %shift_right_arithmetic3A_2451 = vector.broadcast %shift_right_arithmetic3A_2450 : i32 to vector<64x256xi32>
    %shift_right_arithmetic3A_2452 = arith.shrsi %broadcast_in_dim3A_2446, %shift_right_arithmetic3A_2451 : vector<64x256xi32>
    %broadcast_in_dim3A_2453 = arith.constant 0.000000e+00 : f32
    %broadcast_in_dim3A_2454 = vector.broadcast %broadcast_in_dim3A_2453 : f32 to vector<64x256xf32>
    %slice3A_2455 = vector.extract_strided_slice %get3A_1938 {offsets = [0, 0], sizes = [64, 128], strides = [1, 1]} : vector<64x1024xf32> to vector<64x128xf32>
    %lt3A_2456 = arith.constant 0 : i32
    %lt3A_2457 = vector.broadcast %lt3A_2456 : i32 to vector<64x256xi32>
    %lt3A_2458 = arith.cmpi slt, %and3A_2449, %lt3A_2457 : vector<64x256xi32>
    %add3A_2459 = arith.constant 128 : i32
    %add3A_2460 = vector.broadcast %add3A_2459 : i32 to vector<64x256xi32>
    %add3A_2461 = arith.addi %and3A_2449, %add3A_2460 : vector<64x256xi32>
    %select_n3A_2462 = arith.select %lt3A_2458, %add3A_2461, %and3A_2449 : vector<64x256xi1>, vector<64x256xi32>
    %reshape3A_2463 = vector.shape_cast %select_n3A_2462 : vector<64x256xi32> to vector<64x256x1xi32>
    %gather3A_2464 = vector.shape_cast %reshape3A_2463 : vector<64x256x1xi32> to vector<64x256xi32>
    %gather3A_2465 = tpu.dynamic_gather %slice3A_2455[%gather3A_2464] in [1] : vector<64x128xf32>, vector<64x256xi32> -> vector<64x256xf32>
    %eq3A_2466 = arith.constant 0 : i32
    %eq3A_2467 = vector.broadcast %eq3A_2466 : i32 to vector<64x256xi32>
    %eq3A_2468 = arith.cmpi eq, %shift_right_arithmetic3A_2452, %eq3A_2467 : vector<64x256xi32>
    %select_n3A_2469 = arith.select %eq3A_2468, %gather3A_2465, %broadcast_in_dim3A_2454 : vector<64x256xi1>, vector<64x256xf32>
    %slice3A_2470 = vector.extract_strided_slice %get3A_1938 {offsets = [0, 128], sizes = [64, 128], strides = [1, 1]} : vector<64x1024xf32> to vector<64x128xf32>
    %lt3A_2471 = arith.constant 0 : i32
    %lt3A_2472 = vector.broadcast %lt3A_2471 : i32 to vector<64x256xi32>
    %lt3A_2473 = arith.cmpi slt, %and3A_2449, %lt3A_2472 : vector<64x256xi32>
    %add3A_2474 = arith.constant 128 : i32
    %add3A_2475 = vector.broadcast %add3A_2474 : i32 to vector<64x256xi32>
    %add3A_2476 = arith.addi %and3A_2449, %add3A_2475 : vector<64x256xi32>
    %select_n3A_2477 = arith.select %lt3A_2473, %add3A_2476, %and3A_2449 : vector<64x256xi1>, vector<64x256xi32>
    %reshape3A_2478 = vector.shape_cast %select_n3A_2477 : vector<64x256xi32> to vector<64x256x1xi32>
    %gather3A_2479 = vector.shape_cast %reshape3A_2478 : vector<64x256x1xi32> to vector<64x256xi32>
    %gather3A_2480 = tpu.dynamic_gather %slice3A_2470[%gather3A_2479] in [1] : vector<64x128xf32>, vector<64x256xi32> -> vector<64x256xf32>
    %eq3A_2481 = arith.constant 1 : i32
    %eq3A_2482 = vector.broadcast %eq3A_2481 : i32 to vector<64x256xi32>
    %eq3A_2483 = arith.cmpi eq, %shift_right_arithmetic3A_2452, %eq3A_2482 : vector<64x256xi32>
    %select_n3A_2484 = arith.select %eq3A_2483, %gather3A_2480, %select_n3A_2469 : vector<64x256xi1>, vector<64x256xf32>
    %slice3A_2485 = vector.extract_strided_slice %get3A_1938 {offsets = [0, 256], sizes = [64, 128], strides = [1, 1]} : vector<64x1024xf32> to vector<64x128xf32>
    %lt3A_2486 = arith.constant 0 : i32
    %lt3A_2487 = vector.broadcast %lt3A_2486 : i32 to vector<64x256xi32>
    %lt3A_2488 = arith.cmpi slt, %and3A_2449, %lt3A_2487 : vector<64x256xi32>
    %add3A_2489 = arith.constant 128 : i32
    %add3A_2490 = vector.broadcast %add3A_2489 : i32 to vector<64x256xi32>
    %add3A_2491 = arith.addi %and3A_2449, %add3A_2490 : vector<64x256xi32>
    %select_n3A_2492 = arith.select %lt3A_2488, %add3A_2491, %and3A_2449 : vector<64x256xi1>, vector<64x256xi32>
    %reshape3A_2493 = vector.shape_cast %select_n3A_2492 : vector<64x256xi32> to vector<64x256x1xi32>
    %gather3A_2494 = vector.shape_cast %reshape3A_2493 : vector<64x256x1xi32> to vector<64x256xi32>
    %gather3A_2495 = tpu.dynamic_gather %slice3A_2485[%gather3A_2494] in [1] : vector<64x128xf32>, vector<64x256xi32> -> vector<64x256xf32>
    %eq3A_2496 = arith.constant 2 : i32
    %eq3A_2497 = vector.broadcast %eq3A_2496 : i32 to vector<64x256xi32>
    %eq3A_2498 = arith.cmpi eq, %shift_right_arithmetic3A_2452, %eq3A_2497 : vector<64x256xi32>
    %select_n3A_2499 = arith.select %eq3A_2498, %gather3A_2495, %select_n3A_2484 : vector<64x256xi1>, vector<64x256xf32>
    %slice3A_2500 = vector.extract_strided_slice %get3A_1938 {offsets = [0, 384], sizes = [64, 128], strides = [1, 1]} : vector<64x1024xf32> to vector<64x128xf32>
    %lt3A_2501 = arith.constant 0 : i32
    %lt3A_2502 = vector.broadcast %lt3A_2501 : i32 to vector<64x256xi32>
    %lt3A_2503 = arith.cmpi slt, %and3A_2449, %lt3A_2502 : vector<64x256xi32>
    %add3A_2504 = arith.constant 128 : i32
    %add3A_2505 = vector.broadcast %add3A_2504 : i32 to vector<64x256xi32>
    %add3A_2506 = arith.addi %and3A_2449, %add3A_2505 : vector<64x256xi32>
    %select_n3A_2507 = arith.select %lt3A_2503, %add3A_2506, %and3A_2449 : vector<64x256xi1>, vector<64x256xi32>
    %reshape3A_2508 = vector.shape_cast %select_n3A_2507 : vector<64x256xi32> to vector<64x256x1xi32>
    %gather3A_2509 = vector.shape_cast %reshape3A_2508 : vector<64x256x1xi32> to vector<64x256xi32>
    %gather3A_2510 = tpu.dynamic_gather %slice3A_2500[%gather3A_2509] in [1] : vector<64x128xf32>, vector<64x256xi32> -> vector<64x256xf32>
    %eq3A_2511 = arith.constant 3 : i32
    %eq3A_2512 = vector.broadcast %eq3A_2511 : i32 to vector<64x256xi32>
    %eq3A_2513 = arith.cmpi eq, %shift_right_arithmetic3A_2452, %eq3A_2512 : vector<64x256xi32>
    %select_n3A_2514 = arith.select %eq3A_2513, %gather3A_2510, %select_n3A_2499 : vector<64x256xi1>, vector<64x256xf32>
    %slice3A_2515 = vector.extract_strided_slice %get3A_1938 {offsets = [0, 512], sizes = [64, 128], strides = [1, 1]} : vector<64x1024xf32> to vector<64x128xf32>
    %lt3A_2516 = arith.constant 0 : i32
    %lt3A_2517 = vector.broadcast %lt3A_2516 : i32 to vector<64x256xi32>
    %lt3A_2518 = arith.cmpi slt, %and3A_2449, %lt3A_2517 : vector<64x256xi32>
    %add3A_2519 = arith.constant 128 : i32
    %add3A_2520 = vector.broadcast %add3A_2519 : i32 to vector<64x256xi32>
    %add3A_2521 = arith.addi %and3A_2449, %add3A_2520 : vector<64x256xi32>
    %select_n3A_2522 = arith.select %lt3A_2518, %add3A_2521, %and3A_2449 : vector<64x256xi1>, vector<64x256xi32>
    %reshape3A_2523 = vector.shape_cast %select_n3A_2522 : vector<64x256xi32> to vector<64x256x1xi32>
    %gather3A_2524 = vector.shape_cast %reshape3A_2523 : vector<64x256x1xi32> to vector<64x256xi32>
    %gather3A_2525 = tpu.dynamic_gather %slice3A_2515[%gather3A_2524] in [1] : vector<64x128xf32>, vector<64x256xi32> -> vector<64x256xf32>
    %eq3A_2526 = arith.constant 4 : i32
    %eq3A_2527 = vector.broadcast %eq3A_2526 : i32 to vector<64x256xi32>
    %eq3A_2528 = arith.cmpi eq, %shift_right_arithmetic3A_2452, %eq3A_2527 : vector<64x256xi32>
    %select_n3A_2529 = arith.select %eq3A_2528, %gather3A_2525, %select_n3A_2514 : vector<64x256xi1>, vector<64x256xf32>
    %slice3A_2530 = vector.extract_strided_slice %get3A_1938 {offsets = [0, 640], sizes = [64, 128], strides = [1, 1]} : vector<64x1024xf32> to vector<64x128xf32>
    %lt3A_2531 = arith.constant 0 : i32
    %lt3A_2532 = vector.broadcast %lt3A_2531 : i32 to vector<64x256xi32>
    %lt3A_2533 = arith.cmpi slt, %and3A_2449, %lt3A_2532 : vector<64x256xi32>
    %add3A_2534 = arith.constant 128 : i32
    %add3A_2535 = vector.broadcast %add3A_2534 : i32 to vector<64x256xi32>
    %add3A_2536 = arith.addi %and3A_2449, %add3A_2535 : vector<64x256xi32>
    %select_n3A_2537 = arith.select %lt3A_2533, %add3A_2536, %and3A_2449 : vector<64x256xi1>, vector<64x256xi32>
    %reshape3A_2538 = vector.shape_cast %select_n3A_2537 : vector<64x256xi32> to vector<64x256x1xi32>
    %gather3A_2539 = vector.shape_cast %reshape3A_2538 : vector<64x256x1xi32> to vector<64x256xi32>
    %gather3A_2540 = tpu.dynamic_gather %slice3A_2530[%gather3A_2539] in [1] : vector<64x128xf32>, vector<64x256xi32> -> vector<64x256xf32>
    %eq3A_2541 = arith.constant 5 : i32
    %eq3A_2542 = vector.broadcast %eq3A_2541 : i32 to vector<64x256xi32>
    %eq3A_2543 = arith.cmpi eq, %shift_right_arithmetic3A_2452, %eq3A_2542 : vector<64x256xi32>
    %select_n3A_2544 = arith.select %eq3A_2543, %gather3A_2540, %select_n3A_2529 : vector<64x256xi1>, vector<64x256xf32>
    %slice3A_2545 = vector.extract_strided_slice %get3A_1938 {offsets = [0, 768], sizes = [64, 128], strides = [1, 1]} : vector<64x1024xf32> to vector<64x128xf32>
    %lt3A_2546 = arith.constant 0 : i32
    %lt3A_2547 = vector.broadcast %lt3A_2546 : i32 to vector<64x256xi32>
    %lt3A_2548 = arith.cmpi slt, %and3A_2449, %lt3A_2547 : vector<64x256xi32>
    %add3A_2549 = arith.constant 128 : i32
    %add3A_2550 = vector.broadcast %add3A_2549 : i32 to vector<64x256xi32>
    %add3A_2551 = arith.addi %and3A_2449, %add3A_2550 : vector<64x256xi32>
    %select_n3A_2552 = arith.select %lt3A_2548, %add3A_2551, %and3A_2449 : vector<64x256xi1>, vector<64x256xi32>
    %reshape3A_2553 = vector.shape_cast %select_n3A_2552 : vector<64x256xi32> to vector<64x256x1xi32>
    %gather3A_2554 = vector.shape_cast %reshape3A_2553 : vector<64x256x1xi32> to vector<64x256xi32>
    %gather3A_2555 = tpu.dynamic_gather %slice3A_2545[%gather3A_2554] in [1] : vector<64x128xf32>, vector<64x256xi32> -> vector<64x256xf32>
    %eq3A_2556 = arith.constant 6 : i32
    %eq3A_2557 = vector.broadcast %eq3A_2556 : i32 to vector<64x256xi32>
    %eq3A_2558 = arith.cmpi eq, %shift_right_arithmetic3A_2452, %eq3A_2557 : vector<64x256xi32>
    %select_n3A_2559 = arith.select %eq3A_2558, %gather3A_2555, %select_n3A_2544 : vector<64x256xi1>, vector<64x256xf32>
    %slice3A_2560 = vector.extract_strided_slice %get3A_1938 {offsets = [0, 896], sizes = [64, 128], strides = [1, 1]} : vector<64x1024xf32> to vector<64x128xf32>
    %lt3A_2561 = arith.constant 0 : i32
    %lt3A_2562 = vector.broadcast %lt3A_2561 : i32 to vector<64x256xi32>
    %lt3A_2563 = arith.cmpi slt, %and3A_2449, %lt3A_2562 : vector<64x256xi32>
    %add3A_2564 = arith.constant 128 : i32
    %add3A_2565 = vector.broadcast %add3A_2564 : i32 to vector<64x256xi32>
    %add3A_2566 = arith.addi %and3A_2449, %add3A_2565 : vector<64x256xi32>
    %select_n3A_2567 = arith.select %lt3A_2563, %add3A_2566, %and3A_2449 : vector<64x256xi1>, vector<64x256xi32>
    %reshape3A_2568 = vector.shape_cast %select_n3A_2567 : vector<64x256xi32> to vector<64x256x1xi32>
    %gather3A_2569 = vector.shape_cast %reshape3A_2568 : vector<64x256x1xi32> to vector<64x256xi32>
    %gather3A_2570 = tpu.dynamic_gather %slice3A_2560[%gather3A_2569] in [1] : vector<64x128xf32>, vector<64x256xi32> -> vector<64x256xf32>
    %eq3A_2571 = arith.constant 7 : i32
    %eq3A_2572 = vector.broadcast %eq3A_2571 : i32 to vector<64x256xi32>
    %eq3A_2573 = arith.cmpi eq, %shift_right_arithmetic3A_2452, %eq3A_2572 : vector<64x256xi32>
    %select_n3A_2574 = arith.select %eq3A_2573, %gather3A_2570, %select_n3A_2559 : vector<64x256xi1>, vector<64x256xf32>
    %transpose3A_2575 = tpu.transpose %select_n3A_2574, [1, 0] : vector<64x256xf32> -> vector<256x64xf32>
    %add3A_2576 = arith.addf %add3A_1932, %transpose3A_2575 : vector<256x64xf32>
    %sub3A_2577 = arith.subf %sub3A_1933, %transpose3A_2575 : vector<256x64xf32>
    %swap3A = arith.constant 0 : index
    %swap3A_2578 = arith.constant 0 : index
    %swap3A_2579 = vector.load %arg4[%swap3A, %swap3A_2578] : memref<1024x64xf32, #tpu.memory_space<vmem>>, vector<256x64xf32>
    tpu.vector_store %arg4[%swap3A, %swap3A_2578], %add3A_2099 {strides = array<i32>} : memref<1024x64xf32, #tpu.memory_space<vmem>>, vector<256x64xf32>,
    %swap3A_2580 = arith.constant 256 : index
    %swap3A_2581 = arith.constant 0 : index
    %swap3A_2582 = vector.load %arg4[%swap3A_2580, %swap3A_2581] : memref<1024x64xf32, #tpu.memory_space<vmem>>, vector<256x64xf32>
    tpu.vector_store %arg4[%swap3A_2580, %swap3A_2581], %add3A_2258 {strides = array<i32>} : memref<1024x64xf32, #tpu.memory_space<vmem>>, vector<256x64xf32>,
    %swap3A_2583 = arith.constant 512 : index
    %swap3A_2584 = arith.constant 0 : index
    %swap3A_2585 = vector.load %arg4[%swap3A_2583, %swap3A_2584] : memref<1024x64xf32, #tpu.memory_space<vmem>>, vector<256x64xf32>
    tpu.vector_store %arg4[%swap3A_2583, %swap3A_2584], %add3A_2417 {strides = array<i32>} : memref<1024x64xf32, #tpu.memory_space<vmem>>, vector<256x64xf32>,
    %swap3A_2586 = arith.constant 768 : index
    %swap3A_2587 = arith.constant 0 : index
    %swap3A_2588 = vector.load %arg4[%swap3A_2586, %swap3A_2587] : memref<1024x64xf32, #tpu.memory_space<vmem>>, vector<256x64xf32>
    tpu.vector_store %arg4[%swap3A_2586, %swap3A_2587], %add3A_2576 {strides = array<i32>} : memref<1024x64xf32, #tpu.memory_space<vmem>>, vector<256x64xf32>,
    %mul3A_2589 = arith.mulf %sub3A_2100, %sub3A_2100 : vector<256x64xf32>
    %reduce_sum3A_2590 = vector.shape_cast %mul3A_2589 : vector<256x64xf32> to vector<1x256x64xf32>
    %reduce_sum3A_2591 = arith.constant dense<0.000000e+00> : vector<1xf32>
    %reduce_sum3A_2592 = vector.multi_reduction <add>, %reduce_sum3A_2590, %reduce_sum3A_2591 [1, 2] : vector<1x256x64xf32> to vector<1xf32>
    %reduce_sum3A_2593 = vector.shape_cast %reduce_sum3A_2592 : vector<1xf32> to vector<1x1x1xf32>
    %reduce_sum3A_2594 = vector.extract %reduce_sum3A_2593[0, 0, 0] : f32 from vector<1x1x1xf32>
    %add3A_2595 = arith.constant 0.000000e+00 : f32
    %add3A_2596 = arith.addf %add3A_2595, %reduce_sum3A_2594 : f32
    %mul3A_2597 = arith.mulf %sub3A_2259, %sub3A_2259 : vector<256x64xf32>
    %reduce_sum3A_2598 = vector.shape_cast %mul3A_2597 : vector<256x64xf32> to vector<1x256x64xf32>
    %reduce_sum3A_2599 = arith.constant dense<0.000000e+00> : vector<1xf32>
    %reduce_sum3A_2600 = vector.multi_reduction <add>, %reduce_sum3A_2598, %reduce_sum3A_2599 [1, 2] : vector<1x256x64xf32> to vector<1xf32>
    %reduce_sum3A_2601 = vector.shape_cast %reduce_sum3A_2600 : vector<1xf32> to vector<1x1x1xf32>
    %reduce_sum3A_2602 = vector.extract %reduce_sum3A_2601[0, 0, 0] : f32 from vector<1x1x1xf32>
    %add3A_2603 = arith.addf %add3A_2596, %reduce_sum3A_2602 : f32
    %mul3A_2604 = arith.mulf %sub3A_2418, %sub3A_2418 : vector<256x64xf32>
    %reduce_sum3A_2605 = vector.shape_cast %mul3A_2604 : vector<256x64xf32> to vector<1x256x64xf32>
    %reduce_sum3A_2606 = arith.constant dense<0.000000e+00> : vector<1xf32>
    %reduce_sum3A_2607 = vector.multi_reduction <add>, %reduce_sum3A_2605, %reduce_sum3A_2606 [1, 2] : vector<1x256x64xf32> to vector<1xf32>
    %reduce_sum3A_2608 = vector.shape_cast %reduce_sum3A_2607 : vector<1xf32> to vector<1x1x1xf32>
    %reduce_sum3A_2609 = vector.extract %reduce_sum3A_2608[0, 0, 0] : f32 from vector<1x1x1xf32>
    %add3A_2610 = arith.addf %add3A_2603, %reduce_sum3A_2609 : f32
    %mul3A_2611 = arith.mulf %sub3A_2577, %sub3A_2577 : vector<256x64xf32>
    %reduce_sum3A_2612 = vector.shape_cast %mul3A_2611 : vector<256x64xf32> to vector<1x256x64xf32>
    %reduce_sum3A_2613 = arith.constant dense<0.000000e+00> : vector<1xf32>
    %reduce_sum3A_2614 = vector.multi_reduction <add>, %reduce_sum3A_2612, %reduce_sum3A_2613 [1, 2] : vector<1x256x64xf32> to vector<1xf32>
    %reduce_sum3A_2615 = vector.shape_cast %reduce_sum3A_2614 : vector<1xf32> to vector<1x1x1xf32>
    %reduce_sum3A_2616 = vector.extract %reduce_sum3A_2615[0, 0, 0] : f32 from vector<1x1x1xf32>
    %add3A_2617 = arith.addf %add3A_2610, %reduce_sum3A_2616 : f32
    %reshape3A_2618 = vector.broadcast %add3A_2617 : f32 to vector<1x1xf32>
    %eq3A_2619 = arith.constant 0 : i32
    %eq3A_2620 = arith.cmpi eq, %arg0, %eq3A_2619 : i32
    %convert_element_type3A_2621 = arith.extui %eq3A_2620 : i1 to i32
    %cond3A = arith.constant 0 : i32
    %cond3A_2622 = arith.cmpi ne, %convert_element_type3A_2621, %cond3A : i32
    scf.if %cond3A_2622 {
      %swap3A_2627 = arith.constant 0 : index
      %swap3A_2628 = arith.constant 0 : index
      %swap3A_2629 = vector.load %arg5[%swap3A_2627, %swap3A_2628] : memref<1x1xf32, #tpu.memory_space<vmem>>, vector<1x1xf32>
      tpu.vector_store %arg5[%swap3A_2627, %swap3A_2628], %reshape3A_2618 {strides = array<i32>} : memref<1x1xf32, #tpu.memory_space<vmem>>, vector<1x1xf32>,
    } else {
    }
    %ne3A = arith.constant 0 : i32
    %ne3A_2623 = arith.cmpi ne, %arg0, %ne3A : i32
    %convert_element_type3A_2624 = arith.extui %ne3A_2623 : i1 to i32
    %cond3A_2625 = arith.constant 0 : i32
    %cond3A_2626 = arith.cmpi ne, %convert_element_type3A_2624, %cond3A_2625 : i32
    scf.if %cond3A_2626 {
      %get3A_2627 = arith.constant 0 : index
      %get3A_2628 = arith.constant 0 : index
      %get3A_2629 = vector.load %arg5[%get3A_2627, %get3A_2628] : memref<1x1xf32, #tpu.memory_space<vmem>>, vector<1x1xf32>
      %add3A_2630 = arith.addf %get3A_2629, %reshape3A_2618 : vector<1x1xf32>
      %swap3A_2631 = arith.constant 0 : index
      %swap3A_2632 = arith.constant 0 : index
      %swap3A_2633 = vector.load %arg5[%swap3A_2631, %swap3A_2632] : memref<1x1xf32, #tpu.memory_space<vmem>>, vector<1x1xf32>
      tpu.vector_store %arg5[%swap3A_2631, %swap3A_2632], %add3A_2630 {strides = array<i32>} : memref<1x1xf32, #tpu.memory_space<vmem>>, vector<1x1xf32>,
    } else {
    }
    return
  }
  func.func @transform_0(%arg0: i32) -> (i32, i32) {
    %c0_i32 = arith.constant 0 : i32
    %c0_i32_0 = arith.constant 0 : i32
    return %arg0, %c0_i32 : i32, i32
  }
  func.func @transform_1(%arg0: i32) -> (i32, i32, i32) {
    %c0_i32 = arith.constant 0 : i32
    %c0_i32_0 = arith.constant 0 : i32
    %c0_i32_1 = arith.constant 0 : i32
    %c0_i32_2 = arith.constant 0 : i32
    return %c0_i32, %c0_i32_0, %c0_i32_1 : i32, i32, i32
  }
  func.func @transform_2(%arg0: i32) -> (i32, i32) {
    %c0_i32 = arith.constant 0 : i32
    %c0_i32_0 = arith.constant 0 : i32
    %c0_i32_1 = arith.constant 0 : i32
    return %c0_i32, %c0_i32_0 : i32, i32
  }
  func.func @transform_3(%arg0: i32) -> (i32, i32) {
    %c0_i32 = arith.constant 0 : i32
    %c0_i32_0 = arith.constant 0 : i32
    return %arg0, %c0_i32 : i32, i32
  }
  func.func @transform_4(%arg0: i32) -> (i32, i32) {
    %c0_i32 = arith.constant 0 : i32
    %c0_i32_0 = arith.constant 0 : i32
    %c0_i32_1 = arith.constant 0 : i32
    return %c0_i32, %c0_i32_0 : i32, i32
  }
}

</mosaic_0001>

<sc_bundles>
// kernel: sparse-core-data-format-call.1.cloned.1.call-start
scs
called_computation.1_lowered:
.L_overlay_start_0:
0x0: {  	s1 =	sld [smem:$0x3FD9]  }
0x1: {  	s2 =	sld [smem:$0x3FFE];
	_ =	sdelay $0x1  }
0x2: {  	s3 =	srdreg.scid  }
0x3: {  	s0 =	sand.u32 $0x1, s3  }
0x4: {  	s17 =	sshll.u32 s0, $0xA;
	s1 =	sadd.s32 s2, s1  }
0x5: {  	s1 =	sadd.s32 s1, s17  }
0x6: {  	[smem:$0x3FBA] =	sst s1  }
0x7: {  	_ = 	snop  }
0x8: {  	(tm) =	ssettm $0x1  }
0x9: {  	s18 =	sld [smem:$0x3FFB];
	_ =	sdelay $0x3  }
0xa: {  	_ =	strace s18  }
0xb: {  	s1 =	sld [smem:$0x3FFC];
	_ =	sdelay $0x3  }
0xc: {  	_ =	strace s1  }
0xd: {  	s1 =	sld [smem:$0x3FFD];
	_ =	sdelay $0x3  }
0xe: {  	_ =	strace s1  }
0xf: {  	_ =	strace $0x8FFFFFFF  }
0x10: {  	s19 =	sld [smem:$0x3FDB];
	_ =	sdelay $0x1  }
0x11: {  	s20 =	simm.s32 $_scs_section_size  }
0x12: {  	s4 =	simm.s32 $_size__tile_overlayer_lowered;
	s5 =	simm.s32 $_tile_overlayer_lowered  }
0x13: {  	s23 =	simm.s32 $0x1BFF;
	s22 =	sshll.u32 s5, $0x1;
	s1 =	sadd.s32 s20, s19  }
0x14: {  	s6 =	simm.s32 $0x0;
	s21 =	sshll.u32 s4, $0x1;
	s4 =	sadd.s32 s22, s1  }
0x15: {  	[timem:s6], [sflag:s23] =	dma.local [hbm:s4], s21  }
0x16: {  	_ =	swait.ge [sflag:s23], s21  }
0x17: {  	s2 =	ssub.s32 $0x0, s21;
	[sflag:s23] =	ssyncset.done $0x0  }
0x18: {  	[sflag:s23] =	ssyncadd.s32 s2;
	_ =	sdelay $0x1  }
0x19: {  	s24 =	simm.s32 $0x1B8B  }
0x1a: {  	_ =	swait.ge [sflag:s24], $0x1  }
0x1b: {  	[sflag:s24] =	ssyncset.done $0x0  }
0x1c: {  	s26 =	simm.s32 $0x1B8E;
	s25 =	sld [smem:$0x3FFE];
	[sflag:s24] =	ssyncadd.s32 $0xFFFFFFFF  }
0x1d: {  	s27 =	simm.s32 $execute0_lowered;
	[smem:$0x3FD2] =	sst s26  }
0x1e: {  	s4 =	sshll.u32 s27, $0x1;
	_ =	strace $0x80000046;
	[dreg:$0x1] =	wrdreg $0xFFFFFFFF  }
0x1f: {  	s28 =	simm.s32 $_size_execute0_lowered;
	s1 =	sadd.s32 s1, s4;
	[dreg:$0x0] =	wrdreg $0x0  }
0x20: {  	s4 =	sshll.u32 s28, $0x1;
	[dreg:$0x2] =	wrdreg s1  }
0x21: {  	[dreg:$0x3] =	wrdreg s4  }
0x22: {  	[dreg:$0x4] =	wrdreg $0xC0  }
0x23: {  	_ =	task [dreg:s6], $0x5FFFF  }
0x24: {  	[dreg:$0x1] =	wrdreg $0xFFFFFFFF  }
0x25: {  	[dreg:$0x0] =	wrdreg $0x60  }
0x26: {  	[dreg:$0x2] =	wrdreg s25  }
0x27: {  	[dreg:$0x3] =	wrdreg $0x9  }
0x28: {  	_ =	task.clear_ibuf [dreg:s6], $0x4FFFF;
	_ =	strace $0x90000046  }
0x29: {  	s29 =	simm.s32 $0x9;
	_ =	strace $0x80000048  }
0x2a: {  	_ =	swait.ge [sflag:s29], $0x1  }
0x2b: {  	[sflag:s29] =	ssyncadd.s32 $0xFFFFFFFF  }
0x2c: {  	_ =	strace $0x90000048  }
0x2d: {  	_ =	sfence  }
0x2e: {  	s30 =	sld [smem:$0x0];
	_ =	sdelay $0x2  }
0x2f: {  	s31 =	sshll.u32 s3, $0xD;
	s3 =	sshrl.u32 s3, $0x2  }
0x30: {  	s2 =	sand.u32 $0x4000, s31;
	s1 =	sadd.s32 s3, s30  }
0x31: {  	s0 =	sor.u32 s2, s0;
	s1 =	sshll.u32 s1, $0x11  }
0x32: {  	s0 =	sor.u32 s1, s0  }
0x33: {  	s0 =	sadd.s32 $0x8F2B, s0  }
0x34: {  	[sflag:s0] =	ssyncadd.remote.s32 $0x1  }
0x35: {  	_ =	sfence.sel $0xFFFF  }
0x36: {  	[dreg:$0x0] =	wrdreg $0xFFFFFFFF;
	(pc) =	sbr.abs _section_cstart, $3  }
0x37: {  	[dreg:$0x1] =	wrdreg $0xFFFFFFFF  }
0x38: {  	_ =	task.clear_ibuf [dreg:s6], $0x2FFFF;
	_ =	strace $0x9FFFFFFF  }
0x39: {  	(tm) =	ssettm $0x7FFFFFFF  }
tec
execute0_lowered:
.L_overlay_start_1:
0x0: {  	(tag) =	ssettag $0x1  }
0x1: {  	s0 =	srdreg.scid;
	s6 =	rddreg [dreg:$0x0];
	s4 =	simm.s32 $0x1  }
0x2: {  	s7 =	simm.s32 $0x2;
	s14 =	simm.s32 $0x0;
	s1 =	sshll.u32 s0, $0x4  }
0x3: {  	s8 =	simm.s32 $0x40;
	s0 =	stileid.u32;
	s1 =	sand.u32 $0x10, s1  }
0x4: {  	s9 =	simm.s32 $0x62000;
	s10 =	simm.s32 $0x0;
	s2 =	sor.u32 s0, s1  }
.Ltmp0:
0x5: {  	s15 =	simm.s32 $0x0;
	s3 =	ssub.s32 $0x57, s2;
	(pc) =	sbr.rel .LBB1_1-.Ltmp0, $4  }
0x6: {  	s11 =	simm.s32 $0x0;
	s13 =	simm.s32 $0x0;
	s5 =	sshrl.u32 s3, $0x5  }
0x7: {  	s1 =	rddreg [dreg:$0x1];
	_ =	strace $0x80000047;
	s5 =	smul.u32 $0x38, s5  }
0x8: {  	[sflag:s4] =	ssyncpa.u1 $0x0;
	s12 =	smov.u32 s2;
	s3 =	sadd.s32 $0x499C00, s6  }
0x9: {  	s6 =	sadd.s32 $0x1C00, s6;
	[sflag:s7] =	ssyncpa.u1 $0x0;
	s7 =	sor.u32 $0x1, s5  }
.LBB1_4:
0xa: {  	s14 =	sand.u32 $0x1FFFFFF, s14  }
0xb: {  	s18 =	smulhi.u32 $0x4924925, s14;
	_ =	sdelay $0x1  }
0xc: {  	s18 =	smul.u32 $0x38, s18  }
0xd: {  	[tilespmem:v1+s16+$0x10 ss:$0x1] =	vst.idx.msk $0xffff, v2;
	s15 =	smul.u32 $0x380, s15  }
0xe: {  	[tilespmem:v1+s16+$0xFFFFFFE0 ss:$0x1] =	vst.idx.msk $0xffff, v3;
	s14 =	ssub.s32 s14, s18  }
0xf: {  	[tilespmem:v1+s16+$0xFFFFFFF0 ss:$0x1] =	vst.idx.msk $0xffff, v4;
	s15 =	sadd.s32 s6, s15;
	s14 =	sshll.u32 s14, $0x4  }
0x10: {  	[tilespmem:v1+s16+$0x0 ss:$0x1] =	vst.idx.msk $0xffff, v5;
	s14 =	sadd.s32 s14, s15  }
0x11: {  	[hbm4b:s14+s8] =	stream.strided.scatter [tilespmem:s17], [sflag:$0x2], $0x1000, s9, s8, $0x38;
	[tilespmem:$0x4000] =	vst v63  }
.LBB1_5:
0x12: {  	s16 =	sadd.s32 $0x1, s11  }
0x13: {  	s14 =	sadd.s32 $0x20, s12;
	s18 =	smov.u32 s12;
	p1 =	sgt.s32 s16, $0x37  }
0x14: {  	s18 =	smov.u32 @p1 s14  }
0x15: {  	s16 =	simm.s32 @p1 $0x0;
	p1 =	sgt.s32 s18, $0x37  }
0x16: {  	s18 =	smov.u32 @p1 s2;
	p1 =	sne.s32 s13, s7  }
.Ltmp1:
0x17: {  	p0 =	slt.u32 s13, $0x2;
	(pc) =	sbr.rel @!p1 .LBB1_6-.Ltmp1, $4  }
0x18: {  	s17 =	simm.s32 @!p0 $0x2  }
0x19: {  	s15 =	smov.u32 s12;
	s10 =	sadd.s32 $0x1000, s10;
	_ =	swait.ge @!p0 [sflag:s17], $0x1000  }
0x1a: {  	s14 =	smov.u32 s11;
	[sflag:s17] =	ssyncset.done @!p0 $0x0;
	s11 =	smov.u32 s16  }
0x1b: {  	s13 =	sadd.s32 $0x1, s13;
	[sflag:s17] =	ssyncadd.s32 @!p0 $0xFFFFF000;
	s12 =	smov.u32 s18  }
.LBB1_1:
0x1c: {  	p0 =	sge.u32 s13, s5  }
0x1d: {  	s17 =	smul.u32 @!p0 $0xE000, s12  }
0x1e: {  	s31 =	sadd.s32 $0xFFFFFFFF, s13;
	s16 =	sxor.u32 @!p0 $0xFFFFFFFF, s13;
	s18 =	sshll.u32 @!p0 s11, $0xA  }
0x1f: {  	s19 =	simm.s32 @!p0 $0x80;
	s16 =	sshll.u32 @!p0 s16, $0xC;
	s17 =	sadd.s32 @!p0 s3, s17  }
0x20: {  	s16 =	sand.u32 @!p0 $0x1000, s16;
	s17 =	sadd.s32 @!p0 s18, s17;
	s18 =	simm.s32 @!p0 $0x40  }
0x21: {  	[tilespmem:s16], [sflag:$0x1] =	stream.strided.gather @!p0 [hbm4b:s17+s18], $0x1000, s19, s18, $0x38;
	[tilespmem:$0x4000] =	vst v63  }
0x22: {  	p0 =	sge.u32 s31, s5  }
.Ltmp2:
0x23: {  	_ = 	snop;
	(pc) =	sbr.rel @p0 .LBB1_5-.Ltmp2, $1  }
0x24: {  	_ =	sdelay $0x3  }
0x25: {  	s17 =	sand.u32 $0x1000, s10  }
0x26: {  	v0 =	vmov s17;
	_ =	sdelay $0x1  }
0x27: {  	_ =	swait.ge [sflag:s4], $0x1000  }
0x28: {  	[sflag:s4] =	ssyncset.done $0x0  }
0x29: {  	s16 =	simm.s32 $0x0;
	[sflag:s4] =	ssyncadd.s32 $0xFFFFF000  }
0x2a: {  	s19 =	sor.u32 $0x2020, s17;
	v2 =	vld.idx.msk [tilespmem:v0+s16+$0x30 ss:$0x1], $0xffff  }
0x2b: {  	s18 =	sshll.u32 s13, $0xC;
	v1 =	vmov s19;
	v3 =	vld.idx.msk [tilespmem:v0+s16+$0x0 ss:$0x1], $0xffff  }
0x2c: {  	s31 =	sand.u32 $0x1000, s18;
	v4 =	vld.idx.msk [tilespmem:v0+s16+$0x10 ss:$0x1], $0xffff  }
0x2d: {  	s18 =	simm.s32 $0x100;
	s17 =	sor.u32 $0x2000, s31;
	v5 =	vld.idx.msk [tilespmem:v0+s16+$0x20 ss:$0x1], $0xffff  }
.LBB1_3:
0x2e: {  	p0 =	sne.s32 s18, $0x3F00  }
.Ltmp3:
0x2f: {  	s19 =	sshra.s32 s18, $0x2;
	s18 =	sadd.s32 $0x100, s18;
	(pc) =	sbr.rel @p0 .LBB1_3-.Ltmp3, $4  }
0x30: {  	[tilespmem:v1+s16+$0x10 ss:$0x1] =	vst.idx.msk $0xffff, v2;
	v2 =	vld.idx.msk [tilespmem:v0+s19+$0x30 ss:$0x1], $0xffff  }
0x31: {  	[tilespmem:v1+s16+$0xFFFFFFE0 ss:$0x1] =	vst.idx.msk $0xffff, v3;
	v3 =	vld.idx.msk [tilespmem:v0+s19+$0x0 ss:$0x1], $0xffff  }
0x32: {  	[tilespmem:v1+s16+$0xFFFFFFF0 ss:$0x1] =	vst.idx.msk $0xffff, v4;
	v4 =	vld.idx.msk [tilespmem:v0+s19+$0x10 ss:$0x1], $0xffff  }
0x33: {  	[tilespmem:v1+s16+$0x0 ss:$0x1] =	vst.idx.msk $0xffff, v5;
	v5 =	vld.idx.msk [tilespmem:v0+s19+$0x20 ss:$0x1], $0xffff;
	s16 =	smov.u32 s19  }
.Ltmp4:
0x34: {  	_ = 	snop;
	(pc) =	sbr.rel .LBB1_4-.Ltmp4, $1  }
0x35: {  	_ =	sdelay $0x3  }
.LBB1_6:
0x36: {  	_ =	sfence.sel $0x180000  }
0x37: {  	s2 =	simm.s32 $0x1;
	[bflag:$0x0] =	sbarrier.arrive $0xFFFF  }
0x38: {  	s31 =	simm.s32 $0x2;
	[sflag:s2] =	ssyncpa.u1 $0x1  }
0x39: {  	[sflag:s31] =	ssyncpa.u1 $0x1  }
0x3a: {  	p0 =	sne.s32 s0, $0x0;
	_ =	strace $0x90000047  }
0x3b: {  	s0 =	sadd.s32 @!p0 $0x100000, s1;
	[bflag:$0x2] =	sbarrier.arrive $0xFFFF  }
0x3c: {  	[sflag:s0] =	ssyncadd.tile.s32 @!p0 $0x1;
	_ =	shalt  }
.Lfunc_end1:
_tile_overlayer_lowered:
.L_overlay_start_2:
0x3d: {  	(tag) =	ssettag $0x2  }
0x3e: {  	s0 =	rddreg [dreg:$0x0];
	s2 =	stileid.u32  }
0x3f: {  	s1 =	rddreg [dreg:$0x1];
	p0 =	sne.s32 s2, $0x0  }
0x40: {  	s3 =	rddreg [dreg:$0x2];
	[bflag:$0x3] =	sbarrier.arrive $0xFFFF;
	s2 =	simm.s32 @!p0 $0x1C01  }
0x41: {  	[timem:s3], [sflag:s2] =	dma.local @!p0 [hbm:s0], s1  }
0x42: {  	s0 =	simm.s32 @!p0 $0x1  }
0x43: {  	_ =	swait.ge @!p0 [sflag:s0], s1  }
0x44: {  	s1 =	ssub.s32 @!p0 $0x0, s1;
	[sflag:s0] =	ssyncset.done @!p0 $0x0  }
0x45: {  	[sflag:s0] =	ssyncadd.s32 @!p0 s1  }
0x46: {  	[bflag:$0x3] =	sbarrier.arrive $0xFFFF  }
0x47: {  	_ =	shalt  }

// kernel: sparse-core-data-format-call.cloned.1.call-start
scs
called_computation_lowered:
.L_overlay_start_0:
0x0: {  	s2 =	sld [smem:$0x3FD9]  }
0x1: {  	s3 =	sld [smem:$0x3FFE];
	_ =	sdelay $0x1  }
0x2: {  	s1 =	srdreg.scid  }
0x3: {  	s0 =	sand.u32 $0x1, s1  }
0x4: {  	s15 =	sshll.u32 s0, $0xA;
	s2 =	sadd.s32 s3, s2  }
0x5: {  	s2 =	sadd.s32 s2, s15  }
0x6: {  	[smem:$0x3FBA] =	sst s2  }
0x7: {  	_ = 	snop  }
0x8: {  	s2 =	sld [smem:$0x3FD0];
	_ =	sdelay $0x2  }
0x9: {  	s16 =	simm.s32 $0xA;
	s4 =	simm.s32 $0x10  }
0xa: {  	[smem:s4], [sflag:s16] =	dma.local [hbm:s2], $0x1  }
0xb: {  	_ =	swait.eq [sflag:s16], $0x1  }
0xc: {  	[sflag:s16] =	ssyncset.done $0x0  }
0xd: {  	[sflag:s16] =	ssyncadd.s32 $0xFFFFFFFF  }
0xe: {  	s17 =	sld [smem:$0x10];
	(tm) =	ssettm $0x1  }
0xf: {  	s18 =	sld [smem:$0x3FFB];
	_ =	sdelay $0x3  }
0x10: {  	_ =	strace s18  }
0x11: {  	s3 =	sld [smem:$0x3FFC];
	_ =	sdelay $0x3  }
0x12: {  	_ =	strace s3  }
0x13: {  	s3 =	sld [smem:$0x3FFD];
	_ =	sdelay $0x3  }
0x14: {  	_ =	strace s3  }
0x15: {  	_ =	strace $0x8FFFFFFF  }
0x16: {  	s19 =	sld [smem:$0x3FDB];
	_ =	sdelay $0x1  }
0x17: {  	s20 =	simm.s32 $_scs_section_size  }
0x18: {  	s5 =	simm.s32 $_size__tile_overlayer_lowered;
	s6 =	simm.s32 $_tile_overlayer_lowered  }
0x19: {  	s23 =	simm.s32 $0x1BFF;
	s22 =	sshll.u32 s6, $0x1;
	s3 =	sadd.s32 s20, s19  }
0x1a: {  	s7 =	simm.s32 $0x0;
	s21 =	sshll.u32 s5, $0x1;
	s5 =	sadd.s32 s22, s3  }
0x1b: {  	[timem:s7], [sflag:s23] =	dma.local [hbm:s5], s21  }
0x1c: {  	_ =	swait.ge [sflag:s23], s21  }
0x1d: {  	s4 =	ssub.s32 $0x0, s21;
	[sflag:s23] =	ssyncset.done $0x0  }
0x1e: {  	[sflag:s23] =	ssyncadd.s32 s4;
	_ =	sdelay $0x1  }
0x1f: {  	s24 =	simm.s32 $0x1B8B  }
0x20: {  	_ =	swait.ge [sflag:s24], $0x1  }
0x21: {  	[sflag:s24] =	ssyncset.done $0x0  }
0x22: {  	s26 =	simm.s32 $0x1B8E;
	s25 =	sld [smem:$0x3FFE];
	[sflag:s24] =	ssyncadd.s32 $0xFFFFFFFF  }
0x23: {  	s27 =	simm.s32 $execute0_lowered;
	[smem:$0x3FD2] =	sst s26  }
0x24: {  	s5 =	sshll.u32 s27, $0x1;
	_ =	strace $0x80000049;
	[dreg:$0x1] =	wrdreg $0xFFFFFFFF  }
0x25: {  	s28 =	simm.s32 $_size_execute0_lowered;
	s3 =	sadd.s32 s3, s5;
	[dreg:$0x0] =	wrdreg $0x0  }
0x26: {  	s5 =	sshll.u32 s28, $0x1;
	[dreg:$0x2] =	wrdreg s3  }
0x27: {  	[dreg:$0x3] =	wrdreg s5  }
0x28: {  	[dreg:$0x4] =	wrdreg $0xC0  }
0x29: {  	_ =	task [dreg:s7], $0x5FFFF  }
0x2a: {  	[dreg:$0x1] =	wrdreg $0xFFFFFFFF  }
0x2b: {  	[dreg:$0x0] =	wrdreg $0x60  }
0x2c: {  	[dreg:$0x2] =	wrdreg s25  }
0x2d: {  	[dreg:$0x3] =	wrdreg s17  }
0x2e: {  	[dreg:$0x4] =	wrdreg $0x9  }
0x2f: {  	_ =	task.clear_ibuf [dreg:s7], $0x5FFFF;
	_ =	strace $0x90000049  }
0x30: {  	s29 =	simm.s32 $0x9;
	_ =	strace $0x8000004B  }
0x31: {  	_ =	swait.ge [sflag:s29], $0x1  }
0x32: {  	[sflag:s29] =	ssyncadd.s32 $0xFFFFFFFF  }
0x33: {  	_ =	strace $0x9000004B  }
0x34: {  	_ =	sfence  }
0x35: {  	s30 =	sld [smem:$0x0];
	_ =	sdelay $0x2  }
0x36: {  	s31 =	sshll.u32 s1, $0xD;
	s1 =	sshrl.u32 s1, $0x2  }
0x37: {  	s3 =	sand.u32 $0x4000, s31;
	s1 =	sadd.s32 s1, s30  }
0x38: {  	s0 =	sor.u32 s3, s0;
	s1 =	sshll.u32 s1, $0x11  }
0x39: {  	s0 =	sor.u32 s1, s0  }
0x3a: {  	s0 =	sadd.s32 $0x8F2B, s0  }
0x3b: {  	[sflag:s0] =	ssyncadd.remote.s32 $0x1  }
0x3c: {  	_ =	sfence.sel $0xFFFF  }
0x3d: {  	[dreg:$0x0] =	wrdreg $0xFFFFFFFF;
	(pc) =	sbr.abs _section_cstart, $3  }
0x3e: {  	[dreg:$0x1] =	wrdreg $0xFFFFFFFF  }
0x3f: {  	_ =	task.clear_ibuf [dreg:s7], $0x2FFFF;
	_ =	strace $0x9FFFFFFF  }
0x40: {  	(tm) =	ssettm $0x7FFFFFFF  }
0x41: {  	_ =	shalt  }
tec
execute0_lowered:
.L_overlay_start_1:
0x0: {  	(tag) =	ssettag $0x1  }
0x1: {  	s1 =	rddreg [dreg:$0x0]  }
0x2: {  	s2 =	rddreg [dreg:$0x1]  }
0x3: {  	s0 =	rddreg [dreg:$0x2]  }
0x4: {  	s4 =	srdreg.scid;
	_ =	strace $0x8000004A;
	s6 =	simm.s32 $0x2  }
0x5: {  	s12 =	simm.s32 $0x0;
	p0 =	por $0x0, $0x0;
	s11 =	simm.s32 $0x0  }
.Ltmp0:
0x6: {  	s13 =	simm.s32 $0x0;
	s8 =	simm.s32 $0x0;
	(pc) =	sbr.rel .LBB1_1-.Ltmp0, $4  }
0x7: {  	s9 =	simm.s32 $0x0;
	s3 =	sadd.s32 $0x1C00, s1;
	s4 =	sshll.u32 s4, $0x4  }
0x8: {  	s1 =	stileid.u32;
	s5 =	sand.u32 $0x10, s4;
	s4 =	simm.s32 $0x1  }
0x9: {  	s7 =	simm.s32 $0x0;
	s5 =	sor.u32 s1, s5;
	[sflag:s4] =	ssyncpa.u1 $0x0  }
0xa: {  	[sflag:s6] =	ssyncpa.u1 $0x0;
	s6 =	simm.s32 $0x2A000;
	s10 =	smov.u32 s5  }
.LBB1_5:
0xb: {  	s14 =	sadd.s32 $0x1, s8  }
0xc: {  	s11 =	sadd.s32 $0x80, s9;
	s15 =	smov.u32 s9;
	p2 =	sgt.s32 s14, $0x2  }
0xd: {  	s15 =	smov.u32 @p2 s11  }
0xe: {  	s17 =	smov.u32 s10;
	s11 =	sadd.s32 $0x20, s10;
	p3 =	sgt.s32 s15, $0xDF  }
0xf: {  	p1 =	slt.u32 s7, $0x2;
	s17 =	smov.u32 @p3 s11  }
0x10: {  	s7 =	sadd.s32 $0x1, s7;
	s14 =	simm.s32 @p2 $0x0;
	p2 =	sgt.s32 s17, $0xDF  }
0x11: {  	s17 =	smov.u32 @p2 s5;
	p2 =	sne.s32 s7, $0x2C  }
.Ltmp1:
0x12: {  	s16 =	simm.s32 @!p1 $0x2;
	(pc) =	sbr.rel @!p2 .LBB1_6-.Ltmp1, $4  }
0x13: {  	s12 =	smov.u32 s8;
	_ =	swait.ge @!p1 [sflag:s16], $0x2000  }
0x14: {  	s13 =	smov.u32 s10;
	p0 =	por !p0, !p0;
	[sflag:s16] =	ssyncset.done @!p1 $0x0  }
0x15: {  	s8 =	smov.u32 s14;
	s15 =	simm.s32 @p3 $0x0;
	s11 =	smov.u32 s9  }
0x16: {  	[sflag:s16] =	ssyncadd.s32 @!p1 $0xFFFFE000;
	s9 =	smov.u32 s15;
	s10 =	smov.u32 s17  }
.LBB1_1:
0x17: {  	p1 =	sgt.u32 s7, $0x29;
	s14 =	smov.u32 s10  }
0x18: {  	s17 =	smov.u32 s9;
	p2 =	sgt.s32 @!p1 s10, $0xDF;
	s15 =	sxor.u32 @!p1 $0xFFFFFFFF, s7  }
0x19: {  	s16 =	sshra.s32 @!p1 s10, $0x1F;
	s18 =	sshra.s32 @!p1 s9, $0x1F;
	p2 =	por !p2, p1  }
0x1a: {  	s16 =	sand.u32 @!p1 s16, s10;
	s14 =	simm.s32 @p2 $0xDF;
	p2 =	sgt.s32 @!p1 s9, $0x60  }
0x1b: {  	s18 =	sand.u32 @!p1 s18, s9;
	p2 =	por !p2, p1;
	s14 =	ssub.s32 @!p1 s14, s16  }
0x1c: {  	s17 =	simm.s32 @p2 $0x60;
	p2 =	sgt.s32 @!p1 s8, $0x3;
	s14 =	sadd.s32 @!p1 $0xFFFFFF21, s14  }
0x1d: {  	s16 =	ssub.s32 @!p1 s17, s18;
	p2 =	por !p2, p1;
	s18 =	smov.u32 s8  }
0x1e: {  	s17 =	sadd.s32 @!p1 $0xFFFFFFA0, s16;
	s18 =	simm.s32 @p2 $0x3;
	p2 =	sgt.s32 @!p1 s14, $0x0  }
0x1f: {  	s14 =	sshll.u32 @!p1 s14, $0x6;
	p3 =	sgt.s32 @!p1 s17, $0x7F;
	s17 =	sshra.s32 @!p1 s8, $0x1F  }
0x20: {  	s16 =	ssub.s32 @!p1 $0xE0, s16;
	s14 =	ssub.s32 @!p1 $0x40, s14;
	s17 =	sand.u32 @!p1 s17, s8  }
0x21: {  	p2 =	por !p2, p1;
	p3 =	por !p3, p1;
	s17 =	ssub.s32 @!p1 s18, s17  }
0x22: {  	s14 =	simm.s32 @!p2 $0x0;
	s16 =	simm.s32 @!p3 $0x0;
	s18 =	sadd.s32 @!p1 $0xFFFFFFFD, s17  }
0x23: {  	s15 =	sshll.u32 @!p1 s15, $0xD;
	s14 =	smul.u32 @!p1 s16, s14;
	p3 =	sgt.s32 @!p1 s18, $0x0  }
0x24: {  	s17 =	ssub.s32 @!p1 $0x4, s17;
	s16 =	smul.u32 @!p1 $0x3800, s10;
	p2 =	por !p3, p1  }
0x25: {  	s15 =	sand.u32 @!p1 $0x2000, s15;
	s18 =	sshll.u32 @!p1 s8, $0x4;
	s17 =	simm.s32 @!p2 $0x0  }
0x26: {  	s16 =	sadd.s32 @!p1 s3, s16;
	s14 =	smul.u32 @!p1 s17, s14;
	s17 =	sshll.u32 @!p1 s9, $0x6  }
0x27: {  	s18 =	sand.u32 @!p1 $0x30, s18;
	s16 =	sadd.s32 @!p1 s17, s16;
	s17 =	simm.s32 @!p1 $0x40  }
0x28: {  	s14 =	sand.u32 @!p1 $0x3FFFFFC0, s14;
	s16 =	sadd.s32 @!p1 s18, s16;
	s18 =	simm.s32 @!p1 $0x200  }
0x29: {  	[tilespmem:s15], [sflag:$0x1] =	stream.strided.gather @!p1 [hbm4b:s16+s17], s14, s18, s17, $0x38;
	[tilespmem:$0x8080] =	vst v63  }
0x2a: {  	p1 =	seq.s32 s7, $0x0  }
0x2b: {  	p2 =	seq.s32 @!p1 s7, $0x2B  }
0x2c: {  	p1 =	por p1, p2  }
.Ltmp2:
0x2d: {  	_ = 	snop;
	(pc) =	sbr.rel @p1 .LBB1_5-.Ltmp2, $1  }
0x2e: {  	_ =	sdelay $0x3  }
0x2f: {  	p1 =	sgt.s32 s13, $0xDF  }
0x30: {  	s14 =	smov.u32 s13;
	s15 =	sshra.s32 s13, $0x1F;
	s16 =	sshra.s32 s11, $0x1F  }
0x31: {  	p2 =	sgt.s32 s12, $0x3;
	s14 =	simm.s32 @!p1 $0xDF;
	s15 =	sand.u32 s15, s13  }
0x32: {  	s18 =	sshra.s32 s12, $0x1F;
	p1 =	sgt.s32 s11, $0x60;
	s14 =	ssub.s32 s14, s15  }
0x33: {  	s16 =	sand.u32 s16, s11;
	s15 =	smov.u32 s11;
	s14 =	sadd.s32 $0xFFFFFF21, s14  }
0x34: {  	s26 =	sand.u32 s18, s12;
	s15 =	simm.s32 @!p1 $0x60;
	p1 =	sgt.s32 s14, $0x0  }
0x35: {  	s15 =	ssub.s32 s15, s16;
	s16 =	smov.u32 s12;
	s14 =	sshll.u32 s14, $0x6  }
0x36: {  	s17 =	sadd.s32 $0xFFFFFFA0, s15;
	s16 =	simm.s32 @!p2 $0x3;
	s15 =	ssub.s32 $0xE0, s15  }
0x37: {  	s14 =	ssub.s32 $0x40, s14;
	p2 =	sgt.s32 s17, $0x7F;
	s16 =	ssub.s32 s16, s26  }
0x38: {  	s14 =	simm.s32 @p1 $0x0;
	s15 =	simm.s32 @p2 $0x0;
	s17 =	sadd.s32 $0xFFFFFFFD, s16  }
0x39: {  	s16 =	ssub.s32 $0x4, s16;
	p1 =	sgt.s32 s17, $0x0;
	s14 =	smul.u32 s15, s14  }
0x3a: {  	s16 =	simm.s32 @p1 $0x0  }
0x3b: {  	s14 =	smul.u32 s16, s14;
	_ =	sdelay $0x1  }
0x3c: {  	s15 =	simm.s32 $0x1;
	s14 =	sand.u32 $0x3FFFFFC0, s14  }
0x3d: {  	s15 =	simm.s32 @!p0 $0x0;
	_ =	swait.ge [sflag:s4], s14  }
0x3e: {  	s27 =	sshll.u32 s15, $0xD;
	s14 =	ssub.s32 $0x0, s14;
	[sflag:s4] =	ssyncset.done $0x0  }
0x3f: {  	s28 =	sor.u32 $0x20, s27;
	[sflag:s4] =	ssyncadd.s32 s14  }
0x40: {  	s29 =	smul.u32 $0x8100, s15;
	v3 =	vld [tilespmem:s28+$0x10]  }
0x41: {  	s30 =	sand.u32 $0x1, s7;
	v2 =	vld [tilespmem:s28+$0xFFFFFFF0]  }
0x42: {  	s15 =	smul.u32 $0x8100, s30;
	s14 =	sshrl.u32 s29, $0x2;
	v0 =	vld [tilespmem:s28+$0x0]  }
0x43: {  	s16 =	sor.u32 $0x4000, s14;
	v1 =	vld [tilespmem:s28+$0xFFFFFFE0]  }
0x44: {  	s31 =	sshrl.u32 s15, $0x2;
	s15 =	sadd.s32 $0x0, s16  }
0x45: {  	s17 =	simm.s32 $0x4;
	s18 =	sadd.s32 $0x40, s28;
	s14 =	sor.u32 $0x4000, s31;
	[tilespmem:s15+$0x1830 ss:$0x81] =	vst.msk $0xffff, v3  }
.LBB1_3:
0x46: {  	v3 =	vld [tilespmem:s18+$0x10];
	p1 =	sne.s32 s17, $0x1FC;
	[tilespmem:s15+$0x810 ss:$0x81] =	vst.msk $0xffff, v2;
	s19 =	smov.u32 s17;
	s17 =	sadd.s32 $0x4, s17  }
.Ltmp3:
0x47: {  	v2 =	vld [tilespmem:s18+$0xFFFFFFF0];
	[tilespmem:s15+$0x1020 ss:$0x81] =	vst.msk $0xffff, v0;
	(pc) =	sbr.rel @p1 .LBB1_3-.Ltmp3, $4  }
0x48: {  	v0 =	vld [tilespmem:s18+$0x0];
	[tilespmem:s15+$0x0 ss:$0x81] =	vst.msk $0xffff, v1  }
0x49: {  	s15 =	sshra.s32 s19, $0x2;
	v1 =	vld [tilespmem:s18+$0xFFFFFFE0]  }
0x4a: {  	s15 =	sadd.s32 s15, s16  }
0x4b: {  	s18 =	sadd.s32 $0x40, s18;
	[tilespmem:s15+$0x1830 ss:$0x81] =	vst.msk $0xffff, v3  }
0x4c: {  	s16 =	sshll.u32 s13, $0x8;
	s17 =	sshll.u32 s11, $0x3  }
0x4d: {  	s28 =	sshll.u32 s13, $0x7;
	s16 =	sand.u32 $0xFFFFF800, s16;
	s17 =	sand.u32 $0xFFFFFC00, s17  }
0x4e: {  	s29 =	sand.u32 $0x300, s28;
	s16 =	sadd.s32 s16, s17  }
0x4f: {  	s16 =	sor.u32 s29, s16  }
0x50: {  	s16 =	sshrl.u32 s16, $0x8  }
0x51: {  	s30 =	smulhi.u32 $0x124924A, s16  }
0x52: {  	s12 =	smul.u32 $0x1C00, s12  }
0x53: {  	s18 =	sand.u32 $0x78, s11;
	s13 =	sand.u32 $0x80, s28;
	s17 =	smul.u32 $0xE0, s30  }
.Ltmp4:
0x54: {  	s31 =	sand.u32 $0x7, s11;
	s13 =	sor.u32 s18, s13;
	(pc) =	sbr.rel .LBB1_5-.Ltmp4, $4  }
0x55: {  	[tilespmem:s15+$0x810 ss:$0x81] =	vst.msk $0xffff, v2;
	s12 =	sadd.s32 s2, s12;
	s13 =	sshrl.u32 s13, $0x3;
	s16 =	ssub.s32 s16, s17  }
0x56: {  	[tilespmem:s15+$0x1020 ss:$0x81] =	vst.msk $0xffff, v0;
	s11 =	sshll.u32 s31, $0x12;
	s12 =	sadd.s32 s13, s12;
	s16 =	sshll.u32 s16, $0x5  }
0x57: {  	[tilespmem:s15+$0x0 ss:$0x81] =	vst.msk $0xffff, v1;
	s11 =	sor.u32 $0x80, s11;
	s12 =	sadd.s32 s16, s12  }
0x58: {  	[hbm4b:s12+s11] =	stream.strided.scatter [tilespmem:s14], [sflag:$0x2], $0x2000, s6, s11, $0x20;
	[tilespmem:$0x8080] =	vst v63  }
.LBB1_6:
0x59: {  	_ =	sfence.sel $0x180000  }
0x5a: {  	s2 =	simm.s32 $0x1;
	[bflag:$0x0] =	sbarrier.arrive $0xFFFF  }
0x5b: {  	s31 =	simm.s32 $0x2;
	[sflag:s2] =	ssyncpa.u1 $0x1  }
0x5c: {  	[sflag:s31] =	ssyncpa.u1 $0x1  }
0x5d: {  	p0 =	sne.s32 s1, $0x0;
	_ =	strace $0x9000004A  }
0x5e: {  	s0 =	sadd.s32 @!p0 $0x100000, s0;
	[bflag:$0x2] =	sbarrier.arrive $0xFFFF  }
0x5f: {  	[sflag:s0] =	ssyncadd.tile.s32 @!p0 $0x1;
	_ =	shalt  }
.Lfunc_end1:
_tile_overlayer_lowered:
.L_overlay_start_2:
0x60: {  	(tag) =	ssettag $0x2  }
0x61: {  	s0 =	rddreg [dreg:$0x0];
	s2 =	stileid.u32  }
0x62: {  	s1 =	rddreg [dreg:$0x1];
	p0 =	sne.s32 s2, $0x0  }
0x63: {  	s3 =	rddreg [dreg:$0x2];
	[bflag:$0x3] =	sbarrier.arrive $0xFFFF;
	s2 =	simm.s32 @!p0 $0x1C01  }
0x64: {  	[timem:s3], [sflag:s2] =	dma.local @!p0 [hbm:s0], s1  }
0x65: {  	s0 =	simm.s32 @!p0 $0x1  }
0x66: {  	_ =	swait.ge @!p0 [sflag:s0], s1  }
0x67: {  	s1 =	ssub.s32 @!p0 $0x0, s1;
	[sflag:s0] =	ssyncset.done @!p0 $0x0  }
0x68: {  	[sflag:s0] =	ssyncadd.s32 @!p0 s1  }
0x69: {  	[bflag:$0x3] =	sbarrier.arrive $0xFFFF  }
0x6a: {  	_ =	shalt  }

</sc_bundles>
